<compile_context>
chip_gen: v7x
topology: tpu7x:2x2x1
jax: 0.10.2.dev20260603
libtpu: 0.0.44.dev20260713+nightly
codegen_flags: <defaults>
</compile_context>

<pallas_src>
import functools

import jax
import jax.numpy as jnp
from jax import lax
from jax.experimental import pallas as pl
from jax.experimental.pallas import tpu as pltpu
from jax.experimental.pallas import tpu_sc as plsc

N_CAT = 26
VOCAB = 100000
D_MODEL = 32
BATCH = 16384

_NC = 2
_NS = 16
_NW = _NC * _NS

_QB = BATCH // 4
_LANES = 16


@functools.partial(
    pl.kernel,
    out_type=jax.ShapeDtypeStruct((N_CAT, D_MODEL, BATCH), jnp.float32),
    mesh=plsc.VectorSubcoreMesh(core_axis_name="c", subcore_axis_name="s"),
    compiler_params=pltpu.CompilerParams(needs_layout_passes=False),
    scratch_types=[
        pltpu.VMEM((VOCAB,), jnp.float32),
        pltpu.VMEM((2, _QB), jnp.int32),
        pltpu.VMEM((2, _QB), jnp.float32),
        pltpu.SemaphoreType.DMA,
        pltpu.SemaphoreType.DMA,
        pltpu.SemaphoreType.DMA,
    ],
)
def _gather_kernel(x_hbm, tab_hbm, out_hbm, row_v, idx_v, out_v, rsem, isem, osem):
    d = lax.axis_index("s") * _NC + lax.axis_index("c")
    _UNROLL = 32

    def _gather_chunk(b):
        def _g(j, _):
            for u in range(_UNROLL):
                s = pl.ds((j * _UNROLL + u) * _LANES, _LANES)
                out_v[b, s] = plsc.load_gather(row_v, [idx_v[b, s]])
            return 0

        lax.fori_loop(0, _QB // (_LANES * _UNROLL), _g, 0)

    def _per_cat(c, _):
        r0 = pltpu.async_copy(tab_hbm.at[c, d, :], row_v, rsem)
        i_prev = pltpu.async_copy(x_hbm.at[c, pl.ds(0, _QB)], idx_v.at[0], isem)
        i_prev.wait()
        r0.wait()
        outs = {}
        for q in range(4):
            b = q % 2
            if q < 3:
                i_next = pltpu.async_copy(
                    x_hbm.at[c, pl.ds((q + 1) * _QB, _QB)],
                    idx_v.at[(q + 1) % 2], isem)
            if q >= 2:
                outs[q - 2].wait()
            _gather_chunk(b)
            outs[q] = pltpu.async_copy(
                out_v.at[b], out_hbm.at[c, d, pl.ds(q * _QB, _QB)], osem)
            if q < 3:
                i_next.wait()
        outs[2].wait()
        outs[3].wait()
        return 0

    lax.fori_loop(0, N_CAT, _per_cat, 0)


def kernel(x, tables):
    x_t = x.T.astype(jnp.int32)
    tab_t = jnp.transpose(tables, (0, 2, 1))
    out_t = _gather_kernel(x_t, tab_t)
    return jnp.transpose(out_t, (2, 0, 1))

# --- scband reference (transcript-rebuilt; emitter-appended) ---
"""Pipeline reference for scband-categorical-tokenizer-18683107737843 (READ-ONLY COPY).

The authoritative reference and input builder live on the scoring server;
editing this copy changes nothing except your own understanding.
"""

import jax, jax.numpy as jnp
import numpy as np

N_CAT = 26
VOCAB = 100000
D_MODEL = 32
BATCH = 16384


def setup_inputs(seed: int = 0) -> dict:
    key = jax.random.key(seed)
    k_idx, k_tab = jax.random.split(key)
    x = jax.random.randint(k_idx, (BATCH, N_CAT), 0, VOCAB, dtype=jnp.int64 if jax.config.jax_enable_x64 else jnp.int32)
    # All 26 categorical features share cardinality VOCAB, so the 26 embedding
    # tables are materialized as a single stacked parameter [N_CAT, VOCAB, D_MODEL].
    tables = jax.random.normal(k_tab, (N_CAT, VOCAB, D_MODEL), dtype=jnp.float32) * 0.02
    return {"x": x, "tables": tables}


def reference(x, tables):
    # Faithful translation of CategoricalTokenizer.forward:
    #   tokens = [emb_i(x[:, i]) for i in range(n_cat)]; stack(dim=1)
    tokens = [jnp.take(tables[i], x[:, i], axis=0) for i in range(N_CAT)]
    return jnp.stack(tokens, axis=1)  # (batch, n_cat, d_model)

if __name__ == "__main__":
    import jax
    _d = setup_inputs()
    print(jax.jit(kernel)(*tuple(_d.values())))

</pallas_src>

<mosaic_0001>
#map = affine_map<(d0, d1) -> (0, 0)>
#map1 = affine_map<(d0, d1) -> (0, 0, 0)>
module attributes {stable_mosaic.version = 14 : i64} {
  func.func @_gather_kernel(%arg0: i32, %arg1: i32, %arg2: memref<26x16384xi32, #tpu.memory_space<hbm>>, %arg3: memref<26x32x100000xf32, #tpu.memory_space<hbm>>, %arg4: memref<26x32x16384xf32, #tpu.memory_space<hbm>>, %arg5: memref<100000xf32, #tpu.memory_space<vmem>>, %arg6: memref<2x4096xi32, #tpu.memory_space<vmem>>, %arg7: memref<2x4096xf32, #tpu.memory_space<vmem>>, %arg8: memref<!tpu.dma_semaphore, #tpu.memory_space<semaphore_mem>>, %arg9: memref<!tpu.dma_semaphore, #tpu.memory_space<semaphore_mem>>, %arg10: memref<!tpu.dma_semaphore, #tpu.memory_space<semaphore_mem>>) attributes {dimension_semantics = [#tpu.dimension_semantics<core_parallel>, #tpu.dimension_semantics<subcore_parallel>], iteration_bounds = array<i64: 2, 16>, scalar_prefetch = 0 : i64, scratch_operands = 6 : i64, tpu.core_type = #tpu.core_type<sc_vector_subcore>, window_params = [{transform_indices = #map}, {transform_indices = #map1}, {transform_indices = #map1}]} {
    %mul3A = arith.constant 2 : i32
    %mul3A_0 = arith.muli %arg1, %mul3A : i32
    %add3A = arith.addi %mul3A_0, %arg0 : i32
    %scan3A = arith.constant 0 : i32
    %scan3A_1 = arith.constant 0 : i32
    %scan3A_2 = arith.constant 26 : i32
    %scan3A_3 = arith.addi %scan3A_1, %scan3A_2 : i32
    %scan3A_4 = arith.constant 1 : i32
    %scan3A_5 = scf.for %scan3A_7 = %scan3A_1 to %scan3A_3 step %scan3A_4 iter_args(%scan3A_8 = %scan3A) -> (i32)  : i32 {
      %dma_start3A = arith.constant 0 : i32
      %dma_start3A_9 = tpu.memref_slice %arg3[%scan3A_7, %add3A, %dma_start3A] : memref<26x32x100000xf32, #tpu.memory_space<hbm>> -> memref<1x1x100000xf32, #tpu.memory_space<hbm>>
      %dma_start3A_10 = tpu.memref_squeeze %dma_start3A_9 : memref<1x1x100000xf32, #tpu.memory_space<hbm>> -> memref<100000xf32, #tpu.memory_space<hbm>>
      %dma_start3A_11 = arith.constant 0 : i32
      %dma_start3A_12 = tpu.memref_slice %arg3[%scan3A_7, %add3A, %dma_start3A_11] : memref<26x32x100000xf32, #tpu.memory_space<hbm>> -> memref<1x1x100000xf32, #tpu.memory_space<hbm>>
      %dma_start3A_13 = tpu.memref_squeeze %dma_start3A_12 : memref<1x1x100000xf32, #tpu.memory_space<hbm>> -> memref<100000xf32, #tpu.memory_space<hbm>>
      tpu.enqueue_dma source(%dma_start3A_13 : memref<100000xf32, #tpu.memory_space<hbm>>) target(%arg5 : memref<100000xf32, #tpu.memory_space<vmem>>) target_semaphore(%arg8 : memref<!tpu.dma_semaphore, #tpu.memory_space<semaphore_mem>>)
      %dma_start3A_14 = arith.constant 0 : i32
      %dma_start3A_15 = arith.constant 0 : i32
      %dma_start3A_16 = tpu.memref_slice %arg6[%dma_start3A_14, %dma_start3A_15] : memref<2x4096xi32, #tpu.memory_space<vmem>> -> memref<1x4096xi32, #tpu.memory_space<vmem>>
      %dma_start3A_17 = tpu.memref_squeeze %dma_start3A_16 : memref<1x4096xi32, #tpu.memory_space<vmem>> -> memref<4096xi32, #tpu.memory_space<vmem>>
      %dma_start3A_18 = arith.constant 0 : i32
      %dma_start3A_19 = tpu.memref_slice %arg2[%scan3A_7, %dma_start3A_18] : memref<26x16384xi32, #tpu.memory_space<hbm>> -> memref<1x4096xi32, #tpu.memory_space<hbm>>
      %dma_start3A_20 = tpu.memref_squeeze %dma_start3A_19 : memref<1x4096xi32, #tpu.memory_space<hbm>> -> memref<4096xi32, #tpu.memory_space<hbm>>
      %dma_start3A_21 = arith.constant 0 : i32
      %dma_start3A_22 = tpu.memref_slice %arg6[%dma_start3A_14, %dma_start3A_21] : memref<2x4096xi32, #tpu.memory_space<vmem>> -> memref<1x4096xi32, #tpu.memory_space<vmem>>
      %dma_start3A_23 = tpu.memref_squeeze %dma_start3A_22 : memref<1x4096xi32, #tpu.memory_space<vmem>> -> memref<4096xi32, #tpu.memory_space<vmem>>
      %dma_start3A_24 = arith.constant 0 : i32
      %dma_start3A_25 = tpu.memref_slice %arg2[%scan3A_7, %dma_start3A_24] : memref<26x16384xi32, #tpu.memory_space<hbm>> -> memref<1x4096xi32, #tpu.memory_space<hbm>>
      %dma_start3A_26 = tpu.memref_squeeze %dma_start3A_25 : memref<1x4096xi32, #tpu.memory_space<hbm>> -> memref<4096xi32, #tpu.memory_space<hbm>>
      tpu.enqueue_dma source(%dma_start3A_26 : memref<4096xi32, #tpu.memory_space<hbm>>) target(%dma_start3A_23 : memref<4096xi32, #tpu.memory_space<vmem>>) target_semaphore(%arg9 : memref<!tpu.dma_semaphore, #tpu.memory_space<semaphore_mem>>)
      %dma_wait3A = arith.constant 0 : i32
      %dma_wait3A_27 = arith.constant 0 : i32
      %dma_wait3A_28 = tpu.memref_slice %arg6[%dma_wait3A, %dma_wait3A_27] : memref<2x4096xi32, #tpu.memory_space<vmem>> -> memref<1x4096xi32, #tpu.memory_space<vmem>>
      %dma_wait3A_29 = tpu.memref_squeeze %dma_wait3A_28 : memref<1x4096xi32, #tpu.memory_space<vmem>> -> memref<4096xi32, #tpu.memory_space<vmem>>
      %dma_wait3A_30 = arith.constant 0 : i32
      %dma_wait3A_31 = tpu.memref_slice %arg2[%scan3A_7, %dma_wait3A_30] : memref<26x16384xi32, #tpu.memory_space<hbm>> -> memref<1x4096xi32, #tpu.memory_space<hbm>>
      %dma_wait3A_32 = tpu.memref_squeeze %dma_wait3A_31 : memref<1x4096xi32, #tpu.memory_space<hbm>> -> memref<4096xi32, #tpu.memory_space<hbm>>
      %dma_wait3A_33 = arith.constant 0 : i32
      %dma_wait3A_34 = tpu.memref_slice %arg6[%dma_wait3A, %dma_wait3A_33] : memref<2x4096xi32, #tpu.memory_space<vmem>> -> memref<1x4096xi32, #tpu.memory_space<vmem>>
      %dma_wait3A_35 = tpu.memref_squeeze %dma_wait3A_34 : memref<1x4096xi32, #tpu.memory_space<vmem>> -> memref<4096xi32, #tpu.memory_space<vmem>>
      %dma_wait3A_36 = arith.constant 0 : i32
      %dma_wait3A_37 = tpu.memref_slice %arg2[%scan3A_7, %dma_wait3A_36] : memref<26x16384xi32, #tpu.memory_space<hbm>> -> memref<1x4096xi32, #tpu.memory_space<hbm>>
      %dma_wait3A_38 = tpu.memref_squeeze %dma_wait3A_37 : memref<1x4096xi32, #tpu.memory_space<hbm>> -> memref<4096xi32, #tpu.memory_space<hbm>>
      tpu.wait_dma2 semaphore(%arg9 : memref<!tpu.dma_semaphore, #tpu.memory_space<semaphore_mem>>) src(%dma_wait3A_38 : memref<4096xi32, #tpu.memory_space<hbm>>) dst(%dma_wait3A_35 : memref<4096xi32, #tpu.memory_space<vmem>>)
      %dma_wait3A_39 = arith.constant 0 : i32
      %dma_wait3A_40 = tpu.memref_slice %arg3[%scan3A_7, %add3A, %dma_wait3A_39] : memref<26x32x100000xf32, #tpu.memory_space<hbm>> -> memref<1x1x100000xf32, #tpu.memory_space<hbm>>
      %dma_wait3A_41 = tpu.memref_squeeze %dma_wait3A_40 : memref<1x1x100000xf32, #tpu.memory_space<hbm>> -> memref<100000xf32, #tpu.memory_space<hbm>>
      %dma_wait3A_42 = arith.constant 0 : i32
      %dma_wait3A_43 = tpu.memref_slice %arg3[%scan3A_7, %add3A, %dma_wait3A_42] : memref<26x32x100000xf32, #tpu.memory_space<hbm>> -> memref<1x1x100000xf32, #tpu.memory_space<hbm>>
      %dma_wait3A_44 = tpu.memref_squeeze %dma_wait3A_43 : memref<1x1x100000xf32, #tpu.memory_space<hbm>> -> memref<100000xf32, #tpu.memory_space<hbm>>
      tpu.wait_dma2 semaphore(%arg8 : memref<!tpu.dma_semaphore, #tpu.memory_space<semaphore_mem>>) src(%dma_wait3A_44 : memref<100000xf32, #tpu.memory_space<hbm>>) dst(%arg5 : memref<100000xf32, #tpu.memory_space<vmem>>)
      %dma_start3A_45 = arith.constant 1 : i32
      %dma_start3A_46 = arith.constant 0 : i32
      %dma_start3A_47 = tpu.memref_slice %arg6[%dma_start3A_45, %dma_start3A_46] : memref<2x4096xi32, #tpu.memory_space<vmem>> -> memref<1x4096xi32, #tpu.memory_space<vmem>>
      %dma_start3A_48 = tpu.memref_squeeze %dma_start3A_47 : memref<1x4096xi32, #tpu.memory_space<vmem>> -> memref<4096xi32, #tpu.memory_space<vmem>>
      %dma_start3A_49 = arith.constant 4096 : i32
      %dma_start3A_50 = tpu.memref_slice %arg2[%scan3A_7, %dma_start3A_49] : memref<26x16384xi32, #tpu.memory_space<hbm>> -> memref<1x4096xi32, #tpu.memory_space<hbm>>
      %dma_start3A_51 = tpu.memref_squeeze %dma_start3A_50 : memref<1x4096xi32, #tpu.memory_space<hbm>> -> memref<4096xi32, #tpu.memory_space<hbm>>
      %dma_start3A_52 = arith.constant 0 : i32
      %dma_start3A_53 = tpu.memref_slice %arg6[%dma_start3A_45, %dma_start3A_52] : memref<2x4096xi32, #tpu.memory_space<vmem>> -> memref<1x4096xi32, #tpu.memory_space<vmem>>
      %dma_start3A_54 = tpu.memref_squeeze %dma_start3A_53 : memref<1x4096xi32, #tpu.memory_space<vmem>> -> memref<4096xi32, #tpu.memory_space<vmem>>
      %dma_start3A_55 = arith.constant 4096 : i32
      %dma_start3A_56 = tpu.memref_slice %arg2[%scan3A_7, %dma_start3A_55] : memref<26x16384xi32, #tpu.memory_space<hbm>> -> memref<1x4096xi32, #tpu.memory_space<hbm>>
      %dma_start3A_57 = tpu.memref_squeeze %dma_start3A_56 : memref<1x4096xi32, #tpu.memory_space<hbm>> -> memref<4096xi32, #tpu.memory_space<hbm>>
      tpu.enqueue_dma source(%dma_start3A_57 : memref<4096xi32, #tpu.memory_space<hbm>>) target(%dma_start3A_54 : memref<4096xi32, #tpu.memory_space<vmem>>) target_semaphore(%arg9 : memref<!tpu.dma_semaphore, #tpu.memory_space<semaphore_mem>>)
      %scan3A_58 = arith.constant 0 : i32
      %scan3A_59 = arith.constant 0 : i32
      %scan3A_60 = arith.constant 8 : i32
      %scan3A_61 = arith.addi %scan3A_59, %scan3A_60 : i32
      %scan3A_62 = arith.constant 1 : i32
      %scan3A_63 = scf.for %scan3A_256 = %scan3A_59 to %scan3A_61 step %scan3A_62 iter_args(%scan3A_257 = %scan3A_58) -> (i32)  : i32 {
        %mul3A_258 = arith.constant 32 : i32
        %mul3A_259 = arith.muli %scan3A_256, %mul3A_258 : i32
        %add3A_260 = arith.constant 0 : i32
        %add3A_261 = arith.addi %mul3A_259, %add3A_260 : i32
        %mul3A_262 = arith.constant 16 : i32
        %mul3A_263 = arith.muli %add3A_261, %mul3A_262 : i32
        %get3A = arith.constant 0 : i32
        %get3A_264 = arith.index_cast %get3A : i32 to index
        %get3A_265 = arith.index_cast %mul3A_263 : i32 to index
        %get3A_266 = tpu.vector_load %arg6[%get3A_264, %get3A_265] {strides = array<i32>} : memref<2x4096xi32, #tpu.memory_space<vmem>>, vector<16xi32>,
        %gather3A = tpu.vector_load_idx %arg5[%get3A_266] : memref<100000xf32, #tpu.memory_space<vmem>>[vector<16xi32>], vector<16xf32>,
        %swap3A = arith.constant 0 : i32
        %swap3A_267 = arith.index_cast %swap3A : i32 to index
        %swap3A_268 = arith.index_cast %mul3A_263 : i32 to index
        %swap3A_269 = tpu.vector_load %arg7[%swap3A_267, %swap3A_268] {strides = array<i32>} : memref<2x4096xf32, #tpu.memory_space<vmem>>, vector<16xf32>,
        tpu.vector_store %arg7[%swap3A_267, %swap3A_268], %gather3A {strides = array<i32>} : memref<2x4096xf32, #tpu.memory_space<vmem>>, vector<16xf32>,
        %mul3A_270 = arith.constant 32 : i32
        %mul3A_271 = arith.muli %scan3A_256, %mul3A_270 : i32
        %add3A_272 = arith.constant 1 : i32
        %add3A_273 = arith.addi %mul3A_271, %add3A_272 : i32
        %mul3A_274 = arith.constant 16 : i32
        %mul3A_275 = arith.muli %add3A_273, %mul3A_274 : i32
        %get3A_276 = arith.constant 0 : i32
        %get3A_277 = arith.index_cast %get3A_276 : i32 to index
        %get3A_278 = arith.index_cast %mul3A_275 : i32 to index
        %get3A_279 = tpu.vector_load %arg6[%get3A_277, %get3A_278] {strides = array<i32>} : memref<2x4096xi32, #tpu.memory_space<vmem>>, vector<16xi32>,
        %gather3A_280 = tpu.vector_load_idx %arg5[%get3A_279] : memref<100000xf32, #tpu.memory_space<vmem>>[vector<16xi32>], vector<16xf32>,
        %swap3A_281 = arith.constant 0 : i32
        %swap3A_282 = arith.index_cast %swap3A_281 : i32 to index
        %swap3A_283 = arith.index_cast %mul3A_275 : i32 to index
        %swap3A_284 = tpu.vector_load %arg7[%swap3A_282, %swap3A_283] {strides = array<i32>} : memref<2x4096xf32, #tpu.memory_space<vmem>>, vector<16xf32>,
        tpu.vector_store %arg7[%swap3A_282, %swap3A_283], %gather3A_280 {strides = array<i32>} : memref<2x4096xf32, #tpu.memory_space<vmem>>, vector<16xf32>,
        %mul3A_285 = arith.constant 32 : i32
        %mul3A_286 = arith.muli %scan3A_256, %mul3A_285 : i32
        %add3A_287 = arith.constant 2 : i32
        %add3A_288 = arith.addi %mul3A_286, %add3A_287 : i32
        %mul3A_289 = arith.constant 16 : i32
        %mul3A_290 = arith.muli %add3A_288, %mul3A_289 : i32
        %get3A_291 = arith.constant 0 : i32
        %get3A_292 = arith.index_cast %get3A_291 : i32 to index
        %get3A_293 = arith.index_cast %mul3A_290 : i32 to index
        %get3A_294 = tpu.vector_load %arg6[%get3A_292, %get3A_293] {strides = array<i32>} : memref<2x4096xi32, #tpu.memory_space<vmem>>, vector<16xi32>,
        %gather3A_295 = tpu.vector_load_idx %arg5[%get3A_294] : memref<100000xf32, #tpu.memory_space<vmem>>[vector<16xi32>], vector<16xf32>,
        %swap3A_296 = arith.constant 0 : i32
        %swap3A_297 = arith.index_cast %swap3A_296 : i32 to index
        %swap3A_298 = arith.index_cast %mul3A_290 : i32 to index
        %swap3A_299 = tpu.vector_load %arg7[%swap3A_297, %swap3A_298] {strides = array<i32>} : memref<2x4096xf32, #tpu.memory_space<vmem>>, vector<16xf32>,
        tpu.vector_store %arg7[%swap3A_297, %swap3A_298], %gather3A_295 {strides = array<i32>} : memref<2x4096xf32, #tpu.memory_space<vmem>>, vector<16xf32>,
        %mul3A_300 = arith.constant 32 : i32
        %mul3A_301 = arith.muli %scan3A_256, %mul3A_300 : i32
        %add3A_302 = arith.constant 3 : i32
        %add3A_303 = arith.addi %mul3A_301, %add3A_302 : i32
        %mul3A_304 = arith.constant 16 : i32
        %mul3A_305 = arith.muli %add3A_303, %mul3A_304 : i32
        %get3A_306 = arith.constant 0 : i32
        %get3A_307 = arith.index_cast %get3A_306 : i32 to index
        %get3A_308 = arith.index_cast %mul3A_305 : i32 to index
        %get3A_309 = tpu.vector_load %arg6[%get3A_307, %get3A_308] {strides = array<i32>} : memref<2x4096xi32, #tpu.memory_space<vmem>>, vector<16xi32>,
        %gather3A_310 = tpu.vector_load_idx %arg5[%get3A_309] : memref<100000xf32, #tpu.memory_space<vmem>>[vector<16xi32>], vector<16xf32>,
        %swap3A_311 = arith.constant 0 : i32
        %swap3A_312 = arith.index_cast %swap3A_311 : i32 to index
        %swap3A_313 = arith.index_cast %mul3A_305 : i32 to index
        %swap3A_314 = tpu.vector_load %arg7[%swap3A_312, %swap3A_313] {strides = array<i32>} : memref<2x4096xf32, #tpu.memory_space<vmem>>, vector<16xf32>,
        tpu.vector_store %arg7[%swap3A_312, %swap3A_313], %gather3A_310 {strides = array<i32>} : memref<2x4096xf32, #tpu.memory_space<vmem>>, vector<16xf32>,
        %mul3A_315 = arith.constant 32 : i32
        %mul3A_316 = arith.muli %scan3A_256, %mul3A_315 : i32
        %add3A_317 = arith.constant 4 : i32
        %add3A_318 = arith.addi %mul3A_316, %add3A_317 : i32
        %mul3A_319 = arith.constant 16 : i32
        %mul3A_320 = arith.muli %add3A_318, %mul3A_319 : i32
        %get3A_321 = arith.constant 0 : i32
        %get3A_322 = arith.index_cast %get3A_321 : i32 to index
        %get3A_323 = arith.index_cast %mul3A_320 : i32 to index
        %get3A_324 = tpu.vector_load %arg6[%get3A_322, %get3A_323] {strides = array<i32>} : memref<2x4096xi32, #tpu.memory_space<vmem>>, vector<16xi32>,
        %gather3A_325 = tpu.vector_load_idx %arg5[%get3A_324] : memref<100000xf32, #tpu.memory_space<vmem>>[vector<16xi32>], vector<16xf32>,
        %swap3A_326 = arith.constant 0 : i32
        %swap3A_327 = arith.index_cast %swap3A_326 : i32 to index
        %swap3A_328 = arith.index_cast %mul3A_320 : i32 to index
        %swap3A_329 = tpu.vector_load %arg7[%swap3A_327, %swap3A_328] {strides = array<i32>} : memref<2x4096xf32, #tpu.memory_space<vmem>>, vector<16xf32>,
        tpu.vector_store %arg7[%swap3A_327, %swap3A_328], %gather3A_325 {strides = array<i32>} : memref<2x4096xf32, #tpu.memory_space<vmem>>, vector<16xf32>,
        %mul3A_330 = arith.constant 32 : i32
        %mul3A_331 = arith.muli %scan3A_256, %mul3A_330 : i32
        %add3A_332 = arith.constant 5 : i32
        %add3A_333 = arith.addi %mul3A_331, %add3A_332 : i32
        %mul3A_334 = arith.constant 16 : i32
        %mul3A_335 = arith.muli %add3A_333, %mul3A_334 : i32
        %get3A_336 = arith.constant 0 : i32
        %get3A_337 = arith.index_cast %get3A_336 : i32 to index
        %get3A_338 = arith.index_cast %mul3A_335 : i32 to index
        %get3A_339 = tpu.vector_load %arg6[%get3A_337, %get3A_338] {strides = array<i32>} : memref<2x4096xi32, #tpu.memory_space<vmem>>, vector<16xi32>,
        %gather3A_340 = tpu.vector_load_idx %arg5[%get3A_339] : memref<100000xf32, #tpu.memory_space<vmem>>[vector<16xi32>], vector<16xf32>,
        %swap3A_341 = arith.constant 0 : i32
        %swap3A_342 = arith.index_cast %swap3A_341 : i32 to index
        %swap3A_343 = arith.index_cast %mul3A_335 : i32 to index
        %swap3A_344 = tpu.vector_load %arg7[%swap3A_342, %swap3A_343] {strides = array<i32>} : memref<2x4096xf32, #tpu.memory_space<vmem>>, vector<16xf32>,
        tpu.vector_store %arg7[%swap3A_342, %swap3A_343], %gather3A_340 {strides = array<i32>} : memref<2x4096xf32, #tpu.memory_space<vmem>>, vector<16xf32>,
        %mul3A_345 = arith.constant 32 : i32
        %mul3A_346 = arith.muli %scan3A_256, %mul3A_345 : i32
        %add3A_347 = arith.constant 6 : i32
        %add3A_348 = arith.addi %mul3A_346, %add3A_347 : i32
        %mul3A_349 = arith.constant 16 : i32
        %mul3A_350 = arith.muli %add3A_348, %mul3A_349 : i32
        %get3A_351 = arith.constant 0 : i32
        %get3A_352 = arith.index_cast %get3A_351 : i32 to index
        %get3A_353 = arith.index_cast %mul3A_350 : i32 to index
        %get3A_354 = tpu.vector_load %arg6[%get3A_352, %get3A_353] {strides = array<i32>} : memref<2x4096xi32, #tpu.memory_space<vmem>>, vector<16xi32>,
        %gather3A_355 = tpu.vector_load_idx %arg5[%get3A_354] : memref<100000xf32, #tpu.memory_space<vmem>>[vector<16xi32>], vector<16xf32>,
        %swap3A_356 = arith.constant 0 : i32
        %swap3A_357 = arith.index_cast %swap3A_356 : i32 to index
        %swap3A_358 = arith.index_cast %mul3A_350 : i32 to index
        %swap3A_359 = tpu.vector_load %arg7[%swap3A_357, %swap3A_358] {strides = array<i32>} : memref<2x4096xf32, #tpu.memory_space<vmem>>, vector<16xf32>,
        tpu.vector_store %arg7[%swap3A_357, %swap3A_358], %gather3A_355 {strides = array<i32>} : memref<2x4096xf32, #tpu.memory_space<vmem>>, vector<16xf32>,
        %mul3A_360 = arith.constant 32 : i32
        %mul3A_361 = arith.muli %scan3A_256, %mul3A_360 : i32
        %add3A_362 = arith.constant 7 : i32
        %add3A_363 = arith.addi %mul3A_361, %add3A_362 : i32
        %mul3A_364 = arith.constant 16 : i32
        %mul3A_365 = arith.muli %add3A_363, %mul3A_364 : i32
        %get3A_366 = arith.constant 0 : i32
        %get3A_367 = arith.index_cast %get3A_366 : i32 to index
        %get3A_368 = arith.index_cast %mul3A_365 : i32 to index
        %get3A_369 = tpu.vector_load %arg6[%get3A_367, %get3A_368] {strides = array<i32>} : memref<2x4096xi32, #tpu.memory_space<vmem>>, vector<16xi32>,
        %gather3A_370 = tpu.vector_load_idx %arg5[%get3A_369] : memref<100000xf32, #tpu.memory_space<vmem>>[vector<16xi32>], vector<16xf32>,
        %swap3A_371 = arith.constant 0 : i32
        %swap3A_372 = arith.index_cast %swap3A_371 : i32 to index
        %swap3A_373 = arith.index_cast %mul3A_365 : i32 to index
        %swap3A_374 = tpu.vector_load %arg7[%swap3A_372, %swap3A_373] {strides = array<i32>} : memref<2x4096xf32, #tpu.memory_space<vmem>>, vector<16xf32>,
        tpu.vector_store %arg7[%swap3A_372, %swap3A_373], %gather3A_370 {strides = array<i32>} : memref<2x4096xf32, #tpu.memory_space<vmem>>, vector<16xf32>,
        %mul3A_375 = arith.constant 32 : i32
        %mul3A_376 = arith.muli %scan3A_256, %mul3A_375 : i32
        %add3A_377 = arith.constant 8 : i32
        %add3A_378 = arith.addi %mul3A_376, %add3A_377 : i32
        %mul3A_379 = arith.constant 16 : i32
        %mul3A_380 = arith.muli %add3A_378, %mul3A_379 : i32
        %get3A_381 = arith.constant 0 : i32
        %get3A_382 = arith.index_cast %get3A_381 : i32 to index
        %get3A_383 = arith.index_cast %mul3A_380 : i32 to index
        %get3A_384 = tpu.vector_load %arg6[%get3A_382, %get3A_383] {strides = array<i32>} : memref<2x4096xi32, #tpu.memory_space<vmem>>, vector<16xi32>,
        %gather3A_385 = tpu.vector_load_idx %arg5[%get3A_384] : memref<100000xf32, #tpu.memory_space<vmem>>[vector<16xi32>], vector<16xf32>,
        %swap3A_386 = arith.constant 0 : i32
        %swap3A_387 = arith.index_cast %swap3A_386 : i32 to index
        %swap3A_388 = arith.index_cast %mul3A_380 : i32 to index
        %swap3A_389 = tpu.vector_load %arg7[%swap3A_387, %swap3A_388] {strides = array<i32>} : memref<2x4096xf32, #tpu.memory_space<vmem>>, vector<16xf32>,
        tpu.vector_store %arg7[%swap3A_387, %swap3A_388], %gather3A_385 {strides = array<i32>} : memref<2x4096xf32, #tpu.memory_space<vmem>>, vector<16xf32>,
        %mul3A_390 = arith.constant 32 : i32
        %mul3A_391 = arith.muli %scan3A_256, %mul3A_390 : i32
        %add3A_392 = arith.constant 9 : i32
        %add3A_393 = arith.addi %mul3A_391, %add3A_392 : i32
        %mul3A_394 = arith.constant 16 : i32
        %mul3A_395 = arith.muli %add3A_393, %mul3A_394 : i32
        %get3A_396 = arith.constant 0 : i32
        %get3A_397 = arith.index_cast %get3A_396 : i32 to index
        %get3A_398 = arith.index_cast %mul3A_395 : i32 to index
        %get3A_399 = tpu.vector_load %arg6[%get3A_397, %get3A_398] {strides = array<i32>} : memref<2x4096xi32, #tpu.memory_space<vmem>>, vector<16xi32>,
        %gather3A_400 = tpu.vector_load_idx %arg5[%get3A_399] : memref<100000xf32, #tpu.memory_space<vmem>>[vector<16xi32>], vector<16xf32>,
        %swap3A_401 = arith.constant 0 : i32
        %swap3A_402 = arith.index_cast %swap3A_401 : i32 to index
        %swap3A_403 = arith.index_cast %mul3A_395 : i32 to index
        %swap3A_404 = tpu.vector_load %arg7[%swap3A_402, %swap3A_403] {strides = array<i32>} : memref<2x4096xf32, #tpu.memory_space<vmem>>, vector<16xf32>,
        tpu.vector_store %arg7[%swap3A_402, %swap3A_403], %gather3A_400 {strides = array<i32>} : memref<2x4096xf32, #tpu.memory_space<vmem>>, vector<16xf32>,
        %mul3A_405 = arith.constant 32 : i32
        %mul3A_406 = arith.muli %scan3A_256, %mul3A_405 : i32
        %add3A_407 = arith.constant 10 : i32
        %add3A_408 = arith.addi %mul3A_406, %add3A_407 : i32
        %mul3A_409 = arith.constant 16 : i32
        %mul3A_410 = arith.muli %add3A_408, %mul3A_409 : i32
        %get3A_411 = arith.constant 0 : i32
        %get3A_412 = arith.index_cast %get3A_411 : i32 to index
        %get3A_413 = arith.index_cast %mul3A_410 : i32 to index
        %get3A_414 = tpu.vector_load %arg6[%get3A_412, %get3A_413] {strides = array<i32>} : memref<2x4096xi32, #tpu.memory_space<vmem>>, vector<16xi32>,
        %gather3A_415 = tpu.vector_load_idx %arg5[%get3A_414] : memref<100000xf32, #tpu.memory_space<vmem>>[vector<16xi32>], vector<16xf32>,
        %swap3A_416 = arith.constant 0 : i32
        %swap3A_417 = arith.index_cast %swap3A_416 : i32 to index
        %swap3A_418 = arith.index_cast %mul3A_410 : i32 to index
        %swap3A_419 = tpu.vector_load %arg7[%swap3A_417, %swap3A_418] {strides = array<i32>} : memref<2x4096xf32, #tpu.memory_space<vmem>>, vector<16xf32>,
        tpu.vector_store %arg7[%swap3A_417, %swap3A_418], %gather3A_415 {strides = array<i32>} : memref<2x4096xf32, #tpu.memory_space<vmem>>, vector<16xf32>,
        %mul3A_420 = arith.constant 32 : i32
        %mul3A_421 = arith.muli %scan3A_256, %mul3A_420 : i32
        %add3A_422 = arith.constant 11 : i32
        %add3A_423 = arith.addi %mul3A_421, %add3A_422 : i32
        %mul3A_424 = arith.constant 16 : i32
        %mul3A_425 = arith.muli %add3A_423, %mul3A_424 : i32
        %get3A_426 = arith.constant 0 : i32
        %get3A_427 = arith.index_cast %get3A_426 : i32 to index
        %get3A_428 = arith.index_cast %mul3A_425 : i32 to index
        %get3A_429 = tpu.vector_load %arg6[%get3A_427, %get3A_428] {strides = array<i32>} : memref<2x4096xi32, #tpu.memory_space<vmem>>, vector<16xi32>,
        %gather3A_430 = tpu.vector_load_idx %arg5[%get3A_429] : memref<100000xf32, #tpu.memory_space<vmem>>[vector<16xi32>], vector<16xf32>,
        %swap3A_431 = arith.constant 0 : i32
        %swap3A_432 = arith.index_cast %swap3A_431 : i32 to index
        %swap3A_433 = arith.index_cast %mul3A_425 : i32 to index
        %swap3A_434 = tpu.vector_load %arg7[%swap3A_432, %swap3A_433] {strides = array<i32>} : memref<2x4096xf32, #tpu.memory_space<vmem>>, vector<16xf32>,
        tpu.vector_store %arg7[%swap3A_432, %swap3A_433], %gather3A_430 {strides = array<i32>} : memref<2x4096xf32, #tpu.memory_space<vmem>>, vector<16xf32>,
        %mul3A_435 = arith.constant 32 : i32
        %mul3A_436 = arith.muli %scan3A_256, %mul3A_435 : i32
        %add3A_437 = arith.constant 12 : i32
        %add3A_438 = arith.addi %mul3A_436, %add3A_437 : i32
        %mul3A_439 = arith.constant 16 : i32
        %mul3A_440 = arith.muli %add3A_438, %mul3A_439 : i32
        %get3A_441 = arith.constant 0 : i32
        %get3A_442 = arith.index_cast %get3A_441 : i32 to index
        %get3A_443 = arith.index_cast %mul3A_440 : i32 to index
        %get3A_444 = tpu.vector_load %arg6[%get3A_442, %get3A_443] {strides = array<i32>} : memref<2x4096xi32, #tpu.memory_space<vmem>>, vector<16xi32>,
        %gather3A_445 = tpu.vector_load_idx %arg5[%get3A_444] : memref<100000xf32, #tpu.memory_space<vmem>>[vector<16xi32>], vector<16xf32>,
        %swap3A_446 = arith.constant 0 : i32
        %swap3A_447 = arith.index_cast %swap3A_446 : i32 to index
        %swap3A_448 = arith.index_cast %mul3A_440 : i32 to index
        %swap3A_449 = tpu.vector_load %arg7[%swap3A_447, %swap3A_448] {strides = array<i32>} : memref<2x4096xf32, #tpu.memory_space<vmem>>, vector<16xf32>,
        tpu.vector_store %arg7[%swap3A_447, %swap3A_448], %gather3A_445 {strides = array<i32>} : memref<2x4096xf32, #tpu.memory_space<vmem>>, vector<16xf32>,
        %mul3A_450 = arith.constant 32 : i32
        %mul3A_451 = arith.muli %scan3A_256, %mul3A_450 : i32
        %add3A_452 = arith.constant 13 : i32
        %add3A_453 = arith.addi %mul3A_451, %add3A_452 : i32
        %mul3A_454 = arith.constant 16 : i32
        %mul3A_455 = arith.muli %add3A_453, %mul3A_454 : i32
        %get3A_456 = arith.constant 0 : i32
        %get3A_457 = arith.index_cast %get3A_456 : i32 to index
        %get3A_458 = arith.index_cast %mul3A_455 : i32 to index
        %get3A_459 = tpu.vector_load %arg6[%get3A_457, %get3A_458] {strides = array<i32>} : memref<2x4096xi32, #tpu.memory_space<vmem>>, vector<16xi32>,
        %gather3A_460 = tpu.vector_load_idx %arg5[%get3A_459] : memref<100000xf32, #tpu.memory_space<vmem>>[vector<16xi32>], vector<16xf32>,
        %swap3A_461 = arith.constant 0 : i32
        %swap3A_462 = arith.index_cast %swap3A_461 : i32 to index
        %swap3A_463 = arith.index_cast %mul3A_455 : i32 to index
        %swap3A_464 = tpu.vector_load %arg7[%swap3A_462, %swap3A_463] {strides = array<i32>} : memref<2x4096xf32, #tpu.memory_space<vmem>>, vector<16xf32>,
        tpu.vector_store %arg7[%swap3A_462, %swap3A_463], %gather3A_460 {strides = array<i32>} : memref<2x4096xf32, #tpu.memory_space<vmem>>, vector<16xf32>,
        %mul3A_465 = arith.constant 32 : i32
        %mul3A_466 = arith.muli %scan3A_256, %mul3A_465 : i32
        %add3A_467 = arith.constant 14 : i32
        %add3A_468 = arith.addi %mul3A_466, %add3A_467 : i32
        %mul3A_469 = arith.constant 16 : i32
        %mul3A_470 = arith.muli %add3A_468, %mul3A_469 : i32
        %get3A_471 = arith.constant 0 : i32
        %get3A_472 = arith.index_cast %get3A_471 : i32 to index
        %get3A_473 = arith.index_cast %mul3A_470 : i32 to index
        %get3A_474 = tpu.vector_load %arg6[%get3A_472, %get3A_473] {strides = array<i32>} : memref<2x4096xi32, #tpu.memory_space<vmem>>, vector<16xi32>,
        %gather3A_475 = tpu.vector_load_idx %arg5[%get3A_474] : memref<100000xf32, #tpu.memory_space<vmem>>[vector<16xi32>], vector<16xf32>,
        %swap3A_476 = arith.constant 0 : i32
        %swap3A_477 = arith.index_cast %swap3A_476 : i32 to index
        %swap3A_478 = arith.index_cast %mul3A_470 : i32 to index
        %swap3A_479 = tpu.vector_load %arg7[%swap3A_477, %swap3A_478] {strides = array<i32>} : memref<2x4096xf32, #tpu.memory_space<vmem>>, vector<16xf32>,
        tpu.vector_store %arg7[%swap3A_477, %swap3A_478], %gather3A_475 {strides = array<i32>} : memref<2x4096xf32, #tpu.memory_space<vmem>>, vector<16xf32>,
        %mul3A_480 = arith.constant 32 : i32
        %mul3A_481 = arith.muli %scan3A_256, %mul3A_480 : i32
        %add3A_482 = arith.constant 15 : i32
        %add3A_483 = arith.addi %mul3A_481, %add3A_482 : i32
        %mul3A_484 = arith.constant 16 : i32
        %mul3A_485 = arith.muli %add3A_483, %mul3A_484 : i32
        %get3A_486 = arith.constant 0 : i32
        %get3A_487 = arith.index_cast %get3A_486 : i32 to index
        %get3A_488 = arith.index_cast %mul3A_485 : i32 to index
        %get3A_489 = tpu.vector_load %arg6[%get3A_487, %get3A_488] {strides = array<i32>} : memref<2x4096xi32, #tpu.memory_space<vmem>>, vector<16xi32>,
        %gather3A_490 = tpu.vector_load_idx %arg5[%get3A_489] : memref<100000xf32, #tpu.memory_space<vmem>>[vector<16xi32>], vector<16xf32>,
        %swap3A_491 = arith.constant 0 : i32
        %swap3A_492 = arith.index_cast %swap3A_491 : i32 to index
        %swap3A_493 = arith.index_cast %mul3A_485 : i32 to index
        %swap3A_494 = tpu.vector_load %arg7[%swap3A_492, %swap3A_493] {strides = array<i32>} : memref<2x4096xf32, #tpu.memory_space<vmem>>, vector<16xf32>,
        tpu.vector_store %arg7[%swap3A_492, %swap3A_493], %gather3A_490 {strides = array<i32>} : memref<2x4096xf32, #tpu.memory_space<vmem>>, vector<16xf32>,
        %mul3A_495 = arith.constant 32 : i32
        %mul3A_496 = arith.muli %scan3A_256, %mul3A_495 : i32
        %add3A_497 = arith.constant 16 : i32
        %add3A_498 = arith.addi %mul3A_496, %add3A_497 : i32
        %mul3A_499 = arith.constant 16 : i32
        %mul3A_500 = arith.muli %add3A_498, %mul3A_499 : i32
        %get3A_501 = arith.constant 0 : i32
        %get3A_502 = arith.index_cast %get3A_501 : i32 to index
        %get3A_503 = arith.index_cast %mul3A_500 : i32 to index
        %get3A_504 = tpu.vector_load %arg6[%get3A_502, %get3A_503] {strides = array<i32>} : memref<2x4096xi32, #tpu.memory_space<vmem>>, vector<16xi32>,
        %gather3A_505 = tpu.vector_load_idx %arg5[%get3A_504] : memref<100000xf32, #tpu.memory_space<vmem>>[vector<16xi32>], vector<16xf32>,
        %swap3A_506 = arith.constant 0 : i32
        %swap3A_507 = arith.index_cast %swap3A_506 : i32 to index
        %swap3A_508 = arith.index_cast %mul3A_500 : i32 to index
        %swap3A_509 = tpu.vector_load %arg7[%swap3A_507, %swap3A_508] {strides = array<i32>} : memref<2x4096xf32, #tpu.memory_space<vmem>>, vector<16xf32>,
        tpu.vector_store %arg7[%swap3A_507, %swap3A_508], %gather3A_505 {strides = array<i32>} : memref<2x4096xf32, #tpu.memory_space<vmem>>, vector<16xf32>,
        %mul3A_510 = arith.constant 32 : i32
        %mul3A_511 = arith.muli %scan3A_256, %mul3A_510 : i32
        %add3A_512 = arith.constant 17 : i32
        %add3A_513 = arith.addi %mul3A_511, %add3A_512 : i32
        %mul3A_514 = arith.constant 16 : i32
        %mul3A_515 = arith.muli %add3A_513, %mul3A_514 : i32
        %get3A_516 = arith.constant 0 : i32
        %get3A_517 = arith.index_cast %get3A_516 : i32 to index
        %get3A_518 = arith.index_cast %mul3A_515 : i32 to index
        %get3A_519 = tpu.vector_load %arg6[%get3A_517, %get3A_518] {strides = array<i32>} : memref<2x4096xi32, #tpu.memory_space<vmem>>, vector<16xi32>,
        %gather3A_520 = tpu.vector_load_idx %arg5[%get3A_519] : memref<100000xf32, #tpu.memory_space<vmem>>[vector<16xi32>], vector<16xf32>,
        %swap3A_521 = arith.constant 0 : i32
        %swap3A_522 = arith.index_cast %swap3A_521 : i32 to index
        %swap3A_523 = arith.index_cast %mul3A_515 : i32 to index
        %swap3A_524 = tpu.vector_load %arg7[%swap3A_522, %swap3A_523] {strides = array<i32>} : memref<2x4096xf32, #tpu.memory_space<vmem>>, vector<16xf32>,
        tpu.vector_store %arg7[%swap3A_522, %swap3A_523], %gather3A_520 {strides = array<i32>} : memref<2x4096xf32, #tpu.memory_space<vmem>>, vector<16xf32>,
        %mul3A_525 = arith.constant 32 : i32
        %mul3A_526 = arith.muli %scan3A_256, %mul3A_525 : i32
        %add3A_527 = arith.constant 18 : i32
        %add3A_528 = arith.addi %mul3A_526, %add3A_527 : i32
        %mul3A_529 = arith.constant 16 : i32
        %mul3A_530 = arith.muli %add3A_528, %mul3A_529 : i32
        %get3A_531 = arith.constant 0 : i32
        %get3A_532 = arith.index_cast %get3A_531 : i32 to index
        %get3A_533 = arith.index_cast %mul3A_530 : i32 to index
        %get3A_534 = tpu.vector_load %arg6[%get3A_532, %get3A_533] {strides = array<i32>} : memref<2x4096xi32, #tpu.memory_space<vmem>>, vector<16xi32>,
        %gather3A_535 = tpu.vector_load_idx %arg5[%get3A_534] : memref<100000xf32, #tpu.memory_space<vmem>>[vector<16xi32>], vector<16xf32>,
        %swap3A_536 = arith.constant 0 : i32
        %swap3A_537 = arith.index_cast %swap3A_536 : i32 to index
        %swap3A_538 = arith.index_cast %mul3A_530 : i32 to index
        %swap3A_539 = tpu.vector_load %arg7[%swap3A_537, %swap3A_538] {strides = array<i32>} : memref<2x4096xf32, #tpu.memory_space<vmem>>, vector<16xf32>,
        tpu.vector_store %arg7[%swap3A_537, %swap3A_538], %gather3A_535 {strides = array<i32>} : memref<2x4096xf32, #tpu.memory_space<vmem>>, vector<16xf32>,
        %mul3A_540 = arith.constant 32 : i32
        %mul3A_541 = arith.muli %scan3A_256, %mul3A_540 : i32
        %add3A_542 = arith.constant 19 : i32
        %add3A_543 = arith.addi %mul3A_541, %add3A_542 : i32
        %mul3A_544 = arith.constant 16 : i32
        %mul3A_545 = arith.muli %add3A_543, %mul3A_544 : i32
        %get3A_546 = arith.constant 0 : i32
        %get3A_547 = arith.index_cast %get3A_546 : i32 to index
        %get3A_548 = arith.index_cast %mul3A_545 : i32 to index
        %get3A_549 = tpu.vector_load %arg6[%get3A_547, %get3A_548] {strides = array<i32>} : memref<2x4096xi32, #tpu.memory_space<vmem>>, vector<16xi32>,
        %gather3A_550 = tpu.vector_load_idx %arg5[%get3A_549] : memref<100000xf32, #tpu.memory_space<vmem>>[vector<16xi32>], vector<16xf32>,
        %swap3A_551 = arith.constant 0 : i32
        %swap3A_552 = arith.index_cast %swap3A_551 : i32 to index
        %swap3A_553 = arith.index_cast %mul3A_545 : i32 to index
        %swap3A_554 = tpu.vector_load %arg7[%swap3A_552, %swap3A_553] {strides = array<i32>} : memref<2x4096xf32, #tpu.memory_space<vmem>>, vector<16xf32>,
        tpu.vector_store %arg7[%swap3A_552, %swap3A_553], %gather3A_550 {strides = array<i32>} : memref<2x4096xf32, #tpu.memory_space<vmem>>, vector<16xf32>,
        %mul3A_555 = arith.constant 32 : i32
        %mul3A_556 = arith.muli %scan3A_256, %mul3A_555 : i32
        %add3A_557 = arith.constant 20 : i32
        %add3A_558 = arith.addi %mul3A_556, %add3A_557 : i32
        %mul3A_559 = arith.constant 16 : i32
        %mul3A_560 = arith.muli %add3A_558, %mul3A_559 : i32
        %get3A_561 = arith.constant 0 : i32
        %get3A_562 = arith.index_cast %get3A_561 : i32 to index
        %get3A_563 = arith.index_cast %mul3A_560 : i32 to index
        %get3A_564 = tpu.vector_load %arg6[%get3A_562, %get3A_563] {strides = array<i32>} : memref<2x4096xi32, #tpu.memory_space<vmem>>, vector<16xi32>,
        %gather3A_565 = tpu.vector_load_idx %arg5[%get3A_564] : memref<100000xf32, #tpu.memory_space<vmem>>[vector<16xi32>], vector<16xf32>,
        %swap3A_566 = arith.constant 0 : i32
        %swap3A_567 = arith.index_cast %swap3A_566 : i32 to index
        %swap3A_568 = arith.index_cast %mul3A_560 : i32 to index
        %swap3A_569 = tpu.vector_load %arg7[%swap3A_567, %swap3A_568] {strides = array<i32>} : memref<2x4096xf32, #tpu.memory_space<vmem>>, vector<16xf32>,
        tpu.vector_store %arg7[%swap3A_567, %swap3A_568], %gather3A_565 {strides = array<i32>} : memref<2x4096xf32, #tpu.memory_space<vmem>>, vector<16xf32>,
        %mul3A_570 = arith.constant 32 : i32
        %mul3A_571 = arith.muli %scan3A_256, %mul3A_570 : i32
        %add3A_572 = arith.constant 21 : i32
        %add3A_573 = arith.addi %mul3A_571, %add3A_572 : i32
        %mul3A_574 = arith.constant 16 : i32
        %mul3A_575 = arith.muli %add3A_573, %mul3A_574 : i32
        %get3A_576 = arith.constant 0 : i32
        %get3A_577 = arith.index_cast %get3A_576 : i32 to index
        %get3A_578 = arith.index_cast %mul3A_575 : i32 to index
        %get3A_579 = tpu.vector_load %arg6[%get3A_577, %get3A_578] {strides = array<i32>} : memref<2x4096xi32, #tpu.memory_space<vmem>>, vector<16xi32>,
        %gather3A_580 = tpu.vector_load_idx %arg5[%get3A_579] : memref<100000xf32, #tpu.memory_space<vmem>>[vector<16xi32>], vector<16xf32>,
        %swap3A_581 = arith.constant 0 : i32
        %swap3A_582 = arith.index_cast %swap3A_581 : i32 to index
        %swap3A_583 = arith.index_cast %mul3A_575 : i32 to index
        %swap3A_584 = tpu.vector_load %arg7[%swap3A_582, %swap3A_583] {strides = array<i32>} : memref<2x4096xf32, #tpu.memory_space<vmem>>, vector<16xf32>,
        tpu.vector_store %arg7[%swap3A_582, %swap3A_583], %gather3A_580 {strides = array<i32>} : memref<2x4096xf32, #tpu.memory_space<vmem>>, vector<16xf32>,
        %mul3A_585 = arith.constant 32 : i32
        %mul3A_586 = arith.muli %scan3A_256, %mul3A_585 : i32
        %add3A_587 = arith.constant 22 : i32
        %add3A_588 = arith.addi %mul3A_586, %add3A_587 : i32
        %mul3A_589 = arith.constant 16 : i32
        %mul3A_590 = arith.muli %add3A_588, %mul3A_589 : i32
        %get3A_591 = arith.constant 0 : i32
        %get3A_592 = arith.index_cast %get3A_591 : i32 to index
        %get3A_593 = arith.index_cast %mul3A_590 : i32 to index
        %get3A_594 = tpu.vector_load %arg6[%get3A_592, %get3A_593] {strides = array<i32>} : memref<2x4096xi32, #tpu.memory_space<vmem>>, vector<16xi32>,
        %gather3A_595 = tpu.vector_load_idx %arg5[%get3A_594] : memref<100000xf32, #tpu.memory_space<vmem>>[vector<16xi32>], vector<16xf32>,
        %swap3A_596 = arith.constant 0 : i32
        %swap3A_597 = arith.index_cast %swap3A_596 : i32 to index
        %swap3A_598 = arith.index_cast %mul3A_590 : i32 to index
        %swap3A_599 = tpu.vector_load %arg7[%swap3A_597, %swap3A_598] {strides = array<i32>} : memref<2x4096xf32, #tpu.memory_space<vmem>>, vector<16xf32>,
        tpu.vector_store %arg7[%swap3A_597, %swap3A_598], %gather3A_595 {strides = array<i32>} : memref<2x4096xf32, #tpu.memory_space<vmem>>, vector<16xf32>,
        %mul3A_600 = arith.constant 32 : i32
        %mul3A_601 = arith.muli %scan3A_256, %mul3A_600 : i32
        %add3A_602 = arith.constant 23 : i32
        %add3A_603 = arith.addi %mul3A_601, %add3A_602 : i32
        %mul3A_604 = arith.constant 16 : i32
        %mul3A_605 = arith.muli %add3A_603, %mul3A_604 : i32
        %get3A_606 = arith.constant 0 : i32
        %get3A_607 = arith.index_cast %get3A_606 : i32 to index
        %get3A_608 = arith.index_cast %mul3A_605 : i32 to index
        %get3A_609 = tpu.vector_load %arg6[%get3A_607, %get3A_608] {strides = array<i32>} : memref<2x4096xi32, #tpu.memory_space<vmem>>, vector<16xi32>,
        %gather3A_610 = tpu.vector_load_idx %arg5[%get3A_609] : memref<100000xf32, #tpu.memory_space<vmem>>[vector<16xi32>], vector<16xf32>,
        %swap3A_611 = arith.constant 0 : i32
        %swap3A_612 = arith.index_cast %swap3A_611 : i32 to index
        %swap3A_613 = arith.index_cast %mul3A_605 : i32 to index
        %swap3A_614 = tpu.vector_load %arg7[%swap3A_612, %swap3A_613] {strides = array<i32>} : memref<2x4096xf32, #tpu.memory_space<vmem>>, vector<16xf32>,
        tpu.vector_store %arg7[%swap3A_612, %swap3A_613], %gather3A_610 {strides = array<i32>} : memref<2x4096xf32, #tpu.memory_space<vmem>>, vector<16xf32>,
        %mul3A_615 = arith.constant 32 : i32
        %mul3A_616 = arith.muli %scan3A_256, %mul3A_615 : i32
        %add3A_617 = arith.constant 24 : i32
        %add3A_618 = arith.addi %mul3A_616, %add3A_617 : i32
        %mul3A_619 = arith.constant 16 : i32
        %mul3A_620 = arith.muli %add3A_618, %mul3A_619 : i32
        %get3A_621 = arith.constant 0 : i32
        %get3A_622 = arith.index_cast %get3A_621 : i32 to index
        %get3A_623 = arith.index_cast %mul3A_620 : i32 to index
        %get3A_624 = tpu.vector_load %arg6[%get3A_622, %get3A_623] {strides = array<i32>} : memref<2x4096xi32, #tpu.memory_space<vmem>>, vector<16xi32>,
        %gather3A_625 = tpu.vector_load_idx %arg5[%get3A_624] : memref<100000xf32, #tpu.memory_space<vmem>>[vector<16xi32>], vector<16xf32>,
        %swap3A_626 = arith.constant 0 : i32
        %swap3A_627 = arith.index_cast %swap3A_626 : i32 to index
        %swap3A_628 = arith.index_cast %mul3A_620 : i32 to index
        %swap3A_629 = tpu.vector_load %arg7[%swap3A_627, %swap3A_628] {strides = array<i32>} : memref<2x4096xf32, #tpu.memory_space<vmem>>, vector<16xf32>,
        tpu.vector_store %arg7[%swap3A_627, %swap3A_628], %gather3A_625 {strides = array<i32>} : memref<2x4096xf32, #tpu.memory_space<vmem>>, vector<16xf32>,
        %mul3A_630 = arith.constant 32 : i32
        %mul3A_631 = arith.muli %scan3A_256, %mul3A_630 : i32
        %add3A_632 = arith.constant 25 : i32
        %add3A_633 = arith.addi %mul3A_631, %add3A_632 : i32
        %mul3A_634 = arith.constant 16 : i32
        %mul3A_635 = arith.muli %add3A_633, %mul3A_634 : i32
        %get3A_636 = arith.constant 0 : i32
        %get3A_637 = arith.index_cast %get3A_636 : i32 to index
        %get3A_638 = arith.index_cast %mul3A_635 : i32 to index
        %get3A_639 = tpu.vector_load %arg6[%get3A_637, %get3A_638] {strides = array<i32>} : memref<2x4096xi32, #tpu.memory_space<vmem>>, vector<16xi32>,
        %gather3A_640 = tpu.vector_load_idx %arg5[%get3A_639] : memref<100000xf32, #tpu.memory_space<vmem>>[vector<16xi32>], vector<16xf32>,
        %swap3A_641 = arith.constant 0 : i32
        %swap3A_642 = arith.index_cast %swap3A_641 : i32 to index
        %swap3A_643 = arith.index_cast %mul3A_635 : i32 to index
        %swap3A_644 = tpu.vector_load %arg7[%swap3A_642, %swap3A_643] {strides = array<i32>} : memref<2x4096xf32, #tpu.memory_space<vmem>>, vector<16xf32>,
        tpu.vector_store %arg7[%swap3A_642, %swap3A_643], %gather3A_640 {strides = array<i32>} : memref<2x4096xf32, #tpu.memory_space<vmem>>, vector<16xf32>,
        %mul3A_645 = arith.constant 32 : i32
        %mul3A_646 = arith.muli %scan3A_256, %mul3A_645 : i32
        %add3A_647 = arith.constant 26 : i32
        %add3A_648 = arith.addi %mul3A_646, %add3A_647 : i32
        %mul3A_649 = arith.constant 16 : i32
        %mul3A_650 = arith.muli %add3A_648, %mul3A_649 : i32
        %get3A_651 = arith.constant 0 : i32
        %get3A_652 = arith.index_cast %get3A_651 : i32 to index
        %get3A_653 = arith.index_cast %mul3A_650 : i32 to index
        %get3A_654 = tpu.vector_load %arg6[%get3A_652, %get3A_653] {strides = array<i32>} : memref<2x4096xi32, #tpu.memory_space<vmem>>, vector<16xi32>,
        %gather3A_655 = tpu.vector_load_idx %arg5[%get3A_654] : memref<100000xf32, #tpu.memory_space<vmem>>[vector<16xi32>], vector<16xf32>,
        %swap3A_656 = arith.constant 0 : i32
        %swap3A_657 = arith.index_cast %swap3A_656 : i32 to index
        %swap3A_658 = arith.index_cast %mul3A_650 : i32 to index
        %swap3A_659 = tpu.vector_load %arg7[%swap3A_657, %swap3A_658] {strides = array<i32>} : memref<2x4096xf32, #tpu.memory_space<vmem>>, vector<16xf32>,
        tpu.vector_store %arg7[%swap3A_657, %swap3A_658], %gather3A_655 {strides = array<i32>} : memref<2x4096xf32, #tpu.memory_space<vmem>>, vector<16xf32>,
        %mul3A_660 = arith.constant 32 : i32
        %mul3A_661 = arith.muli %scan3A_256, %mul3A_660 : i32
        %add3A_662 = arith.constant 27 : i32
        %add3A_663 = arith.addi %mul3A_661, %add3A_662 : i32
        %mul3A_664 = arith.constant 16 : i32
        %mul3A_665 = arith.muli %add3A_663, %mul3A_664 : i32
        %get3A_666 = arith.constant 0 : i32
        %get3A_667 = arith.index_cast %get3A_666 : i32 to index
        %get3A_668 = arith.index_cast %mul3A_665 : i32 to index
        %get3A_669 = tpu.vector_load %arg6[%get3A_667, %get3A_668] {strides = array<i32>} : memref<2x4096xi32, #tpu.memory_space<vmem>>, vector<16xi32>,
        %gather3A_670 = tpu.vector_load_idx %arg5[%get3A_669] : memref<100000xf32, #tpu.memory_space<vmem>>[vector<16xi32>], vector<16xf32>,
        %swap3A_671 = arith.constant 0 : i32
        %swap3A_672 = arith.index_cast %swap3A_671 : i32 to index
        %swap3A_673 = arith.index_cast %mul3A_665 : i32 to index
        %swap3A_674 = tpu.vector_load %arg7[%swap3A_672, %swap3A_673] {strides = array<i32>} : memref<2x4096xf32, #tpu.memory_space<vmem>>, vector<16xf32>,
        tpu.vector_store %arg7[%swap3A_672, %swap3A_673], %gather3A_670 {strides = array<i32>} : memref<2x4096xf32, #tpu.memory_space<vmem>>, vector<16xf32>,
        %mul3A_675 = arith.constant 32 : i32
        %mul3A_676 = arith.muli %scan3A_256, %mul3A_675 : i32
        %add3A_677 = arith.constant 28 : i32
        %add3A_678 = arith.addi %mul3A_676, %add3A_677 : i32
        %mul3A_679 = arith.constant 16 : i32
        %mul3A_680 = arith.muli %add3A_678, %mul3A_679 : i32
        %get3A_681 = arith.constant 0 : i32
        %get3A_682 = arith.index_cast %get3A_681 : i32 to index
        %get3A_683 = arith.index_cast %mul3A_680 : i32 to index
        %get3A_684 = tpu.vector_load %arg6[%get3A_682, %get3A_683] {strides = array<i32>} : memref<2x4096xi32, #tpu.memory_space<vmem>>, vector<16xi32>,
        %gather3A_685 = tpu.vector_load_idx %arg5[%get3A_684] : memref<100000xf32, #tpu.memory_space<vmem>>[vector<16xi32>], vector<16xf32>,
        %swap3A_686 = arith.constant 0 : i32
        %swap3A_687 = arith.index_cast %swap3A_686 : i32 to index
        %swap3A_688 = arith.index_cast %mul3A_680 : i32 to index
        %swap3A_689 = tpu.vector_load %arg7[%swap3A_687, %swap3A_688] {strides = array<i32>} : memref<2x4096xf32, #tpu.memory_space<vmem>>, vector<16xf32>,
        tpu.vector_store %arg7[%swap3A_687, %swap3A_688], %gather3A_685 {strides = array<i32>} : memref<2x4096xf32, #tpu.memory_space<vmem>>, vector<16xf32>,
        %mul3A_690 = arith.constant 32 : i32
        %mul3A_691 = arith.muli %scan3A_256, %mul3A_690 : i32
        %add3A_692 = arith.constant 29 : i32
        %add3A_693 = arith.addi %mul3A_691, %add3A_692 : i32
        %mul3A_694 = arith.constant 16 : i32
        %mul3A_695 = arith.muli %add3A_693, %mul3A_694 : i32
        %get3A_696 = arith.constant 0 : i32
        %get3A_697 = arith.index_cast %get3A_696 : i32 to index
        %get3A_698 = arith.index_cast %mul3A_695 : i32 to index
        %get3A_699 = tpu.vector_load %arg6[%get3A_697, %get3A_698] {strides = array<i32>} : memref<2x4096xi32, #tpu.memory_space<vmem>>, vector<16xi32>,
        %gather3A_700 = tpu.vector_load_idx %arg5[%get3A_699] : memref<100000xf32, #tpu.memory_space<vmem>>[vector<16xi32>], vector<16xf32>,
        %swap3A_701 = arith.constant 0 : i32
        %swap3A_702 = arith.index_cast %swap3A_701 : i32 to index
        %swap3A_703 = arith.index_cast %mul3A_695 : i32 to index
        %swap3A_704 = tpu.vector_load %arg7[%swap3A_702, %swap3A_703] {strides = array<i32>} : memref<2x4096xf32, #tpu.memory_space<vmem>>, vector<16xf32>,
        tpu.vector_store %arg7[%swap3A_702, %swap3A_703], %gather3A_700 {strides = array<i32>} : memref<2x4096xf32, #tpu.memory_space<vmem>>, vector<16xf32>,
        %mul3A_705 = arith.constant 32 : i32
        %mul3A_706 = arith.muli %scan3A_256, %mul3A_705 : i32
        %add3A_707 = arith.constant 30 : i32
        %add3A_708 = arith.addi %mul3A_706, %add3A_707 : i32
        %mul3A_709 = arith.constant 16 : i32
        %mul3A_710 = arith.muli %add3A_708, %mul3A_709 : i32
        %get3A_711 = arith.constant 0 : i32
        %get3A_712 = arith.index_cast %get3A_711 : i32 to index
        %get3A_713 = arith.index_cast %mul3A_710 : i32 to index
        %get3A_714 = tpu.vector_load %arg6[%get3A_712, %get3A_713] {strides = array<i32>} : memref<2x4096xi32, #tpu.memory_space<vmem>>, vector<16xi32>,
        %gather3A_715 = tpu.vector_load_idx %arg5[%get3A_714] : memref<100000xf32, #tpu.memory_space<vmem>>[vector<16xi32>], vector<16xf32>,
        %swap3A_716 = arith.constant 0 : i32
        %swap3A_717 = arith.index_cast %swap3A_716 : i32 to index
        %swap3A_718 = arith.index_cast %mul3A_710 : i32 to index
        %swap3A_719 = tpu.vector_load %arg7[%swap3A_717, %swap3A_718] {strides = array<i32>} : memref<2x4096xf32, #tpu.memory_space<vmem>>, vector<16xf32>,
        tpu.vector_store %arg7[%swap3A_717, %swap3A_718], %gather3A_715 {strides = array<i32>} : memref<2x4096xf32, #tpu.memory_space<vmem>>, vector<16xf32>,
        %mul3A_720 = arith.constant 32 : i32
        %mul3A_721 = arith.muli %scan3A_256, %mul3A_720 : i32
        %add3A_722 = arith.constant 31 : i32
        %add3A_723 = arith.addi %mul3A_721, %add3A_722 : i32
        %mul3A_724 = arith.constant 16 : i32
        %mul3A_725 = arith.muli %add3A_723, %mul3A_724 : i32
        %get3A_726 = arith.constant 0 : i32
        %get3A_727 = arith.index_cast %get3A_726 : i32 to index
        %get3A_728 = arith.index_cast %mul3A_725 : i32 to index
        %get3A_729 = tpu.vector_load %arg6[%get3A_727, %get3A_728] {strides = array<i32>} : memref<2x4096xi32, #tpu.memory_space<vmem>>, vector<16xi32>,
        %gather3A_730 = tpu.vector_load_idx %arg5[%get3A_729] : memref<100000xf32, #tpu.memory_space<vmem>>[vector<16xi32>], vector<16xf32>,
        %swap3A_731 = arith.constant 0 : i32
        %swap3A_732 = arith.index_cast %swap3A_731 : i32 to index
        %swap3A_733 = arith.index_cast %mul3A_725 : i32 to index
        %swap3A_734 = tpu.vector_load %arg7[%swap3A_732, %swap3A_733] {strides = array<i32>} : memref<2x4096xf32, #tpu.memory_space<vmem>>, vector<16xf32>,
        tpu.vector_store %arg7[%swap3A_732, %swap3A_733], %gather3A_730 {strides = array<i32>} : memref<2x4096xf32, #tpu.memory_space<vmem>>, vector<16xf32>,
        %scan3A_735 = arith.constant 0 : i32
        scf.yield %scan3A_735 : i32
      }
      %scan3A_64 = arith.constant 8 : i32
      %dma_start3A_65 = arith.constant 0 : i32
      %dma_start3A_66 = arith.constant 0 : i32
      %dma_start3A_67 = tpu.memref_slice %arg7[%dma_start3A_65, %dma_start3A_66] : memref<2x4096xf32, #tpu.memory_space<vmem>> -> memref<1x4096xf32, #tpu.memory_space<vmem>>
      %dma_start3A_68 = tpu.memref_squeeze %dma_start3A_67 : memref<1x4096xf32, #tpu.memory_space<vmem>> -> memref<4096xf32, #tpu.memory_space<vmem>>
      %dma_start3A_69 = arith.constant 0 : i32
      %dma_start3A_70 = tpu.memref_slice %arg4[%scan3A_7, %add3A, %dma_start3A_69] : memref<26x32x16384xf32, #tpu.memory_space<hbm>> -> memref<1x1x4096xf32, #tpu.memory_space<hbm>>
      %dma_start3A_71 = tpu.memref_squeeze %dma_start3A_70 : memref<1x1x4096xf32, #tpu.memory_space<hbm>> -> memref<4096xf32, #tpu.memory_space<hbm>>
      %dma_start3A_72 = arith.constant 0 : i32
      %dma_start3A_73 = tpu.memref_slice %arg4[%scan3A_7, %add3A, %dma_start3A_72] : memref<26x32x16384xf32, #tpu.memory_space<hbm>> -> memref<1x1x4096xf32, #tpu.memory_space<hbm>>
      %dma_start3A_74 = tpu.memref_squeeze %dma_start3A_73 : memref<1x1x4096xf32, #tpu.memory_space<hbm>> -> memref<4096xf32, #tpu.memory_space<hbm>>
      %dma_start3A_75 = arith.constant 0 : i32
      %dma_start3A_76 = tpu.memref_slice %arg7[%dma_start3A_65, %dma_start3A_75] : memref<2x4096xf32, #tpu.memory_space<vmem>> -> memref<1x4096xf32, #tpu.memory_space<vmem>>
      %dma_start3A_77 = tpu.memref_squeeze %dma_start3A_76 : memref<1x4096xf32, #tpu.memory_space<vmem>> -> memref<4096xf32, #tpu.memory_space<vmem>>
      tpu.enqueue_dma source(%dma_start3A_77 : memref<4096xf32, #tpu.memory_space<vmem>>) target(%dma_start3A_74 : memref<4096xf32, #tpu.memory_space<hbm>>) target_semaphore(%arg10 : memref<!tpu.dma_semaphore, #tpu.memory_space<semaphore_mem>>)
      %dma_wait3A_78 = arith.constant 1 : i32
      %dma_wait3A_79 = arith.constant 0 : i32
      %dma_wait3A_80 = tpu.memref_slice %arg6[%dma_wait3A_78, %dma_wait3A_79] : memref<2x4096xi32, #tpu.memory_space<vmem>> -> memref<1x4096xi32, #tpu.memory_space<vmem>>
      %dma_wait3A_81 = tpu.memref_squeeze %dma_wait3A_80 : memref<1x4096xi32, #tpu.memory_space<vmem>> -> memref<4096xi32, #tpu.memory_space<vmem>>
      %dma_wait3A_82 = arith.constant 4096 : i32
      %dma_wait3A_83 = tpu.memref_slice %arg2[%scan3A_7, %dma_wait3A_82] : memref<26x16384xi32, #tpu.memory_space<hbm>> -> memref<1x4096xi32, #tpu.memory_space<hbm>>
      %dma_wait3A_84 = tpu.memref_squeeze %dma_wait3A_83 : memref<1x4096xi32, #tpu.memory_space<hbm>> -> memref<4096xi32, #tpu.memory_space<hbm>>
      %dma_wait3A_85 = arith.constant 0 : i32
      %dma_wait3A_86 = tpu.memref_slice %arg6[%dma_wait3A_78, %dma_wait3A_85] : memref<2x4096xi32, #tpu.memory_space<vmem>> -> memref<1x4096xi32, #tpu.memory_space<vmem>>
      %dma_wait3A_87 = tpu.memref_squeeze %dma_wait3A_86 : memref<1x4096xi32, #tpu.memory_space<vmem>> -> memref<4096xi32, #tpu.memory_space<vmem>>
      %dma_wait3A_88 = arith.constant 4096 : i32
      %dma_wait3A_89 = tpu.memref_slice %arg2[%scan3A_7, %dma_wait3A_88] : memref<26x16384xi32, #tpu.memory_space<hbm>> -> memref<1x4096xi32, #tpu.memory_space<hbm>>
      %dma_wait3A_90 = tpu.memref_squeeze %dma_wait3A_89 : memref<1x4096xi32, #tpu.memory_space<hbm>> -> memref<4096xi32, #tpu.memory_space<hbm>>
      tpu.wait_dma2 semaphore(%arg9 : memref<!tpu.dma_semaphore, #tpu.memory_space<semaphore_mem>>) src(%dma_wait3A_90 : memref<4096xi32, #tpu.memory_space<hbm>>) dst(%dma_wait3A_87 : memref<4096xi32, #tpu.memory_space<vmem>>)
      %dma_start3A_91 = arith.constant 0 : i32
      %dma_start3A_92 = arith.constant 0 : i32
      %dma_start3A_93 = tpu.memref_slice %arg6[%dma_start3A_91, %dma_start3A_92] : memref<2x4096xi32, #tpu.memory_space<vmem>> -> memref<1x4096xi32, #tpu.memory_space<vmem>>
      %dma_start3A_94 = tpu.memref_squeeze %dma_start3A_93 : memref<1x4096xi32, #tpu.memory_space<vmem>> -> memref<4096xi32, #tpu.memory_space<vmem>>
      %dma_start3A_95 = arith.constant 8192 : i32
      %dma_start3A_96 = tpu.memref_slice %arg2[%scan3A_7, %dma_start3A_95] : memref<26x16384xi32, #tpu.memory_space<hbm>> -> memref<1x4096xi32, #tpu.memory_space<hbm>>
      %dma_start3A_97 = tpu.memref_squeeze %dma_start3A_96 : memref<1x4096xi32, #tpu.memory_space<hbm>> -> memref<4096xi32, #tpu.memory_space<hbm>>
      %dma_start3A_98 = arith.constant 0 : i32
      %dma_start3A_99 = tpu.memref_slice %arg6[%dma_start3A_91, %dma_start3A_98] : memref<2x4096xi32, #tpu.memory_space<vmem>> -> memref<1x4096xi32, #tpu.memory_space<vmem>>
      %dma_start3A_100 = tpu.memref_squeeze %dma_start3A_99 : memref<1x4096xi32, #tpu.memory_space<vmem>> -> memref<4096xi32, #tpu.memory_space<vmem>>
      %dma_start3A_101 = arith.constant 8192 : i32
      %dma_start3A_102 = tpu.memref_slice %arg2[%scan3A_7, %dma_start3A_101] : memref<26x16384xi32, #tpu.memory_space<hbm>> -> memref<1x4096xi32, #tpu.memory_space<hbm>>
      %dma_start3A_103 = tpu.memref_squeeze %dma_start3A_102 : memref<1x4096xi32, #tpu.memory_space<hbm>> -> memref<4096xi32, #tpu.memory_space<hbm>>
      tpu.enqueue_dma source(%dma_start3A_103 : memref<4096xi32, #tpu.memory_space<hbm>>) target(%dma_start3A_100 : memref<4096xi32, #tpu.memory_space<vmem>>) target_semaphore(%arg9 : memref<!tpu.dma_semaphore, #tpu.memory_space<semaphore_mem>>)
      %scan3A_104 = arith.constant 0 : i32
      %scan3A_105 = arith.constant 0 : i32
      %scan3A_106 = arith.constant 8 : i32
      %scan3A_107 = arith.addi %scan3A_105, %scan3A_106 : i32
      %scan3A_108 = arith.constant 1 : i32
      %scan3A_109 = scf.for %scan3A_256 = %scan3A_105 to %scan3A_107 step %scan3A_108 iter_args(%scan3A_257 = %scan3A_104) -> (i32)  : i32 {
        %mul3A_258 = arith.constant 32 : i32
        %mul3A_259 = arith.muli %scan3A_256, %mul3A_258 : i32
        %add3A_260 = arith.constant 0 : i32
        %add3A_261 = arith.addi %mul3A_259, %add3A_260 : i32
        %mul3A_262 = arith.constant 16 : i32
        %mul3A_263 = arith.muli %add3A_261, %mul3A_262 : i32
        %get3A = arith.constant 1 : i32
        %get3A_264 = arith.index_cast %get3A : i32 to index
        %get3A_265 = arith.index_cast %mul3A_263 : i32 to index
        %get3A_266 = tpu.vector_load %arg6[%get3A_264, %get3A_265] {strides = array<i32>} : memref<2x4096xi32, #tpu.memory_space<vmem>>, vector<16xi32>,
        %gather3A = tpu.vector_load_idx %arg5[%get3A_266] : memref<100000xf32, #tpu.memory_space<vmem>>[vector<16xi32>], vector<16xf32>,
        %swap3A = arith.constant 1 : i32
        %swap3A_267 = arith.index_cast %swap3A : i32 to index
        %swap3A_268 = arith.index_cast %mul3A_263 : i32 to index
        %swap3A_269 = tpu.vector_load %arg7[%swap3A_267, %swap3A_268] {strides = array<i32>} : memref<2x4096xf32, #tpu.memory_space<vmem>>, vector<16xf32>,
        tpu.vector_store %arg7[%swap3A_267, %swap3A_268], %gather3A {strides = array<i32>} : memref<2x4096xf32, #tpu.memory_space<vmem>>, vector<16xf32>,
        %mul3A_270 = arith.constant 32 : i32
        %mul3A_271 = arith.muli %scan3A_256, %mul3A_270 : i32
        %add3A_272 = arith.constant 1 : i32
        %add3A_273 = arith.addi %mul3A_271, %add3A_272 : i32
        %mul3A_274 = arith.constant 16 : i32
        %mul3A_275 = arith.muli %add3A_273, %mul3A_274 : i32
        %get3A_276 = arith.constant 1 : i32
        %get3A_277 = arith.index_cast %get3A_276 : i32 to index
        %get3A_278 = arith.index_cast %mul3A_275 : i32 to index
        %get3A_279 = tpu.vector_load %arg6[%get3A_277, %get3A_278] {strides = array<i32>} : memref<2x4096xi32, #tpu.memory_space<vmem>>, vector<16xi32>,
        %gather3A_280 = tpu.vector_load_idx %arg5[%get3A_279] : memref<100000xf32, #tpu.memory_space<vmem>>[vector<16xi32>], vector<16xf32>,
        %swap3A_281 = arith.constant 1 : i32
        %swap3A_282 = arith.index_cast %swap3A_281 : i32 to index
        %swap3A_283 = arith.index_cast %mul3A_275 : i32 to index
        %swap3A_284 = tpu.vector_load %arg7[%swap3A_282, %swap3A_283] {strides = array<i32>} : memref<2x4096xf32, #tpu.memory_space<vmem>>, vector<16xf32>,
        tpu.vector_store %arg7[%swap3A_282, %swap3A_283], %gather3A_280 {strides = array<i32>} : memref<2x4096xf32, #tpu.memory_space<vmem>>, vector<16xf32>,
        %mul3A_285 = arith.constant 32 : i32
        %mul3A_286 = arith.muli %scan3A_256, %mul3A_285 : i32
        %add3A_287 = arith.constant 2 : i32
        %add3A_288 = arith.addi %mul3A_286, %add3A_287 : i32
        %mul3A_289 = arith.constant 16 : i32
        %mul3A_290 = arith.muli %add3A_288, %mul3A_289 : i32
        %get3A_291 = arith.constant 1 : i32
        %get3A_292 = arith.index_cast %get3A_291 : i32 to index
        %get3A_293 = arith.index_cast %mul3A_290 : i32 to index
        %get3A_294 = tpu.vector_load %arg6[%get3A_292, %get3A_293] {strides = array<i32>} : memref<2x4096xi32, #tpu.memory_space<vmem>>, vector<16xi32>,
        %gather3A_295 = tpu.vector_load_idx %arg5[%get3A_294] : memref<100000xf32, #tpu.memory_space<vmem>>[vector<16xi32>], vector<16xf32>,
        %swap3A_296 = arith.constant 1 : i32
        %swap3A_297 = arith.index_cast %swap3A_296 : i32 to index
        %swap3A_298 = arith.index_cast %mul3A_290 : i32 to index
        %swap3A_299 = tpu.vector_load %arg7[%swap3A_297, %swap3A_298] {strides = array<i32>} : memref<2x4096xf32, #tpu.memory_space<vmem>>, vector<16xf32>,
        tpu.vector_store %arg7[%swap3A_297, %swap3A_298], %gather3A_295 {strides = array<i32>} : memref<2x4096xf32, #tpu.memory_space<vmem>>, vector<16xf32>,
        %mul3A_300 = arith.constant 32 : i32
        %mul3A_301 = arith.muli %scan3A_256, %mul3A_300 : i32
        %add3A_302 = arith.constant 3 : i32
        %add3A_303 = arith.addi %mul3A_301, %add3A_302 : i32
        %mul3A_304 = arith.constant 16 : i32
        %mul3A_305 = arith.muli %add3A_303, %mul3A_304 : i32
        %get3A_306 = arith.constant 1 : i32
        %get3A_307 = arith.index_cast %get3A_306 : i32 to index
        %get3A_308 = arith.index_cast %mul3A_305 : i32 to index
        %get3A_309 = tpu.vector_load %arg6[%get3A_307, %get3A_308] {strides = array<i32>} : memref<2x4096xi32, #tpu.memory_space<vmem>>, vector<16xi32>,
        %gather3A_310 = tpu.vector_load_idx %arg5[%get3A_309] : memref<100000xf32, #tpu.memory_space<vmem>>[vector<16xi32>], vector<16xf32>,
        %swap3A_311 = arith.constant 1 : i32
        %swap3A_312 = arith.index_cast %swap3A_311 : i32 to index
        %swap3A_313 = arith.index_cast %mul3A_305 : i32 to index
        %swap3A_314 = tpu.vector_load %arg7[%swap3A_312, %swap3A_313] {strides = array<i32>} : memref<2x4096xf32, #tpu.memory_space<vmem>>, vector<16xf32>,
        tpu.vector_store %arg7[%swap3A_312, %swap3A_313], %gather3A_310 {strides = array<i32>} : memref<2x4096xf32, #tpu.memory_space<vmem>>, vector<16xf32>,
        %mul3A_315 = arith.constant 32 : i32
        %mul3A_316 = arith.muli %scan3A_256, %mul3A_315 : i32
        %add3A_317 = arith.constant 4 : i32
        %add3A_318 = arith.addi %mul3A_316, %add3A_317 : i32
        %mul3A_319 = arith.constant 16 : i32
        %mul3A_320 = arith.muli %add3A_318, %mul3A_319 : i32
        %get3A_321 = arith.constant 1 : i32
        %get3A_322 = arith.index_cast %get3A_321 : i32 to index
        %get3A_323 = arith.index_cast %mul3A_320 : i32 to index
        %get3A_324 = tpu.vector_load %arg6[%get3A_322, %get3A_323] {strides = array<i32>} : memref<2x4096xi32, #tpu.memory_space<vmem>>, vector<16xi32>,
        %gather3A_325 = tpu.vector_load_idx %arg5[%get3A_324] : memref<100000xf32, #tpu.memory_space<vmem>>[vector<16xi32>], vector<16xf32>,
        %swap3A_326 = arith.constant 1 : i32
        %swap3A_327 = arith.index_cast %swap3A_326 : i32 to index
        %swap3A_328 = arith.index_cast %mul3A_320 : i32 to index
        %swap3A_329 = tpu.vector_load %arg7[%swap3A_327, %swap3A_328] {strides = array<i32>} : memref<2x4096xf32, #tpu.memory_space<vmem>>, vector<16xf32>,
        tpu.vector_store %arg7[%swap3A_327, %swap3A_328], %gather3A_325 {strides = array<i32>} : memref<2x4096xf32, #tpu.memory_space<vmem>>, vector<16xf32>,
        %mul3A_330 = arith.constant 32 : i32
        %mul3A_331 = arith.muli %scan3A_256, %mul3A_330 : i32
        %add3A_332 = arith.constant 5 : i32
        %add3A_333 = arith.addi %mul3A_331, %add3A_332 : i32
        %mul3A_334 = arith.constant 16 : i32
        %mul3A_335 = arith.muli %add3A_333, %mul3A_334 : i32
        %get3A_336 = arith.constant 1 : i32
        %get3A_337 = arith.index_cast %get3A_336 : i32 to index
        %get3A_338 = arith.index_cast %mul3A_335 : i32 to index
        %get3A_339 = tpu.vector_load %arg6[%get3A_337, %get3A_338] {strides = array<i32>} : memref<2x4096xi32, #tpu.memory_space<vmem>>, vector<16xi32>,
        %gather3A_340 = tpu.vector_load_idx %arg5[%get3A_339] : memref<100000xf32, #tpu.memory_space<vmem>>[vector<16xi32>], vector<16xf32>,
        %swap3A_341 = arith.constant 1 : i32
        %swap3A_342 = arith.index_cast %swap3A_341 : i32 to index
        %swap3A_343 = arith.index_cast %mul3A_335 : i32 to index
        %swap3A_344 = tpu.vector_load %arg7[%swap3A_342, %swap3A_343] {strides = array<i32>} : memref<2x4096xf32, #tpu.memory_space<vmem>>, vector<16xf32>,
        tpu.vector_store %arg7[%swap3A_342, %swap3A_343], %gather3A_340 {strides = array<i32>} : memref<2x4096xf32, #tpu.memory_space<vmem>>, vector<16xf32>,
        %mul3A_345 = arith.constant 32 : i32
        %mul3A_346 = arith.muli %scan3A_256, %mul3A_345 : i32
        %add3A_347 = arith.constant 6 : i32
        %add3A_348 = arith.addi %mul3A_346, %add3A_347 : i32
        %mul3A_349 = arith.constant 16 : i32
        %mul3A_350 = arith.muli %add3A_348, %mul3A_349 : i32
        %get3A_351 = arith.constant 1 : i32
        %get3A_352 = arith.index_cast %get3A_351 : i32 to index
        %get3A_353 = arith.index_cast %mul3A_350 : i32 to index
        %get3A_354 = tpu.vector_load %arg6[%get3A_352, %get3A_353] {strides = array<i32>} : memref<2x4096xi32, #tpu.memory_space<vmem>>, vector<16xi32>,
        %gather3A_355 = tpu.vector_load_idx %arg5[%get3A_354] : memref<100000xf32, #tpu.memory_space<vmem>>[vector<16xi32>], vector<16xf32>,
        %swap3A_356 = arith.constant 1 : i32
        %swap3A_357 = arith.index_cast %swap3A_356 : i32 to index
        %swap3A_358 = arith.index_cast %mul3A_350 : i32 to index
        %swap3A_359 = tpu.vector_load %arg7[%swap3A_357, %swap3A_358] {strides = array<i32>} : memref<2x4096xf32, #tpu.memory_space<vmem>>, vector<16xf32>,
        tpu.vector_store %arg7[%swap3A_357, %swap3A_358], %gather3A_355 {strides = array<i32>} : memref<2x4096xf32, #tpu.memory_space<vmem>>, vector<16xf32>,
        %mul3A_360 = arith.constant 32 : i32
        %mul3A_361 = arith.muli %scan3A_256, %mul3A_360 : i32
        %add3A_362 = arith.constant 7 : i32
        %add3A_363 = arith.addi %mul3A_361, %add3A_362 : i32
        %mul3A_364 = arith.constant 16 : i32
        %mul3A_365 = arith.muli %add3A_363, %mul3A_364 : i32
        %get3A_366 = arith.constant 1 : i32
        %get3A_367 = arith.index_cast %get3A_366 : i32 to index
        %get3A_368 = arith.index_cast %mul3A_365 : i32 to index
        %get3A_369 = tpu.vector_load %arg6[%get3A_367, %get3A_368] {strides = array<i32>} : memref<2x4096xi32, #tpu.memory_space<vmem>>, vector<16xi32>,
        %gather3A_370 = tpu.vector_load_idx %arg5[%get3A_369] : memref<100000xf32, #tpu.memory_space<vmem>>[vector<16xi32>], vector<16xf32>,
        %swap3A_371 = arith.constant 1 : i32
        %swap3A_372 = arith.index_cast %swap3A_371 : i32 to index
        %swap3A_373 = arith.index_cast %mul3A_365 : i32 to index
        %swap3A_374 = tpu.vector_load %arg7[%swap3A_372, %swap3A_373] {strides = array<i32>} : memref<2x4096xf32, #tpu.memory_space<vmem>>, vector<16xf32>,
        tpu.vector_store %arg7[%swap3A_372, %swap3A_373], %gather3A_370 {strides = array<i32>} : memref<2x4096xf32, #tpu.memory_space<vmem>>, vector<16xf32>,
        %mul3A_375 = arith.constant 32 : i32
        %mul3A_376 = arith.muli %scan3A_256, %mul3A_375 : i32
        %add3A_377 = arith.constant 8 : i32
        %add3A_378 = arith.addi %mul3A_376, %add3A_377 : i32
        %mul3A_379 = arith.constant 16 : i32
        %mul3A_380 = arith.muli %add3A_378, %mul3A_379 : i32
        %get3A_381 = arith.constant 1 : i32
        %get3A_382 = arith.index_cast %get3A_381 : i32 to index
        %get3A_383 = arith.index_cast %mul3A_380 : i32 to index
        %get3A_384 = tpu.vector_load %arg6[%get3A_382, %get3A_383] {strides = array<i32>} : memref<2x4096xi32, #tpu.memory_space<vmem>>, vector<16xi32>,
        %gather3A_385 = tpu.vector_load_idx %arg5[%get3A_384] : memref<100000xf32, #tpu.memory_space<vmem>>[vector<16xi32>], vector<16xf32>,
        %swap3A_386 = arith.constant 1 : i32
        %swap3A_387 = arith.index_cast %swap3A_386 : i32 to index
        %swap3A_388 = arith.index_cast %mul3A_380 : i32 to index
        %swap3A_389 = tpu.vector_load %arg7[%swap3A_387, %swap3A_388] {strides = array<i32>} : memref<2x4096xf32, #tpu.memory_space<vmem>>, vector<16xf32>,
        tpu.vector_store %arg7[%swap3A_387, %swap3A_388], %gather3A_385 {strides = array<i32>} : memref<2x4096xf32, #tpu.memory_space<vmem>>, vector<16xf32>,
        %mul3A_390 = arith.constant 32 : i32
        %mul3A_391 = arith.muli %scan3A_256, %mul3A_390 : i32
        %add3A_392 = arith.constant 9 : i32
        %add3A_393 = arith.addi %mul3A_391, %add3A_392 : i32
        %mul3A_394 = arith.constant 16 : i32
        %mul3A_395 = arith.muli %add3A_393, %mul3A_394 : i32
        %get3A_396 = arith.constant 1 : i32
        %get3A_397 = arith.index_cast %get3A_396 : i32 to index
        %get3A_398 = arith.index_cast %mul3A_395 : i32 to index
        %get3A_399 = tpu.vector_load %arg6[%get3A_397, %get3A_398] {strides = array<i32>} : memref<2x4096xi32, #tpu.memory_space<vmem>>, vector<16xi32>,
        %gather3A_400 = tpu.vector_load_idx %arg5[%get3A_399] : memref<100000xf32, #tpu.memory_space<vmem>>[vector<16xi32>], vector<16xf32>,
        %swap3A_401 = arith.constant 1 : i32
        %swap3A_402 = arith.index_cast %swap3A_401 : i32 to index
        %swap3A_403 = arith.index_cast %mul3A_395 : i32 to index
        %swap3A_404 = tpu.vector_load %arg7[%swap3A_402, %swap3A_403] {strides = array<i32>} : memref<2x4096xf32, #tpu.memory_space<vmem>>, vector<16xf32>,
        tpu.vector_store %arg7[%swap3A_402, %swap3A_403], %gather3A_400 {strides = array<i32>} : memref<2x4096xf32, #tpu.memory_space<vmem>>, vector<16xf32>,
        %mul3A_405 = arith.constant 32 : i32
        %mul3A_406 = arith.muli %scan3A_256, %mul3A_405 : i32
        %add3A_407 = arith.constant 10 : i32
        %add3A_408 = arith.addi %mul3A_406, %add3A_407 : i32
        %mul3A_409 = arith.constant 16 : i32
        %mul3A_410 = arith.muli %add3A_408, %mul3A_409 : i32
        %get3A_411 = arith.constant 1 : i32
        %get3A_412 = arith.index_cast %get3A_411 : i32 to index
        %get3A_413 = arith.index_cast %mul3A_410 : i32 to index
        %get3A_414 = tpu.vector_load %arg6[%get3A_412, %get3A_413] {strides = array<i32>} : memref<2x4096xi32, #tpu.memory_space<vmem>>, vector<16xi32>,
        %gather3A_415 = tpu.vector_load_idx %arg5[%get3A_414] : memref<100000xf32, #tpu.memory_space<vmem>>[vector<16xi32>], vector<16xf32>,
        %swap3A_416 = arith.constant 1 : i32
        %swap3A_417 = arith.index_cast %swap3A_416 : i32 to index
        %swap3A_418 = arith.index_cast %mul3A_410 : i32 to index
        %swap3A_419 = tpu.vector_load %arg7[%swap3A_417, %swap3A_418] {strides = array<i32>} : memref<2x4096xf32, #tpu.memory_space<vmem>>, vector<16xf32>,
        tpu.vector_store %arg7[%swap3A_417, %swap3A_418], %gather3A_415 {strides = array<i32>} : memref<2x4096xf32, #tpu.memory_space<vmem>>, vector<16xf32>,
        %mul3A_420 = arith.constant 32 : i32
        %mul3A_421 = arith.muli %scan3A_256, %mul3A_420 : i32
        %add3A_422 = arith.constant 11 : i32
        %add3A_423 = arith.addi %mul3A_421, %add3A_422 : i32
        %mul3A_424 = arith.constant 16 : i32
        %mul3A_425 = arith.muli %add3A_423, %mul3A_424 : i32
        %get3A_426 = arith.constant 1 : i32
        %get3A_427 = arith.index_cast %get3A_426 : i32 to index
        %get3A_428 = arith.index_cast %mul3A_425 : i32 to index
        %get3A_429 = tpu.vector_load %arg6[%get3A_427, %get3A_428] {strides = array<i32>} : memref<2x4096xi32, #tpu.memory_space<vmem>>, vector<16xi32>,
        %gather3A_430 = tpu.vector_load_idx %arg5[%get3A_429] : memref<100000xf32, #tpu.memory_space<vmem>>[vector<16xi32>], vector<16xf32>,
        %swap3A_431 = arith.constant 1 : i32
        %swap3A_432 = arith.index_cast %swap3A_431 : i32 to index
        %swap3A_433 = arith.index_cast %mul3A_425 : i32 to index
        %swap3A_434 = tpu.vector_load %arg7[%swap3A_432, %swap3A_433] {strides = array<i32>} : memref<2x4096xf32, #tpu.memory_space<vmem>>, vector<16xf32>,
        tpu.vector_store %arg7[%swap3A_432, %swap3A_433], %gather3A_430 {strides = array<i32>} : memref<2x4096xf32, #tpu.memory_space<vmem>>, vector<16xf32>,
        %mul3A_435 = arith.constant 32 : i32
        %mul3A_436 = arith.muli %scan3A_256, %mul3A_435 : i32
        %add3A_437 = arith.constant 12 : i32
        %add3A_438 = arith.addi %mul3A_436, %add3A_437 : i32
        %mul3A_439 = arith.constant 16 : i32
        %mul3A_440 = arith.muli %add3A_438, %mul3A_439 : i32
        %get3A_441 = arith.constant 1 : i32
        %get3A_442 = arith.index_cast %get3A_441 : i32 to index
        %get3A_443 = arith.index_cast %mul3A_440 : i32 to index
        %get3A_444 = tpu.vector_load %arg6[%get3A_442, %get3A_443] {strides = array<i32>} : memref<2x4096xi32, #tpu.memory_space<vmem>>, vector<16xi32>,
        %gather3A_445 = tpu.vector_load_idx %arg5[%get3A_444] : memref<100000xf32, #tpu.memory_space<vmem>>[vector<16xi32>], vector<16xf32>,
        %swap3A_446 = arith.constant 1 : i32
        %swap3A_447 = arith.index_cast %swap3A_446 : i32 to index
        %swap3A_448 = arith.index_cast %mul3A_440 : i32 to index
        %swap3A_449 = tpu.vector_load %arg7[%swap3A_447, %swap3A_448] {strides = array<i32>} : memref<2x4096xf32, #tpu.memory_space<vmem>>, vector<16xf32>,
        tpu.vector_store %arg7[%swap3A_447, %swap3A_448], %gather3A_445 {strides = array<i32>} : memref<2x4096xf32, #tpu.memory_space<vmem>>, vector<16xf32>,
        %mul3A_450 = arith.constant 32 : i32
        %mul3A_451 = arith.muli %scan3A_256, %mul3A_450 : i32
        %add3A_452 = arith.constant 13 : i32
        %add3A_453 = arith.addi %mul3A_451, %add3A_452 : i32
        %mul3A_454 = arith.constant 16 : i32
        %mul3A_455 = arith.muli %add3A_453, %mul3A_454 : i32
        %get3A_456 = arith.constant 1 : i32
        %get3A_457 = arith.index_cast %get3A_456 : i32 to index
        %get3A_458 = arith.index_cast %mul3A_455 : i32 to index
        %get3A_459 = tpu.vector_load %arg6[%get3A_457, %get3A_458] {strides = array<i32>} : memref<2x4096xi32, #tpu.memory_space<vmem>>, vector<16xi32>,
        %gather3A_460 = tpu.vector_load_idx %arg5[%get3A_459] : memref<100000xf32, #tpu.memory_space<vmem>>[vector<16xi32>], vector<16xf32>,
        %swap3A_461 = arith.constant 1 : i32
        %swap3A_462 = arith.index_cast %swap3A_461 : i32 to index
        %swap3A_463 = arith.index_cast %mul3A_455 : i32 to index
        %swap3A_464 = tpu.vector_load %arg7[%swap3A_462, %swap3A_463] {strides = array<i32>} : memref<2x4096xf32, #tpu.memory_space<vmem>>, vector<16xf32>,
        tpu.vector_store %arg7[%swap3A_462, %swap3A_463], %gather3A_460 {strides = array<i32>} : memref<2x4096xf32, #tpu.memory_space<vmem>>, vector<16xf32>,
        %mul3A_465 = arith.constant 32 : i32
        %mul3A_466 = arith.muli %scan3A_256, %mul3A_465 : i32
        %add3A_467 = arith.constant 14 : i32
        %add3A_468 = arith.addi %mul3A_466, %add3A_467 : i32
        %mul3A_469 = arith.constant 16 : i32
        %mul3A_470 = arith.muli %add3A_468, %mul3A_469 : i32
        %get3A_471 = arith.constant 1 : i32
        %get3A_472 = arith.index_cast %get3A_471 : i32 to index
        %get3A_473 = arith.index_cast %mul3A_470 : i32 to index
        %get3A_474 = tpu.vector_load %arg6[%get3A_472, %get3A_473] {strides = array<i32>} : memref<2x4096xi32, #tpu.memory_space<vmem>>, vector<16xi32>,
        %gather3A_475 = tpu.vector_load_idx %arg5[%get3A_474] : memref<100000xf32, #tpu.memory_space<vmem>>[vector<16xi32>], vector<16xf32>,
        %swap3A_476 = arith.constant 1 : i32
        %swap3A_477 = arith.index_cast %swap3A_476 : i32 to index
        %swap3A_478 = arith.index_cast %mul3A_470 : i32 to index
        %swap3A_479 = tpu.vector_load %arg7[%swap3A_477, %swap3A_478] {strides = array<i32>} : memref<2x4096xf32, #tpu.memory_space<vmem>>, vector<16xf32>,
        tpu.vector_store %arg7[%swap3A_477, %swap3A_478], %gather3A_475 {strides = array<i32>} : memref<2x4096xf32, #tpu.memory_space<vmem>>, vector<16xf32>,
        %mul3A_480 = arith.constant 32 : i32
        %mul3A_481 = arith.muli %scan3A_256, %mul3A_480 : i32
        %add3A_482 = arith.constant 15 : i32
        %add3A_483 = arith.addi %mul3A_481, %add3A_482 : i32
        %mul3A_484 = arith.constant 16 : i32
        %mul3A_485 = arith.muli %add3A_483, %mul3A_484 : i32
        %get3A_486 = arith.constant 1 : i32
        %get3A_487 = arith.index_cast %get3A_486 : i32 to index
        %get3A_488 = arith.index_cast %mul3A_485 : i32 to index
        %get3A_489 = tpu.vector_load %arg6[%get3A_487, %get3A_488] {strides = array<i32>} : memref<2x4096xi32, #tpu.memory_space<vmem>>, vector<16xi32>,
        %gather3A_490 = tpu.vector_load_idx %arg5[%get3A_489] : memref<100000xf32, #tpu.memory_space<vmem>>[vector<16xi32>], vector<16xf32>,
        %swap3A_491 = arith.constant 1 : i32
        %swap3A_492 = arith.index_cast %swap3A_491 : i32 to index
        %swap3A_493 = arith.index_cast %mul3A_485 : i32 to index
        %swap3A_494 = tpu.vector_load %arg7[%swap3A_492, %swap3A_493] {strides = array<i32>} : memref<2x4096xf32, #tpu.memory_space<vmem>>, vector<16xf32>,
        tpu.vector_store %arg7[%swap3A_492, %swap3A_493], %gather3A_490 {strides = array<i32>} : memref<2x4096xf32, #tpu.memory_space<vmem>>, vector<16xf32>,
        %mul3A_495 = arith.constant 32 : i32
        %mul3A_496 = arith.muli %scan3A_256, %mul3A_495 : i32
        %add3A_497 = arith.constant 16 : i32
        %add3A_498 = arith.addi %mul3A_496, %add3A_497 : i32
        %mul3A_499 = arith.constant 16 : i32
        %mul3A_500 = arith.muli %add3A_498, %mul3A_499 : i32
        %get3A_501 = arith.constant 1 : i32
        %get3A_502 = arith.index_cast %get3A_501 : i32 to index
        %get3A_503 = arith.index_cast %mul3A_500 : i32 to index
        %get3A_504 = tpu.vector_load %arg6[%get3A_502, %get3A_503] {strides = array<i32>} : memref<2x4096xi32, #tpu.memory_space<vmem>>, vector<16xi32>,
        %gather3A_505 = tpu.vector_load_idx %arg5[%get3A_504] : memref<100000xf32, #tpu.memory_space<vmem>>[vector<16xi32>], vector<16xf32>,
        %swap3A_506 = arith.constant 1 : i32
        %swap3A_507 = arith.index_cast %swap3A_506 : i32 to index
        %swap3A_508 = arith.index_cast %mul3A_500 : i32 to index
        %swap3A_509 = tpu.vector_load %arg7[%swap3A_507, %swap3A_508] {strides = array<i32>} : memref<2x4096xf32, #tpu.memory_space<vmem>>, vector<16xf32>,
        tpu.vector_store %arg7[%swap3A_507, %swap3A_508], %gather3A_505 {strides = array<i32>} : memref<2x4096xf32, #tpu.memory_space<vmem>>, vector<16xf32>,
        %mul3A_510 = arith.constant 32 : i32
        %mul3A_511 = arith.muli %scan3A_256, %mul3A_510 : i32
        %add3A_512 = arith.constant 17 : i32
        %add3A_513 = arith.addi %mul3A_511, %add3A_512 : i32
        %mul3A_514 = arith.constant 16 : i32
        %mul3A_515 = arith.muli %add3A_513, %mul3A_514 : i32
        %get3A_516 = arith.constant 1 : i32
        %get3A_517 = arith.index_cast %get3A_516 : i32 to index
        %get3A_518 = arith.index_cast %mul3A_515 : i32 to index
        %get3A_519 = tpu.vector_load %arg6[%get3A_517, %get3A_518] {strides = array<i32>} : memref<2x4096xi32, #tpu.memory_space<vmem>>, vector<16xi32>,
        %gather3A_520 = tpu.vector_load_idx %arg5[%get3A_519] : memref<100000xf32, #tpu.memory_space<vmem>>[vector<16xi32>], vector<16xf32>,
        %swap3A_521 = arith.constant 1 : i32
        %swap3A_522 = arith.index_cast %swap3A_521 : i32 to index
        %swap3A_523 = arith.index_cast %mul3A_515 : i32 to index
        %swap3A_524 = tpu.vector_load %arg7[%swap3A_522, %swap3A_523] {strides = array<i32>} : memref<2x4096xf32, #tpu.memory_space<vmem>>, vector<16xf32>,
        tpu.vector_store %arg7[%swap3A_522, %swap3A_523], %gather3A_520 {strides = array<i32>} : memref<2x4096xf32, #tpu.memory_space<vmem>>, vector<16xf32>,
        %mul3A_525 = arith.constant 32 : i32
        %mul3A_526 = arith.muli %scan3A_256, %mul3A_525 : i32
        %add3A_527 = arith.constant 18 : i32
        %add3A_528 = arith.addi %mul3A_526, %add3A_527 : i32
        %mul3A_529 = arith.constant 16 : i32
        %mul3A_530 = arith.muli %add3A_528, %mul3A_529 : i32
        %get3A_531 = arith.constant 1 : i32
        %get3A_532 = arith.index_cast %get3A_531 : i32 to index
        %get3A_533 = arith.index_cast %mul3A_530 : i32 to index
        %get3A_534 = tpu.vector_load %arg6[%get3A_532, %get3A_533] {strides = array<i32>} : memref<2x4096xi32, #tpu.memory_space<vmem>>, vector<16xi32>,
        %gather3A_535 = tpu.vector_load_idx %arg5[%get3A_534] : memref<100000xf32, #tpu.memory_space<vmem>>[vector<16xi32>], vector<16xf32>,
        %swap3A_536 = arith.constant 1 : i32
        %swap3A_537 = arith.index_cast %swap3A_536 : i32 to index
        %swap3A_538 = arith.index_cast %mul3A_530 : i32 to index
        %swap3A_539 = tpu.vector_load %arg7[%swap3A_537, %swap3A_538] {strides = array<i32>} : memref<2x4096xf32, #tpu.memory_space<vmem>>, vector<16xf32>,
        tpu.vector_store %arg7[%swap3A_537, %swap3A_538], %gather3A_535 {strides = array<i32>} : memref<2x4096xf32, #tpu.memory_space<vmem>>, vector<16xf32>,
        %mul3A_540 = arith.constant 32 : i32
        %mul3A_541 = arith.muli %scan3A_256, %mul3A_540 : i32
        %add3A_542 = arith.constant 19 : i32
        %add3A_543 = arith.addi %mul3A_541, %add3A_542 : i32
        %mul3A_544 = arith.constant 16 : i32
        %mul3A_545 = arith.muli %add3A_543, %mul3A_544 : i32
        %get3A_546 = arith.constant 1 : i32
        %get3A_547 = arith.index_cast %get3A_546 : i32 to index
        %get3A_548 = arith.index_cast %mul3A_545 : i32 to index
        %get3A_549 = tpu.vector_load %arg6[%get3A_547, %get3A_548] {strides = array<i32>} : memref<2x4096xi32, #tpu.memory_space<vmem>>, vector<16xi32>,
        %gather3A_550 = tpu.vector_load_idx %arg5[%get3A_549] : memref<100000xf32, #tpu.memory_space<vmem>>[vector<16xi32>], vector<16xf32>,
        %swap3A_551 = arith.constant 1 : i32
        %swap3A_552 = arith.index_cast %swap3A_551 : i32 to index
        %swap3A_553 = arith.index_cast %mul3A_545 : i32 to index
        %swap3A_554 = tpu.vector_load %arg7[%swap3A_552, %swap3A_553] {strides = array<i32>} : memref<2x4096xf32, #tpu.memory_space<vmem>>, vector<16xf32>,
        tpu.vector_store %arg7[%swap3A_552, %swap3A_553], %gather3A_550 {strides = array<i32>} : memref<2x4096xf32, #tpu.memory_space<vmem>>, vector<16xf32>,
        %mul3A_555 = arith.constant 32 : i32
        %mul3A_556 = arith.muli %scan3A_256, %mul3A_555 : i32
        %add3A_557 = arith.constant 20 : i32
        %add3A_558 = arith.addi %mul3A_556, %add3A_557 : i32
        %mul3A_559 = arith.constant 16 : i32
        %mul3A_560 = arith.muli %add3A_558, %mul3A_559 : i32
        %get3A_561 = arith.constant 1 : i32
        %get3A_562 = arith.index_cast %get3A_561 : i32 to index
        %get3A_563 = arith.index_cast %mul3A_560 : i32 to index
        %get3A_564 = tpu.vector_load %arg6[%get3A_562, %get3A_563] {strides = array<i32>} : memref<2x4096xi32, #tpu.memory_space<vmem>>, vector<16xi32>,
        %gather3A_565 = tpu.vector_load_idx %arg5[%get3A_564] : memref<100000xf32, #tpu.memory_space<vmem>>[vector<16xi32>], vector<16xf32>,
        %swap3A_566 = arith.constant 1 : i32
        %swap3A_567 = arith.index_cast %swap3A_566 : i32 to index
        %swap3A_568 = arith.index_cast %mul3A_560 : i32 to index
        %swap3A_569 = tpu.vector_load %arg7[%swap3A_567, %swap3A_568] {strides = array<i32>} : memref<2x4096xf32, #tpu.memory_space<vmem>>, vector<16xf32>,
        tpu.vector_store %arg7[%swap3A_567, %swap3A_568], %gather3A_565 {strides = array<i32>} : memref<2x4096xf32, #tpu.memory_space<vmem>>, vector<16xf32>,
        %mul3A_570 = arith.constant 32 : i32
        %mul3A_571 = arith.muli %scan3A_256, %mul3A_570 : i32
        %add3A_572 = arith.constant 21 : i32
        %add3A_573 = arith.addi %mul3A_571, %add3A_572 : i32
        %mul3A_574 = arith.constant 16 : i32
        %mul3A_575 = arith.muli %add3A_573, %mul3A_574 : i32
        %get3A_576 = arith.constant 1 : i32
        %get3A_577 = arith.index_cast %get3A_576 : i32 to index
        %get3A_578 = arith.index_cast %mul3A_575 : i32 to index
        %get3A_579 = tpu.vector_load %arg6[%get3A_577, %get3A_578] {strides = array<i32>} : memref<2x4096xi32, #tpu.memory_space<vmem>>, vector<16xi32>,
        %gather3A_580 = tpu.vector_load_idx %arg5[%get3A_579] : memref<100000xf32, #tpu.memory_space<vmem>>[vector<16xi32>], vector<16xf32>,
        %swap3A_581 = arith.constant 1 : i32
        %swap3A_582 = arith.index_cast %swap3A_581 : i32 to index
        %swap3A_583 = arith.index_cast %mul3A_575 : i32 to index
        %swap3A_584 = tpu.vector_load %arg7[%swap3A_582, %swap3A_583] {strides = array<i32>} : memref<2x4096xf32, #tpu.memory_space<vmem>>, vector<16xf32>,
        tpu.vector_store %arg7[%swap3A_582, %swap3A_583], %gather3A_580 {strides = array<i32>} : memref<2x4096xf32, #tpu.memory_space<vmem>>, vector<16xf32>,
        %mul3A_585 = arith.constant 32 : i32
        %mul3A_586 = arith.muli %scan3A_256, %mul3A_585 : i32
        %add3A_587 = arith.constant 22 : i32
        %add3A_588 = arith.addi %mul3A_586, %add3A_587 : i32
        %mul3A_589 = arith.constant 16 : i32
        %mul3A_590 = arith.muli %add3A_588, %mul3A_589 : i32
        %get3A_591 = arith.constant 1 : i32
        %get3A_592 = arith.index_cast %get3A_591 : i32 to index
        %get3A_593 = arith.index_cast %mul3A_590 : i32 to index
        %get3A_594 = tpu.vector_load %arg6[%get3A_592, %get3A_593] {strides = array<i32>} : memref<2x4096xi32, #tpu.memory_space<vmem>>, vector<16xi32>,
        %gather3A_595 = tpu.vector_load_idx %arg5[%get3A_594] : memref<100000xf32, #tpu.memory_space<vmem>>[vector<16xi32>], vector<16xf32>,
        %swap3A_596 = arith.constant 1 : i32
        %swap3A_597 = arith.index_cast %swap3A_596 : i32 to index
        %swap3A_598 = arith.index_cast %mul3A_590 : i32 to index
        %swap3A_599 = tpu.vector_load %arg7[%swap3A_597, %swap3A_598] {strides = array<i32>} : memref<2x4096xf32, #tpu.memory_space<vmem>>, vector<16xf32>,
        tpu.vector_store %arg7[%swap3A_597, %swap3A_598], %gather3A_595 {strides = array<i32>} : memref<2x4096xf32, #tpu.memory_space<vmem>>, vector<16xf32>,
        %mul3A_600 = arith.constant 32 : i32
        %mul3A_601 = arith.muli %scan3A_256, %mul3A_600 : i32
        %add3A_602 = arith.constant 23 : i32
        %add3A_603 = arith.addi %mul3A_601, %add3A_602 : i32
        %mul3A_604 = arith.constant 16 : i32
        %mul3A_605 = arith.muli %add3A_603, %mul3A_604 : i32
        %get3A_606 = arith.constant 1 : i32
        %get3A_607 = arith.index_cast %get3A_606 : i32 to index
        %get3A_608 = arith.index_cast %mul3A_605 : i32 to index
        %get3A_609 = tpu.vector_load %arg6[%get3A_607, %get3A_608] {strides = array<i32>} : memref<2x4096xi32, #tpu.memory_space<vmem>>, vector<16xi32>,
        %gather3A_610 = tpu.vector_load_idx %arg5[%get3A_609] : memref<100000xf32, #tpu.memory_space<vmem>>[vector<16xi32>], vector<16xf32>,
        %swap3A_611 = arith.constant 1 : i32
        %swap3A_612 = arith.index_cast %swap3A_611 : i32 to index
        %swap3A_613 = arith.index_cast %mul3A_605 : i32 to index
        %swap3A_614 = tpu.vector_load %arg7[%swap3A_612, %swap3A_613] {strides = array<i32>} : memref<2x4096xf32, #tpu.memory_space<vmem>>, vector<16xf32>,
        tpu.vector_store %arg7[%swap3A_612, %swap3A_613], %gather3A_610 {strides = array<i32>} : memref<2x4096xf32, #tpu.memory_space<vmem>>, vector<16xf32>,
        %mul3A_615 = arith.constant 32 : i32
        %mul3A_616 = arith.muli %scan3A_256, %mul3A_615 : i32
        %add3A_617 = arith.constant 24 : i32
        %add3A_618 = arith.addi %mul3A_616, %add3A_617 : i32
        %mul3A_619 = arith.constant 16 : i32
        %mul3A_620 = arith.muli %add3A_618, %mul3A_619 : i32
        %get3A_621 = arith.constant 1 : i32
        %get3A_622 = arith.index_cast %get3A_621 : i32 to index
        %get3A_623 = arith.index_cast %mul3A_620 : i32 to index
        %get3A_624 = tpu.vector_load %arg6[%get3A_622, %get3A_623] {strides = array<i32>} : memref<2x4096xi32, #tpu.memory_space<vmem>>, vector<16xi32>,
        %gather3A_625 = tpu.vector_load_idx %arg5[%get3A_624] : memref<100000xf32, #tpu.memory_space<vmem>>[vector<16xi32>], vector<16xf32>,
        %swap3A_626 = arith.constant 1 : i32
        %swap3A_627 = arith.index_cast %swap3A_626 : i32 to index
        %swap3A_628 = arith.index_cast %mul3A_620 : i32 to index
        %swap3A_629 = tpu.vector_load %arg7[%swap3A_627, %swap3A_628] {strides = array<i32>} : memref<2x4096xf32, #tpu.memory_space<vmem>>, vector<16xf32>,
        tpu.vector_store %arg7[%swap3A_627, %swap3A_628], %gather3A_625 {strides = array<i32>} : memref<2x4096xf32, #tpu.memory_space<vmem>>, vector<16xf32>,
        %mul3A_630 = arith.constant 32 : i32
        %mul3A_631 = arith.muli %scan3A_256, %mul3A_630 : i32
        %add3A_632 = arith.constant 25 : i32
        %add3A_633 = arith.addi %mul3A_631, %add3A_632 : i32
        %mul3A_634 = arith.constant 16 : i32
        %mul3A_635 = arith.muli %add3A_633, %mul3A_634 : i32
        %get3A_636 = arith.constant 1 : i32
        %get3A_637 = arith.index_cast %get3A_636 : i32 to index
        %get3A_638 = arith.index_cast %mul3A_635 : i32 to index
        %get3A_639 = tpu.vector_load %arg6[%get3A_637, %get3A_638] {strides = array<i32>} : memref<2x4096xi32, #tpu.memory_space<vmem>>, vector<16xi32>,
        %gather3A_640 = tpu.vector_load_idx %arg5[%get3A_639] : memref<100000xf32, #tpu.memory_space<vmem>>[vector<16xi32>], vector<16xf32>,
        %swap3A_641 = arith.constant 1 : i32
        %swap3A_642 = arith.index_cast %swap3A_641 : i32 to index
        %swap3A_643 = arith.index_cast %mul3A_635 : i32 to index
        %swap3A_644 = tpu.vector_load %arg7[%swap3A_642, %swap3A_643] {strides = array<i32>} : memref<2x4096xf32, #tpu.memory_space<vmem>>, vector<16xf32>,
        tpu.vector_store %arg7[%swap3A_642, %swap3A_643], %gather3A_640 {strides = array<i32>} : memref<2x4096xf32, #tpu.memory_space<vmem>>, vector<16xf32>,
        %mul3A_645 = arith.constant 32 : i32
        %mul3A_646 = arith.muli %scan3A_256, %mul3A_645 : i32
        %add3A_647 = arith.constant 26 : i32
        %add3A_648 = arith.addi %mul3A_646, %add3A_647 : i32
        %mul3A_649 = arith.constant 16 : i32
        %mul3A_650 = arith.muli %add3A_648, %mul3A_649 : i32
        %get3A_651 = arith.constant 1 : i32
        %get3A_652 = arith.index_cast %get3A_651 : i32 to index
        %get3A_653 = arith.index_cast %mul3A_650 : i32 to index
        %get3A_654 = tpu.vector_load %arg6[%get3A_652, %get3A_653] {strides = array<i32>} : memref<2x4096xi32, #tpu.memory_space<vmem>>, vector<16xi32>,
        %gather3A_655 = tpu.vector_load_idx %arg5[%get3A_654] : memref<100000xf32, #tpu.memory_space<vmem>>[vector<16xi32>], vector<16xf32>,
        %swap3A_656 = arith.constant 1 : i32
        %swap3A_657 = arith.index_cast %swap3A_656 : i32 to index
        %swap3A_658 = arith.index_cast %mul3A_650 : i32 to index
        %swap3A_659 = tpu.vector_load %arg7[%swap3A_657, %swap3A_658] {strides = array<i32>} : memref<2x4096xf32, #tpu.memory_space<vmem>>, vector<16xf32>,
        tpu.vector_store %arg7[%swap3A_657, %swap3A_658], %gather3A_655 {strides = array<i32>} : memref<2x4096xf32, #tpu.memory_space<vmem>>, vector<16xf32>,
        %mul3A_660 = arith.constant 32 : i32
        %mul3A_661 = arith.muli %scan3A_256, %mul3A_660 : i32
        %add3A_662 = arith.constant 27 : i32
        %add3A_663 = arith.addi %mul3A_661, %add3A_662 : i32
        %mul3A_664 = arith.constant 16 : i32
        %mul3A_665 = arith.muli %add3A_663, %mul3A_664 : i32
        %get3A_666 = arith.constant 1 : i32
        %get3A_667 = arith.index_cast %get3A_666 : i32 to index
        %get3A_668 = arith.index_cast %mul3A_665 : i32 to index
        %get3A_669 = tpu.vector_load %arg6[%get3A_667, %get3A_668] {strides = array<i32>} : memref<2x4096xi32, #tpu.memory_space<vmem>>, vector<16xi32>,
        %gather3A_670 = tpu.vector_load_idx %arg5[%get3A_669] : memref<100000xf32, #tpu.memory_space<vmem>>[vector<16xi32>], vector<16xf32>,
        %swap3A_671 = arith.constant 1 : i32
        %swap3A_672 = arith.index_cast %swap3A_671 : i32 to index
        %swap3A_673 = arith.index_cast %mul3A_665 : i32 to index
        %swap3A_674 = tpu.vector_load %arg7[%swap3A_672, %swap3A_673] {strides = array<i32>} : memref<2x4096xf32, #tpu.memory_space<vmem>>, vector<16xf32>,
        tpu.vector_store %arg7[%swap3A_672, %swap3A_673], %gather3A_670 {strides = array<i32>} : memref<2x4096xf32, #tpu.memory_space<vmem>>, vector<16xf32>,
        %mul3A_675 = arith.constant 32 : i32
        %mul3A_676 = arith.muli %scan3A_256, %mul3A_675 : i32
        %add3A_677 = arith.constant 28 : i32
        %add3A_678 = arith.addi %mul3A_676, %add3A_677 : i32
        %mul3A_679 = arith.constant 16 : i32
        %mul3A_680 = arith.muli %add3A_678, %mul3A_679 : i32
        %get3A_681 = arith.constant 1 : i32
        %get3A_682 = arith.index_cast %get3A_681 : i32 to index
        %get3A_683 = arith.index_cast %mul3A_680 : i32 to index
        %get3A_684 = tpu.vector_load %arg6[%get3A_682, %get3A_683] {strides = array<i32>} : memref<2x4096xi32, #tpu.memory_space<vmem>>, vector<16xi32>,
        %gather3A_685 = tpu.vector_load_idx %arg5[%get3A_684] : memref<100000xf32, #tpu.memory_space<vmem>>[vector<16xi32>], vector<16xf32>,
        %swap3A_686 = arith.constant 1 : i32
        %swap3A_687 = arith.index_cast %swap3A_686 : i32 to index
        %swap3A_688 = arith.index_cast %mul3A_680 : i32 to index
        %swap3A_689 = tpu.vector_load %arg7[%swap3A_687, %swap3A_688] {strides = array<i32>} : memref<2x4096xf32, #tpu.memory_space<vmem>>, vector<16xf32>,
        tpu.vector_store %arg7[%swap3A_687, %swap3A_688], %gather3A_685 {strides = array<i32>} : memref<2x4096xf32, #tpu.memory_space<vmem>>, vector<16xf32>,
        %mul3A_690 = arith.constant 32 : i32
        %mul3A_691 = arith.muli %scan3A_256, %mul3A_690 : i32
        %add3A_692 = arith.constant 29 : i32
        %add3A_693 = arith.addi %mul3A_691, %add3A_692 : i32
        %mul3A_694 = arith.constant 16 : i32
        %mul3A_695 = arith.muli %add3A_693, %mul3A_694 : i32
        %get3A_696 = arith.constant 1 : i32
        %get3A_697 = arith.index_cast %get3A_696 : i32 to index
        %get3A_698 = arith.index_cast %mul3A_695 : i32 to index
        %get3A_699 = tpu.vector_load %arg6[%get3A_697, %get3A_698] {strides = array<i32>} : memref<2x4096xi32, #tpu.memory_space<vmem>>, vector<16xi32>,
        %gather3A_700 = tpu.vector_load_idx %arg5[%get3A_699] : memref<100000xf32, #tpu.memory_space<vmem>>[vector<16xi32>], vector<16xf32>,
        %swap3A_701 = arith.constant 1 : i32
        %swap3A_702 = arith.index_cast %swap3A_701 : i32 to index
        %swap3A_703 = arith.index_cast %mul3A_695 : i32 to index
        %swap3A_704 = tpu.vector_load %arg7[%swap3A_702, %swap3A_703] {strides = array<i32>} : memref<2x4096xf32, #tpu.memory_space<vmem>>, vector<16xf32>,
        tpu.vector_store %arg7[%swap3A_702, %swap3A_703], %gather3A_700 {strides = array<i32>} : memref<2x4096xf32, #tpu.memory_space<vmem>>, vector<16xf32>,
        %mul3A_705 = arith.constant 32 : i32
        %mul3A_706 = arith.muli %scan3A_256, %mul3A_705 : i32
        %add3A_707 = arith.constant 30 : i32
        %add3A_708 = arith.addi %mul3A_706, %add3A_707 : i32
        %mul3A_709 = arith.constant 16 : i32
        %mul3A_710 = arith.muli %add3A_708, %mul3A_709 : i32
        %get3A_711 = arith.constant 1 : i32
        %get3A_712 = arith.index_cast %get3A_711 : i32 to index
        %get3A_713 = arith.index_cast %mul3A_710 : i32 to index
        %get3A_714 = tpu.vector_load %arg6[%get3A_712, %get3A_713] {strides = array<i32>} : memref<2x4096xi32, #tpu.memory_space<vmem>>, vector<16xi32>,
        %gather3A_715 = tpu.vector_load_idx %arg5[%get3A_714] : memref<100000xf32, #tpu.memory_space<vmem>>[vector<16xi32>], vector<16xf32>,
        %swap3A_716 = arith.constant 1 : i32
        %swap3A_717 = arith.index_cast %swap3A_716 : i32 to index
        %swap3A_718 = arith.index_cast %mul3A_710 : i32 to index
        %swap3A_719 = tpu.vector_load %arg7[%swap3A_717, %swap3A_718] {strides = array<i32>} : memref<2x4096xf32, #tpu.memory_space<vmem>>, vector<16xf32>,
        tpu.vector_store %arg7[%swap3A_717, %swap3A_718], %gather3A_715 {strides = array<i32>} : memref<2x4096xf32, #tpu.memory_space<vmem>>, vector<16xf32>,
        %mul3A_720 = arith.constant 32 : i32
        %mul3A_721 = arith.muli %scan3A_256, %mul3A_720 : i32
        %add3A_722 = arith.constant 31 : i32
        %add3A_723 = arith.addi %mul3A_721, %add3A_722 : i32
        %mul3A_724 = arith.constant 16 : i32
        %mul3A_725 = arith.muli %add3A_723, %mul3A_724 : i32
        %get3A_726 = arith.constant 1 : i32
        %get3A_727 = arith.index_cast %get3A_726 : i32 to index
        %get3A_728 = arith.index_cast %mul3A_725 : i32 to index
        %get3A_729 = tpu.vector_load %arg6[%get3A_727, %get3A_728] {strides = array<i32>} : memref<2x4096xi32, #tpu.memory_space<vmem>>, vector<16xi32>,
        %gather3A_730 = tpu.vector_load_idx %arg5[%get3A_729] : memref<100000xf32, #tpu.memory_space<vmem>>[vector<16xi32>], vector<16xf32>,
        %swap3A_731 = arith.constant 1 : i32
        %swap3A_732 = arith.index_cast %swap3A_731 : i32 to index
        %swap3A_733 = arith.index_cast %mul3A_725 : i32 to index
        %swap3A_734 = tpu.vector_load %arg7[%swap3A_732, %swap3A_733] {strides = array<i32>} : memref<2x4096xf32, #tpu.memory_space<vmem>>, vector<16xf32>,
        tpu.vector_store %arg7[%swap3A_732, %swap3A_733], %gather3A_730 {strides = array<i32>} : memref<2x4096xf32, #tpu.memory_space<vmem>>, vector<16xf32>,
        %scan3A_735 = arith.constant 0 : i32
        scf.yield %scan3A_735 : i32
      }
      %scan3A_110 = arith.constant 8 : i32
      %dma_start3A_111 = arith.constant 1 : i32
      %dma_start3A_112 = arith.constant 0 : i32
      %dma_start3A_113 = tpu.memref_slice %arg7[%dma_start3A_111, %dma_start3A_112] : memref<2x4096xf32, #tpu.memory_space<vmem>> -> memref<1x4096xf32, #tpu.memory_space<vmem>>
      %dma_start3A_114 = tpu.memref_squeeze %dma_start3A_113 : memref<1x4096xf32, #tpu.memory_space<vmem>> -> memref<4096xf32, #tpu.memory_space<vmem>>
      %dma_start3A_115 = arith.constant 4096 : i32
      %dma_start3A_116 = tpu.memref_slice %arg4[%scan3A_7, %add3A, %dma_start3A_115] : memref<26x32x16384xf32, #tpu.memory_space<hbm>> -> memref<1x1x4096xf32, #tpu.memory_space<hbm>>
      %dma_start3A_117 = tpu.memref_squeeze %dma_start3A_116 : memref<1x1x4096xf32, #tpu.memory_space<hbm>> -> memref<4096xf32, #tpu.memory_space<hbm>>
      %dma_start3A_118 = arith.constant 4096 : i32
      %dma_start3A_119 = tpu.memref_slice %arg4[%scan3A_7, %add3A, %dma_start3A_118] : memref<26x32x16384xf32, #tpu.memory_space<hbm>> -> memref<1x1x4096xf32, #tpu.memory_space<hbm>>
      %dma_start3A_120 = tpu.memref_squeeze %dma_start3A_119 : memref<1x1x4096xf32, #tpu.memory_space<hbm>> -> memref<4096xf32, #tpu.memory_space<hbm>>
      %dma_start3A_121 = arith.constant 0 : i32
      %dma_start3A_122 = tpu.memref_slice %arg7[%dma_start3A_111, %dma_start3A_121] : memref<2x4096xf32, #tpu.memory_space<vmem>> -> memref<1x4096xf32, #tpu.memory_space<vmem>>
      %dma_start3A_123 = tpu.memref_squeeze %dma_start3A_122 : memref<1x4096xf32, #tpu.memory_space<vmem>> -> memref<4096xf32, #tpu.memory_space<vmem>>
      tpu.enqueue_dma source(%dma_start3A_123 : memref<4096xf32, #tpu.memory_space<vmem>>) target(%dma_start3A_120 : memref<4096xf32, #tpu.memory_space<hbm>>) target_semaphore(%arg10 : memref<!tpu.dma_semaphore, #tpu.memory_space<semaphore_mem>>)
      %dma_wait3A_124 = arith.constant 0 : i32
      %dma_wait3A_125 = arith.constant 0 : i32
      %dma_wait3A_126 = tpu.memref_slice %arg6[%dma_wait3A_124, %dma_wait3A_125] : memref<2x4096xi32, #tpu.memory_space<vmem>> -> memref<1x4096xi32, #tpu.memory_space<vmem>>
      %dma_wait3A_127 = tpu.memref_squeeze %dma_wait3A_126 : memref<1x4096xi32, #tpu.memory_space<vmem>> -> memref<4096xi32, #tpu.memory_space<vmem>>
      %dma_wait3A_128 = arith.constant 8192 : i32
      %dma_wait3A_129 = tpu.memref_slice %arg2[%scan3A_7, %dma_wait3A_128] : memref<26x16384xi32, #tpu.memory_space<hbm>> -> memref<1x4096xi32, #tpu.memory_space<hbm>>
      %dma_wait3A_130 = tpu.memref_squeeze %dma_wait3A_129 : memref<1x4096xi32, #tpu.memory_space<hbm>> -> memref<4096xi32, #tpu.memory_space<hbm>>
      %dma_wait3A_131 = arith.constant 0 : i32
      %dma_wait3A_132 = tpu.memref_slice %arg6[%dma_wait3A_124, %dma_wait3A_131] : memref<2x4096xi32, #tpu.memory_space<vmem>> -> memref<1x4096xi32, #tpu.memory_space<vmem>>
      %dma_wait3A_133 = tpu.memref_squeeze %dma_wait3A_132 : memref<1x4096xi32, #tpu.memory_space<vmem>> -> memref<4096xi32, #tpu.memory_space<vmem>>
      %dma_wait3A_134 = arith.constant 8192 : i32
      %dma_wait3A_135 = tpu.memref_slice %arg2[%scan3A_7, %dma_wait3A_134] : memref<26x16384xi32, #tpu.memory_space<hbm>> -> memref<1x4096xi32, #tpu.memory_space<hbm>>
      %dma_wait3A_136 = tpu.memref_squeeze %dma_wait3A_135 : memref<1x4096xi32, #tpu.memory_space<hbm>> -> memref<4096xi32, #tpu.memory_space<hbm>>
      tpu.wait_dma2 semaphore(%arg9 : memref<!tpu.dma_semaphore, #tpu.memory_space<semaphore_mem>>) src(%dma_wait3A_136 : memref<4096xi32, #tpu.memory_space<hbm>>) dst(%dma_wait3A_133 : memref<4096xi32, #tpu.memory_space<vmem>>)
      %dma_start3A_137 = arith.constant 1 : i32
      %dma_start3A_138 = arith.constant 0 : i32
      %dma_start3A_139 = tpu.memref_slice %arg6[%dma_start3A_137, %dma_start3A_138] : memref<2x4096xi32, #tpu.memory_space<vmem>> -> memref<1x4096xi32, #tpu.memory_space<vmem>>
      %dma_start3A_140 = tpu.memref_squeeze %dma_start3A_139 : memref<1x4096xi32, #tpu.memory_space<vmem>> -> memref<4096xi32, #tpu.memory_space<vmem>>
      %dma_start3A_141 = arith.constant 12288 : i32
      %dma_start3A_142 = tpu.memref_slice %arg2[%scan3A_7, %dma_start3A_141] : memref<26x16384xi32, #tpu.memory_space<hbm>> -> memref<1x4096xi32, #tpu.memory_space<hbm>>
      %dma_start3A_143 = tpu.memref_squeeze %dma_start3A_142 : memref<1x4096xi32, #tpu.memory_space<hbm>> -> memref<4096xi32, #tpu.memory_space<hbm>>
      %dma_start3A_144 = arith.constant 0 : i32
      %dma_start3A_145 = tpu.memref_slice %arg6[%dma_start3A_137, %dma_start3A_144] : memref<2x4096xi32, #tpu.memory_space<vmem>> -> memref<1x4096xi32, #tpu.memory_space<vmem>>
      %dma_start3A_146 = tpu.memref_squeeze %dma_start3A_145 : memref<1x4096xi32, #tpu.memory_space<vmem>> -> memref<4096xi32, #tpu.memory_space<vmem>>
      %dma_start3A_147 = arith.constant 12288 : i32
      %dma_start3A_148 = tpu.memref_slice %arg2[%scan3A_7, %dma_start3A_147] : memref<26x16384xi32, #tpu.memory_space<hbm>> -> memref<1x4096xi32, #tpu.memory_space<hbm>>
      %dma_start3A_149 = tpu.memref_squeeze %dma_start3A_148 : memref<1x4096xi32, #tpu.memory_space<hbm>> -> memref<4096xi32, #tpu.memory_space<hbm>>
      tpu.enqueue_dma source(%dma_start3A_149 : memref<4096xi32, #tpu.memory_space<hbm>>) target(%dma_start3A_146 : memref<4096xi32, #tpu.memory_space<vmem>>) target_semaphore(%arg9 : memref<!tpu.dma_semaphore, #tpu.memory_space<semaphore_mem>>)
      %dma_wait3A_150 = arith.constant 0 : i32
      %dma_wait3A_151 = arith.constant 0 : i32
      %dma_wait3A_152 = tpu.memref_slice %arg7[%dma_wait3A_150, %dma_wait3A_151] : memref<2x4096xf32, #tpu.memory_space<vmem>> -> memref<1x4096xf32, #tpu.memory_space<vmem>>
      %dma_wait3A_153 = tpu.memref_squeeze %dma_wait3A_152 : memref<1x4096xf32, #tpu.memory_space<vmem>> -> memref<4096xf32, #tpu.memory_space<vmem>>
      %dma_wait3A_154 = arith.constant 0 : i32
      %dma_wait3A_155 = tpu.memref_slice %arg4[%scan3A_7, %add3A, %dma_wait3A_154] : memref<26x32x16384xf32, #tpu.memory_space<hbm>> -> memref<1x1x4096xf32, #tpu.memory_space<hbm>>
      %dma_wait3A_156 = tpu.memref_squeeze %dma_wait3A_155 : memref<1x1x4096xf32, #tpu.memory_space<hbm>> -> memref<4096xf32, #tpu.memory_space<hbm>>
      %dma_wait3A_157 = arith.constant 0 : i32
      %dma_wait3A_158 = tpu.memref_slice %arg4[%scan3A_7, %add3A, %dma_wait3A_157] : memref<26x32x16384xf32, #tpu.memory_space<hbm>> -> memref<1x1x4096xf32, #tpu.memory_space<hbm>>
      %dma_wait3A_159 = tpu.memref_squeeze %dma_wait3A_158 : memref<1x1x4096xf32, #tpu.memory_space<hbm>> -> memref<4096xf32, #tpu.memory_space<hbm>>
      %dma_wait3A_160 = arith.constant 0 : i32
      %dma_wait3A_161 = tpu.memref_slice %arg7[%dma_wait3A_150, %dma_wait3A_160] : memref<2x4096xf32, #tpu.memory_space<vmem>> -> memref<1x4096xf32, #tpu.memory_space<vmem>>
      %dma_wait3A_162 = tpu.memref_squeeze %dma_wait3A_161 : memref<1x4096xf32, #tpu.memory_space<vmem>> -> memref<4096xf32, #tpu.memory_space<vmem>>
      tpu.wait_dma2 semaphore(%arg10 : memref<!tpu.dma_semaphore, #tpu.memory_space<semaphore_mem>>) src(%dma_wait3A_162 : memref<4096xf32, #tpu.memory_space<vmem>>) dst(%dma_wait3A_159 : memref<4096xf32, #tpu.memory_space<hbm>>)
      %scan3A_163 = arith.constant 0 : i32
      %scan3A_164 = arith.constant 0 : i32
      %scan3A_165 = arith.constant 8 : i32
      %scan3A_166 = arith.addi %scan3A_164, %scan3A_165 : i32
      %scan3A_167 = arith.constant 1 : i32
      %scan3A_168 = scf.for %scan3A_256 = %scan3A_164 to %scan3A_166 step %scan3A_167 iter_args(%scan3A_257 = %scan3A_163) -> (i32)  : i32 {
        %mul3A_258 = arith.constant 32 : i32
        %mul3A_259 = arith.muli %scan3A_256, %mul3A_258 : i32
        %add3A_260 = arith.constant 0 : i32
        %add3A_261 = arith.addi %mul3A_259, %add3A_260 : i32
        %mul3A_262 = arith.constant 16 : i32
        %mul3A_263 = arith.muli %add3A_261, %mul3A_262 : i32
        %get3A = arith.constant 0 : i32
        %get3A_264 = arith.index_cast %get3A : i32 to index
        %get3A_265 = arith.index_cast %mul3A_263 : i32 to index
        %get3A_266 = tpu.vector_load %arg6[%get3A_264, %get3A_265] {strides = array<i32>} : memref<2x4096xi32, #tpu.memory_space<vmem>>, vector<16xi32>,
        %gather3A = tpu.vector_load_idx %arg5[%get3A_266] : memref<100000xf32, #tpu.memory_space<vmem>>[vector<16xi32>], vector<16xf32>,
        %swap3A = arith.constant 0 : i32
        %swap3A_267 = arith.index_cast %swap3A : i32 to index
        %swap3A_268 = arith.index_cast %mul3A_263 : i32 to index
        %swap3A_269 = tpu.vector_load %arg7[%swap3A_267, %swap3A_268] {strides = array<i32>} : memref<2x4096xf32, #tpu.memory_space<vmem>>, vector<16xf32>,
        tpu.vector_store %arg7[%swap3A_267, %swap3A_268], %gather3A {strides = array<i32>} : memref<2x4096xf32, #tpu.memory_space<vmem>>, vector<16xf32>,
        %mul3A_270 = arith.constant 32 : i32
        %mul3A_271 = arith.muli %scan3A_256, %mul3A_270 : i32
        %add3A_272 = arith.constant 1 : i32
        %add3A_273 = arith.addi %mul3A_271, %add3A_272 : i32
        %mul3A_274 = arith.constant 16 : i32
        %mul3A_275 = arith.muli %add3A_273, %mul3A_274 : i32
        %get3A_276 = arith.constant 0 : i32
        %get3A_277 = arith.index_cast %get3A_276 : i32 to index
        %get3A_278 = arith.index_cast %mul3A_275 : i32 to index
        %get3A_279 = tpu.vector_load %arg6[%get3A_277, %get3A_278] {strides = array<i32>} : memref<2x4096xi32, #tpu.memory_space<vmem>>, vector<16xi32>,
        %gather3A_280 = tpu.vector_load_idx %arg5[%get3A_279] : memref<100000xf32, #tpu.memory_space<vmem>>[vector<16xi32>], vector<16xf32>,
        %swap3A_281 = arith.constant 0 : i32
        %swap3A_282 = arith.index_cast %swap3A_281 : i32 to index
        %swap3A_283 = arith.index_cast %mul3A_275 : i32 to index
        %swap3A_284 = tpu.vector_load %arg7[%swap3A_282, %swap3A_283] {strides = array<i32>} : memref<2x4096xf32, #tpu.memory_space<vmem>>, vector<16xf32>,
        tpu.vector_store %arg7[%swap3A_282, %swap3A_283], %gather3A_280 {strides = array<i32>} : memref<2x4096xf32, #tpu.memory_space<vmem>>, vector<16xf32>,
        %mul3A_285 = arith.constant 32 : i32
        %mul3A_286 = arith.muli %scan3A_256, %mul3A_285 : i32
        %add3A_287 = arith.constant 2 : i32
        %add3A_288 = arith.addi %mul3A_286, %add3A_287 : i32
        %mul3A_289 = arith.constant 16 : i32
        %mul3A_290 = arith.muli %add3A_288, %mul3A_289 : i32
        %get3A_291 = arith.constant 0 : i32
        %get3A_292 = arith.index_cast %get3A_291 : i32 to index
        %get3A_293 = arith.index_cast %mul3A_290 : i32 to index
        %get3A_294 = tpu.vector_load %arg6[%get3A_292, %get3A_293] {strides = array<i32>} : memref<2x4096xi32, #tpu.memory_space<vmem>>, vector<16xi32>,
        %gather3A_295 = tpu.vector_load_idx %arg5[%get3A_294] : memref<100000xf32, #tpu.memory_space<vmem>>[vector<16xi32>], vector<16xf32>,
        %swap3A_296 = arith.constant 0 : i32
        %swap3A_297 = arith.index_cast %swap3A_296 : i32 to index
        %swap3A_298 = arith.index_cast %mul3A_290 : i32 to index
        %swap3A_299 = tpu.vector_load %arg7[%swap3A_297, %swap3A_298] {strides = array<i32>} : memref<2x4096xf32, #tpu.memory_space<vmem>>, vector<16xf32>,
        tpu.vector_store %arg7[%swap3A_297, %swap3A_298], %gather3A_295 {strides = array<i32>} : memref<2x4096xf32, #tpu.memory_space<vmem>>, vector<16xf32>,
        %mul3A_300 = arith.constant 32 : i32
        %mul3A_301 = arith.muli %scan3A_256, %mul3A_300 : i32
        %add3A_302 = arith.constant 3 : i32
        %add3A_303 = arith.addi %mul3A_301, %add3A_302 : i32
        %mul3A_304 = arith.constant 16 : i32
        %mul3A_305 = arith.muli %add3A_303, %mul3A_304 : i32
        %get3A_306 = arith.constant 0 : i32
        %get3A_307 = arith.index_cast %get3A_306 : i32 to index
        %get3A_308 = arith.index_cast %mul3A_305 : i32 to index
        %get3A_309 = tpu.vector_load %arg6[%get3A_307, %get3A_308] {strides = array<i32>} : memref<2x4096xi32, #tpu.memory_space<vmem>>, vector<16xi32>,
        %gather3A_310 = tpu.vector_load_idx %arg5[%get3A_309] : memref<100000xf32, #tpu.memory_space<vmem>>[vector<16xi32>], vector<16xf32>,
        %swap3A_311 = arith.constant 0 : i32
        %swap3A_312 = arith.index_cast %swap3A_311 : i32 to index
        %swap3A_313 = arith.index_cast %mul3A_305 : i32 to index
        %swap3A_314 = tpu.vector_load %arg7[%swap3A_312, %swap3A_313] {strides = array<i32>} : memref<2x4096xf32, #tpu.memory_space<vmem>>, vector<16xf32>,
        tpu.vector_store %arg7[%swap3A_312, %swap3A_313], %gather3A_310 {strides = array<i32>} : memref<2x4096xf32, #tpu.memory_space<vmem>>, vector<16xf32>,
        %mul3A_315 = arith.constant 32 : i32
        %mul3A_316 = arith.muli %scan3A_256, %mul3A_315 : i32
        %add3A_317 = arith.constant 4 : i32
        %add3A_318 = arith.addi %mul3A_316, %add3A_317 : i32
        %mul3A_319 = arith.constant 16 : i32
        %mul3A_320 = arith.muli %add3A_318, %mul3A_319 : i32
        %get3A_321 = arith.constant 0 : i32
        %get3A_322 = arith.index_cast %get3A_321 : i32 to index
        %get3A_323 = arith.index_cast %mul3A_320 : i32 to index
        %get3A_324 = tpu.vector_load %arg6[%get3A_322, %get3A_323] {strides = array<i32>} : memref<2x4096xi32, #tpu.memory_space<vmem>>, vector<16xi32>,
        %gather3A_325 = tpu.vector_load_idx %arg5[%get3A_324] : memref<100000xf32, #tpu.memory_space<vmem>>[vector<16xi32>], vector<16xf32>,
        %swap3A_326 = arith.constant 0 : i32
        %swap3A_327 = arith.index_cast %swap3A_326 : i32 to index
        %swap3A_328 = arith.index_cast %mul3A_320 : i32 to index
        %swap3A_329 = tpu.vector_load %arg7[%swap3A_327, %swap3A_328] {strides = array<i32>} : memref<2x4096xf32, #tpu.memory_space<vmem>>, vector<16xf32>,
        tpu.vector_store %arg7[%swap3A_327, %swap3A_328], %gather3A_325 {strides = array<i32>} : memref<2x4096xf32, #tpu.memory_space<vmem>>, vector<16xf32>,
        %mul3A_330 = arith.constant 32 : i32
        %mul3A_331 = arith.muli %scan3A_256, %mul3A_330 : i32
        %add3A_332 = arith.constant 5 : i32
        %add3A_333 = arith.addi %mul3A_331, %add3A_332 : i32
        %mul3A_334 = arith.constant 16 : i32
        %mul3A_335 = arith.muli %add3A_333, %mul3A_334 : i32
        %get3A_336 = arith.constant 0 : i32
        %get3A_337 = arith.index_cast %get3A_336 : i32 to index
        %get3A_338 = arith.index_cast %mul3A_335 : i32 to index
        %get3A_339 = tpu.vector_load %arg6[%get3A_337, %get3A_338] {strides = array<i32>} : memref<2x4096xi32, #tpu.memory_space<vmem>>, vector<16xi32>,
        %gather3A_340 = tpu.vector_load_idx %arg5[%get3A_339] : memref<100000xf32, #tpu.memory_space<vmem>>[vector<16xi32>], vector<16xf32>,
        %swap3A_341 = arith.constant 0 : i32
        %swap3A_342 = arith.index_cast %swap3A_341 : i32 to index
        %swap3A_343 = arith.index_cast %mul3A_335 : i32 to index
        %swap3A_344 = tpu.vector_load %arg7[%swap3A_342, %swap3A_343] {strides = array<i32>} : memref<2x4096xf32, #tpu.memory_space<vmem>>, vector<16xf32>,
        tpu.vector_store %arg7[%swap3A_342, %swap3A_343], %gather3A_340 {strides = array<i32>} : memref<2x4096xf32, #tpu.memory_space<vmem>>, vector<16xf32>,
        %mul3A_345 = arith.constant 32 : i32
        %mul3A_346 = arith.muli %scan3A_256, %mul3A_345 : i32
        %add3A_347 = arith.constant 6 : i32
        %add3A_348 = arith.addi %mul3A_346, %add3A_347 : i32
        %mul3A_349 = arith.constant 16 : i32
        %mul3A_350 = arith.muli %add3A_348, %mul3A_349 : i32
        %get3A_351 = arith.constant 0 : i32
        %get3A_352 = arith.index_cast %get3A_351 : i32 to index
        %get3A_353 = arith.index_cast %mul3A_350 : i32 to index
        %get3A_354 = tpu.vector_load %arg6[%get3A_352, %get3A_353] {strides = array<i32>} : memref<2x4096xi32, #tpu.memory_space<vmem>>, vector<16xi32>,
        %gather3A_355 = tpu.vector_load_idx %arg5[%get3A_354] : memref<100000xf32, #tpu.memory_space<vmem>>[vector<16xi32>], vector<16xf32>,
        %swap3A_356 = arith.constant 0 : i32
        %swap3A_357 = arith.index_cast %swap3A_356 : i32 to index
        %swap3A_358 = arith.index_cast %mul3A_350 : i32 to index
        %swap3A_359 = tpu.vector_load %arg7[%swap3A_357, %swap3A_358] {strides = array<i32>} : memref<2x4096xf32, #tpu.memory_space<vmem>>, vector<16xf32>,
        tpu.vector_store %arg7[%swap3A_357, %swap3A_358], %gather3A_355 {strides = array<i32>} : memref<2x4096xf32, #tpu.memory_space<vmem>>, vector<16xf32>,
        %mul3A_360 = arith.constant 32 : i32
        %mul3A_361 = arith.muli %scan3A_256, %mul3A_360 : i32
        %add3A_362 = arith.constant 7 : i32
        %add3A_363 = arith.addi %mul3A_361, %add3A_362 : i32
        %mul3A_364 = arith.constant 16 : i32
        %mul3A_365 = arith.muli %add3A_363, %mul3A_364 : i32
        %get3A_366 = arith.constant 0 : i32
        %get3A_367 = arith.index_cast %get3A_366 : i32 to index
        %get3A_368 = arith.index_cast %mul3A_365 : i32 to index
        %get3A_369 = tpu.vector_load %arg6[%get3A_367, %get3A_368] {strides = array<i32>} : memref<2x4096xi32, #tpu.memory_space<vmem>>, vector<16xi32>,
        %gather3A_370 = tpu.vector_load_idx %arg5[%get3A_369] : memref<100000xf32, #tpu.memory_space<vmem>>[vector<16xi32>], vector<16xf32>,
        %swap3A_371 = arith.constant 0 : i32
        %swap3A_372 = arith.index_cast %swap3A_371 : i32 to index
        %swap3A_373 = arith.index_cast %mul3A_365 : i32 to index
        %swap3A_374 = tpu.vector_load %arg7[%swap3A_372, %swap3A_373] {strides = array<i32>} : memref<2x4096xf32, #tpu.memory_space<vmem>>, vector<16xf32>,
        tpu.vector_store %arg7[%swap3A_372, %swap3A_373], %gather3A_370 {strides = array<i32>} : memref<2x4096xf32, #tpu.memory_space<vmem>>, vector<16xf32>,
        %mul3A_375 = arith.constant 32 : i32
        %mul3A_376 = arith.muli %scan3A_256, %mul3A_375 : i32
        %add3A_377 = arith.constant 8 : i32
        %add3A_378 = arith.addi %mul3A_376, %add3A_377 : i32
        %mul3A_379 = arith.constant 16 : i32
        %mul3A_380 = arith.muli %add3A_378, %mul3A_379 : i32
        %get3A_381 = arith.constant 0 : i32
        %get3A_382 = arith.index_cast %get3A_381 : i32 to index
        %get3A_383 = arith.index_cast %mul3A_380 : i32 to index
        %get3A_384 = tpu.vector_load %arg6[%get3A_382, %get3A_383] {strides = array<i32>} : memref<2x4096xi32, #tpu.memory_space<vmem>>, vector<16xi32>,
        %gather3A_385 = tpu.vector_load_idx %arg5[%get3A_384] : memref<100000xf32, #tpu.memory_space<vmem>>[vector<16xi32>], vector<16xf32>,
        %swap3A_386 = arith.constant 0 : i32
        %swap3A_387 = arith.index_cast %swap3A_386 : i32 to index
        %swap3A_388 = arith.index_cast %mul3A_380 : i32 to index
        %swap3A_389 = tpu.vector_load %arg7[%swap3A_387, %swap3A_388] {strides = array<i32>} : memref<2x4096xf32, #tpu.memory_space<vmem>>, vector<16xf32>,
        tpu.vector_store %arg7[%swap3A_387, %swap3A_388], %gather3A_385 {strides = array<i32>} : memref<2x4096xf32, #tpu.memory_space<vmem>>, vector<16xf32>,
        %mul3A_390 = arith.constant 32 : i32
        %mul3A_391 = arith.muli %scan3A_256, %mul3A_390 : i32
        %add3A_392 = arith.constant 9 : i32
        %add3A_393 = arith.addi %mul3A_391, %add3A_392 : i32
        %mul3A_394 = arith.constant 16 : i32
        %mul3A_395 = arith.muli %add3A_393, %mul3A_394 : i32
        %get3A_396 = arith.constant 0 : i32
        %get3A_397 = arith.index_cast %get3A_396 : i32 to index
        %get3A_398 = arith.index_cast %mul3A_395 : i32 to index
        %get3A_399 = tpu.vector_load %arg6[%get3A_397, %get3A_398] {strides = array<i32>} : memref<2x4096xi32, #tpu.memory_space<vmem>>, vector<16xi32>,
        %gather3A_400 = tpu.vector_load_idx %arg5[%get3A_399] : memref<100000xf32, #tpu.memory_space<vmem>>[vector<16xi32>], vector<16xf32>,
        %swap3A_401 = arith.constant 0 : i32
        %swap3A_402 = arith.index_cast %swap3A_401 : i32 to index
        %swap3A_403 = arith.index_cast %mul3A_395 : i32 to index
        %swap3A_404 = tpu.vector_load %arg7[%swap3A_402, %swap3A_403] {strides = array<i32>} : memref<2x4096xf32, #tpu.memory_space<vmem>>, vector<16xf32>,
        tpu.vector_store %arg7[%swap3A_402, %swap3A_403], %gather3A_400 {strides = array<i32>} : memref<2x4096xf32, #tpu.memory_space<vmem>>, vector<16xf32>,
        %mul3A_405 = arith.constant 32 : i32
        %mul3A_406 = arith.muli %scan3A_256, %mul3A_405 : i32
        %add3A_407 = arith.constant 10 : i32
        %add3A_408 = arith.addi %mul3A_406, %add3A_407 : i32
        %mul3A_409 = arith.constant 16 : i32
        %mul3A_410 = arith.muli %add3A_408, %mul3A_409 : i32
        %get3A_411 = arith.constant 0 : i32
        %get3A_412 = arith.index_cast %get3A_411 : i32 to index
        %get3A_413 = arith.index_cast %mul3A_410 : i32 to index
        %get3A_414 = tpu.vector_load %arg6[%get3A_412, %get3A_413] {strides = array<i32>} : memref<2x4096xi32, #tpu.memory_space<vmem>>, vector<16xi32>,
        %gather3A_415 = tpu.vector_load_idx %arg5[%get3A_414] : memref<100000xf32, #tpu.memory_space<vmem>>[vector<16xi32>], vector<16xf32>,
        %swap3A_416 = arith.constant 0 : i32
        %swap3A_417 = arith.index_cast %swap3A_416 : i32 to index
        %swap3A_418 = arith.index_cast %mul3A_410 : i32 to index
        %swap3A_419 = tpu.vector_load %arg7[%swap3A_417, %swap3A_418] {strides = array<i32>} : memref<2x4096xf32, #tpu.memory_space<vmem>>, vector<16xf32>,
        tpu.vector_store %arg7[%swap3A_417, %swap3A_418], %gather3A_415 {strides = array<i32>} : memref<2x4096xf32, #tpu.memory_space<vmem>>, vector<16xf32>,
        %mul3A_420 = arith.constant 32 : i32
        %mul3A_421 = arith.muli %scan3A_256, %mul3A_420 : i32
        %add3A_422 = arith.constant 11 : i32
        %add3A_423 = arith.addi %mul3A_421, %add3A_422 : i32
        %mul3A_424 = arith.constant 16 : i32
        %mul3A_425 = arith.muli %add3A_423, %mul3A_424 : i32
        %get3A_426 = arith.constant 0 : i32
        %get3A_427 = arith.index_cast %get3A_426 : i32 to index
        %get3A_428 = arith.index_cast %mul3A_425 : i32 to index
        %get3A_429 = tpu.vector_load %arg6[%get3A_427, %get3A_428] {strides = array<i32>} : memref<2x4096xi32, #tpu.memory_space<vmem>>, vector<16xi32>,
        %gather3A_430 = tpu.vector_load_idx %arg5[%get3A_429] : memref<100000xf32, #tpu.memory_space<vmem>>[vector<16xi32>], vector<16xf32>,
        %swap3A_431 = arith.constant 0 : i32
        %swap3A_432 = arith.index_cast %swap3A_431 : i32 to index
        %swap3A_433 = arith.index_cast %mul3A_425 : i32 to index
        %swap3A_434 = tpu.vector_load %arg7[%swap3A_432, %swap3A_433] {strides = array<i32>} : memref<2x4096xf32, #tpu.memory_space<vmem>>, vector<16xf32>,
        tpu.vector_store %arg7[%swap3A_432, %swap3A_433], %gather3A_430 {strides = array<i32>} : memref<2x4096xf32, #tpu.memory_space<vmem>>, vector<16xf32>,
        %mul3A_435 = arith.constant 32 : i32
        %mul3A_436 = arith.muli %scan3A_256, %mul3A_435 : i32
        %add3A_437 = arith.constant 12 : i32
        %add3A_438 = arith.addi %mul3A_436, %add3A_437 : i32
        %mul3A_439 = arith.constant 16 : i32
        %mul3A_440 = arith.muli %add3A_438, %mul3A_439 : i32
        %get3A_441 = arith.constant 0 : i32
        %get3A_442 = arith.index_cast %get3A_441 : i32 to index
        %get3A_443 = arith.index_cast %mul3A_440 : i32 to index
        %get3A_444 = tpu.vector_load %arg6[%get3A_442, %get3A_443] {strides = array<i32>} : memref<2x4096xi32, #tpu.memory_space<vmem>>, vector<16xi32>,
        %gather3A_445 = tpu.vector_load_idx %arg5[%get3A_444] : memref<100000xf32, #tpu.memory_space<vmem>>[vector<16xi32>], vector<16xf32>,
        %swap3A_446 = arith.constant 0 : i32
        %swap3A_447 = arith.index_cast %swap3A_446 : i32 to index
        %swap3A_448 = arith.index_cast %mul3A_440 : i32 to index
        %swap3A_449 = tpu.vector_load %arg7[%swap3A_447, %swap3A_448] {strides = array<i32>} : memref<2x4096xf32, #tpu.memory_space<vmem>>, vector<16xf32>,
        tpu.vector_store %arg7[%swap3A_447, %swap3A_448], %gather3A_445 {strides = array<i32>} : memref<2x4096xf32, #tpu.memory_space<vmem>>, vector<16xf32>,
        %mul3A_450 = arith.constant 32 : i32
        %mul3A_451 = arith.muli %scan3A_256, %mul3A_450 : i32
        %add3A_452 = arith.constant 13 : i32
        %add3A_453 = arith.addi %mul3A_451, %add3A_452 : i32
        %mul3A_454 = arith.constant 16 : i32
        %mul3A_455 = arith.muli %add3A_453, %mul3A_454 : i32
        %get3A_456 = arith.constant 0 : i32
        %get3A_457 = arith.index_cast %get3A_456 : i32 to index
        %get3A_458 = arith.index_cast %mul3A_455 : i32 to index
        %get3A_459 = tpu.vector_load %arg6[%get3A_457, %get3A_458] {strides = array<i32>} : memref<2x4096xi32, #tpu.memory_space<vmem>>, vector<16xi32>,
        %gather3A_460 = tpu.vector_load_idx %arg5[%get3A_459] : memref<100000xf32, #tpu.memory_space<vmem>>[vector<16xi32>], vector<16xf32>,
        %swap3A_461 = arith.constant 0 : i32
        %swap3A_462 = arith.index_cast %swap3A_461 : i32 to index
        %swap3A_463 = arith.index_cast %mul3A_455 : i32 to index
        %swap3A_464 = tpu.vector_load %arg7[%swap3A_462, %swap3A_463] {strides = array<i32>} : memref<2x4096xf32, #tpu.memory_space<vmem>>, vector<16xf32>,
        tpu.vector_store %arg7[%swap3A_462, %swap3A_463], %gather3A_460 {strides = array<i32>} : memref<2x4096xf32, #tpu.memory_space<vmem>>, vector<16xf32>,
        %mul3A_465 = arith.constant 32 : i32
        %mul3A_466 = arith.muli %scan3A_256, %mul3A_465 : i32
        %add3A_467 = arith.constant 14 : i32
        %add3A_468 = arith.addi %mul3A_466, %add3A_467 : i32
        %mul3A_469 = arith.constant 16 : i32
        %mul3A_470 = arith.muli %add3A_468, %mul3A_469 : i32
        %get3A_471 = arith.constant 0 : i32
        %get3A_472 = arith.index_cast %get3A_471 : i32 to index
        %get3A_473 = arith.index_cast %mul3A_470 : i32 to index
        %get3A_474 = tpu.vector_load %arg6[%get3A_472, %get3A_473] {strides = array<i32>} : memref<2x4096xi32, #tpu.memory_space<vmem>>, vector<16xi32>,
        %gather3A_475 = tpu.vector_load_idx %arg5[%get3A_474] : memref<100000xf32, #tpu.memory_space<vmem>>[vector<16xi32>], vector<16xf32>,
        %swap3A_476 = arith.constant 0 : i32
        %swap3A_477 = arith.index_cast %swap3A_476 : i32 to index
        %swap3A_478 = arith.index_cast %mul3A_470 : i32 to index
        %swap3A_479 = tpu.vector_load %arg7[%swap3A_477, %swap3A_478] {strides = array<i32>} : memref<2x4096xf32, #tpu.memory_space<vmem>>, vector<16xf32>,
        tpu.vector_store %arg7[%swap3A_477, %swap3A_478], %gather3A_475 {strides = array<i32>} : memref<2x4096xf32, #tpu.memory_space<vmem>>, vector<16xf32>,
        %mul3A_480 = arith.constant 32 : i32
        %mul3A_481 = arith.muli %scan3A_256, %mul3A_480 : i32
        %add3A_482 = arith.constant 15 : i32
        %add3A_483 = arith.addi %mul3A_481, %add3A_482 : i32
        %mul3A_484 = arith.constant 16 : i32
        %mul3A_485 = arith.muli %add3A_483, %mul3A_484 : i32
        %get3A_486 = arith.constant 0 : i32
        %get3A_487 = arith.index_cast %get3A_486 : i32 to index
        %get3A_488 = arith.index_cast %mul3A_485 : i32 to index
        %get3A_489 = tpu.vector_load %arg6[%get3A_487, %get3A_488] {strides = array<i32>} : memref<2x4096xi32, #tpu.memory_space<vmem>>, vector<16xi32>,
        %gather3A_490 = tpu.vector_load_idx %arg5[%get3A_489] : memref<100000xf32, #tpu.memory_space<vmem>>[vector<16xi32>], vector<16xf32>,
        %swap3A_491 = arith.constant 0 : i32
        %swap3A_492 = arith.index_cast %swap3A_491 : i32 to index
        %swap3A_493 = arith.index_cast %mul3A_485 : i32 to index
        %swap3A_494 = tpu.vector_load %arg7[%swap3A_492, %swap3A_493] {strides = array<i32>} : memref<2x4096xf32, #tpu.memory_space<vmem>>, vector<16xf32>,
        tpu.vector_store %arg7[%swap3A_492, %swap3A_493], %gather3A_490 {strides = array<i32>} : memref<2x4096xf32, #tpu.memory_space<vmem>>, vector<16xf32>,
        %mul3A_495 = arith.constant 32 : i32
        %mul3A_496 = arith.muli %scan3A_256, %mul3A_495 : i32
        %add3A_497 = arith.constant 16 : i32
        %add3A_498 = arith.addi %mul3A_496, %add3A_497 : i32
        %mul3A_499 = arith.constant 16 : i32
        %mul3A_500 = arith.muli %add3A_498, %mul3A_499 : i32
        %get3A_501 = arith.constant 0 : i32
        %get3A_502 = arith.index_cast %get3A_501 : i32 to index
        %get3A_503 = arith.index_cast %mul3A_500 : i32 to index
        %get3A_504 = tpu.vector_load %arg6[%get3A_502, %get3A_503] {strides = array<i32>} : memref<2x4096xi32, #tpu.memory_space<vmem>>, vector<16xi32>,
        %gather3A_505 = tpu.vector_load_idx %arg5[%get3A_504] : memref<100000xf32, #tpu.memory_space<vmem>>[vector<16xi32>], vector<16xf32>,
        %swap3A_506 = arith.constant 0 : i32
        %swap3A_507 = arith.index_cast %swap3A_506 : i32 to index
        %swap3A_508 = arith.index_cast %mul3A_500 : i32 to index
        %swap3A_509 = tpu.vector_load %arg7[%swap3A_507, %swap3A_508] {strides = array<i32>} : memref<2x4096xf32, #tpu.memory_space<vmem>>, vector<16xf32>,
        tpu.vector_store %arg7[%swap3A_507, %swap3A_508], %gather3A_505 {strides = array<i32>} : memref<2x4096xf32, #tpu.memory_space<vmem>>, vector<16xf32>,
        %mul3A_510 = arith.constant 32 : i32
        %mul3A_511 = arith.muli %scan3A_256, %mul3A_510 : i32
        %add3A_512 = arith.constant 17 : i32
        %add3A_513 = arith.addi %mul3A_511, %add3A_512 : i32
        %mul3A_514 = arith.constant 16 : i32
        %mul3A_515 = arith.muli %add3A_513, %mul3A_514 : i32
        %get3A_516 = arith.constant 0 : i32
        %get3A_517 = arith.index_cast %get3A_516 : i32 to index
        %get3A_518 = arith.index_cast %mul3A_515 : i32 to index
        %get3A_519 = tpu.vector_load %arg6[%get3A_517, %get3A_518] {strides = array<i32>} : memref<2x4096xi32, #tpu.memory_space<vmem>>, vector<16xi32>,
        %gather3A_520 = tpu.vector_load_idx %arg5[%get3A_519] : memref<100000xf32, #tpu.memory_space<vmem>>[vector<16xi32>], vector<16xf32>,
        %swap3A_521 = arith.constant 0 : i32
        %swap3A_522 = arith.index_cast %swap3A_521 : i32 to index
        %swap3A_523 = arith.index_cast %mul3A_515 : i32 to index
        %swap3A_524 = tpu.vector_load %arg7[%swap3A_522, %swap3A_523] {strides = array<i32>} : memref<2x4096xf32, #tpu.memory_space<vmem>>, vector<16xf32>,
        tpu.vector_store %arg7[%swap3A_522, %swap3A_523], %gather3A_520 {strides = array<i32>} : memref<2x4096xf32, #tpu.memory_space<vmem>>, vector<16xf32>,
        %mul3A_525 = arith.constant 32 : i32
        %mul3A_526 = arith.muli %scan3A_256, %mul3A_525 : i32
        %add3A_527 = arith.constant 18 : i32
        %add3A_528 = arith.addi %mul3A_526, %add3A_527 : i32
        %mul3A_529 = arith.constant 16 : i32
        %mul3A_530 = arith.muli %add3A_528, %mul3A_529 : i32
        %get3A_531 = arith.constant 0 : i32
        %get3A_532 = arith.index_cast %get3A_531 : i32 to index
        %get3A_533 = arith.index_cast %mul3A_530 : i32 to index
        %get3A_534 = tpu.vector_load %arg6[%get3A_532, %get3A_533] {strides = array<i32>} : memref<2x4096xi32, #tpu.memory_space<vmem>>, vector<16xi32>,
        %gather3A_535 = tpu.vector_load_idx %arg5[%get3A_534] : memref<100000xf32, #tpu.memory_space<vmem>>[vector<16xi32>], vector<16xf32>,
        %swap3A_536 = arith.constant 0 : i32
        %swap3A_537 = arith.index_cast %swap3A_536 : i32 to index
        %swap3A_538 = arith.index_cast %mul3A_530 : i32 to index
        %swap3A_539 = tpu.vector_load %arg7[%swap3A_537, %swap3A_538] {strides = array<i32>} : memref<2x4096xf32, #tpu.memory_space<vmem>>, vector<16xf32>,
        tpu.vector_store %arg7[%swap3A_537, %swap3A_538], %gather3A_535 {strides = array<i32>} : memref<2x4096xf32, #tpu.memory_space<vmem>>, vector<16xf32>,
        %mul3A_540 = arith.constant 32 : i32
        %mul3A_541 = arith.muli %scan3A_256, %mul3A_540 : i32
        %add3A_542 = arith.constant 19 : i32
        %add3A_543 = arith.addi %mul3A_541, %add3A_542 : i32
        %mul3A_544 = arith.constant 16 : i32
        %mul3A_545 = arith.muli %add3A_543, %mul3A_544 : i32
        %get3A_546 = arith.constant 0 : i32
        %get3A_547 = arith.index_cast %get3A_546 : i32 to index
        %get3A_548 = arith.index_cast %mul3A_545 : i32 to index
        %get3A_549 = tpu.vector_load %arg6[%get3A_547, %get3A_548] {strides = array<i32>} : memref<2x4096xi32, #tpu.memory_space<vmem>>, vector<16xi32>,
        %gather3A_550 = tpu.vector_load_idx %arg5[%get3A_549] : memref<100000xf32, #tpu.memory_space<vmem>>[vector<16xi32>], vector<16xf32>,
        %swap3A_551 = arith.constant 0 : i32
        %swap3A_552 = arith.index_cast %swap3A_551 : i32 to index
        %swap3A_553 = arith.index_cast %mul3A_545 : i32 to index
        %swap3A_554 = tpu.vector_load %arg7[%swap3A_552, %swap3A_553] {strides = array<i32>} : memref<2x4096xf32, #tpu.memory_space<vmem>>, vector<16xf32>,
        tpu.vector_store %arg7[%swap3A_552, %swap3A_553], %gather3A_550 {strides = array<i32>} : memref<2x4096xf32, #tpu.memory_space<vmem>>, vector<16xf32>,
        %mul3A_555 = arith.constant 32 : i32
        %mul3A_556 = arith.muli %scan3A_256, %mul3A_555 : i32
        %add3A_557 = arith.constant 20 : i32
        %add3A_558 = arith.addi %mul3A_556, %add3A_557 : i32
        %mul3A_559 = arith.constant 16 : i32
        %mul3A_560 = arith.muli %add3A_558, %mul3A_559 : i32
        %get3A_561 = arith.constant 0 : i32
        %get3A_562 = arith.index_cast %get3A_561 : i32 to index
        %get3A_563 = arith.index_cast %mul3A_560 : i32 to index
        %get3A_564 = tpu.vector_load %arg6[%get3A_562, %get3A_563] {strides = array<i32>} : memref<2x4096xi32, #tpu.memory_space<vmem>>, vector<16xi32>,
        %gather3A_565 = tpu.vector_load_idx %arg5[%get3A_564] : memref<100000xf32, #tpu.memory_space<vmem>>[vector<16xi32>], vector<16xf32>,
        %swap3A_566 = arith.constant 0 : i32
        %swap3A_567 = arith.index_cast %swap3A_566 : i32 to index
        %swap3A_568 = arith.index_cast %mul3A_560 : i32 to index
        %swap3A_569 = tpu.vector_load %arg7[%swap3A_567, %swap3A_568] {strides = array<i32>} : memref<2x4096xf32, #tpu.memory_space<vmem>>, vector<16xf32>,
        tpu.vector_store %arg7[%swap3A_567, %swap3A_568], %gather3A_565 {strides = array<i32>} : memref<2x4096xf32, #tpu.memory_space<vmem>>, vector<16xf32>,
        %mul3A_570 = arith.constant 32 : i32
        %mul3A_571 = arith.muli %scan3A_256, %mul3A_570 : i32
        %add3A_572 = arith.constant 21 : i32
        %add3A_573 = arith.addi %mul3A_571, %add3A_572 : i32
        %mul3A_574 = arith.constant 16 : i32
        %mul3A_575 = arith.muli %add3A_573, %mul3A_574 : i32
        %get3A_576 = arith.constant 0 : i32
        %get3A_577 = arith.index_cast %get3A_576 : i32 to index
        %get3A_578 = arith.index_cast %mul3A_575 : i32 to index
        %get3A_579 = tpu.vector_load %arg6[%get3A_577, %get3A_578] {strides = array<i32>} : memref<2x4096xi32, #tpu.memory_space<vmem>>, vector<16xi32>,
        %gather3A_580 = tpu.vector_load_idx %arg5[%get3A_579] : memref<100000xf32, #tpu.memory_space<vmem>>[vector<16xi32>], vector<16xf32>,
        %swap3A_581 = arith.constant 0 : i32
        %swap3A_582 = arith.index_cast %swap3A_581 : i32 to index
        %swap3A_583 = arith.index_cast %mul3A_575 : i32 to index
        %swap3A_584 = tpu.vector_load %arg7[%swap3A_582, %swap3A_583] {strides = array<i32>} : memref<2x4096xf32, #tpu.memory_space<vmem>>, vector<16xf32>,
        tpu.vector_store %arg7[%swap3A_582, %swap3A_583], %gather3A_580 {strides = array<i32>} : memref<2x4096xf32, #tpu.memory_space<vmem>>, vector<16xf32>,
        %mul3A_585 = arith.constant 32 : i32
        %mul3A_586 = arith.muli %scan3A_256, %mul3A_585 : i32
        %add3A_587 = arith.constant 22 : i32
        %add3A_588 = arith.addi %mul3A_586, %add3A_587 : i32
        %mul3A_589 = arith.constant 16 : i32
        %mul3A_590 = arith.muli %add3A_588, %mul3A_589 : i32
        %get3A_591 = arith.constant 0 : i32
        %get3A_592 = arith.index_cast %get3A_591 : i32 to index
        %get3A_593 = arith.index_cast %mul3A_590 : i32 to index
        %get3A_594 = tpu.vector_load %arg6[%get3A_592, %get3A_593] {strides = array<i32>} : memref<2x4096xi32, #tpu.memory_space<vmem>>, vector<16xi32>,
        %gather3A_595 = tpu.vector_load_idx %arg5[%get3A_594] : memref<100000xf32, #tpu.memory_space<vmem>>[vector<16xi32>], vector<16xf32>,
        %swap3A_596 = arith.constant 0 : i32
        %swap3A_597 = arith.index_cast %swap3A_596 : i32 to index
        %swap3A_598 = arith.index_cast %mul3A_590 : i32 to index
        %swap3A_599 = tpu.vector_load %arg7[%swap3A_597, %swap3A_598] {strides = array<i32>} : memref<2x4096xf32, #tpu.memory_space<vmem>>, vector<16xf32>,
        tpu.vector_store %arg7[%swap3A_597, %swap3A_598], %gather3A_595 {strides = array<i32>} : memref<2x4096xf32, #tpu.memory_space<vmem>>, vector<16xf32>,
        %mul3A_600 = arith.constant 32 : i32
        %mul3A_601 = arith.muli %scan3A_256, %mul3A_600 : i32
        %add3A_602 = arith.constant 23 : i32
        %add3A_603 = arith.addi %mul3A_601, %add3A_602 : i32
        %mul3A_604 = arith.constant 16 : i32
        %mul3A_605 = arith.muli %add3A_603, %mul3A_604 : i32
        %get3A_606 = arith.constant 0 : i32
        %get3A_607 = arith.index_cast %get3A_606 : i32 to index
        %get3A_608 = arith.index_cast %mul3A_605 : i32 to index
        %get3A_609 = tpu.vector_load %arg6[%get3A_607, %get3A_608] {strides = array<i32>} : memref<2x4096xi32, #tpu.memory_space<vmem>>, vector<16xi32>,
        %gather3A_610 = tpu.vector_load_idx %arg5[%get3A_609] : memref<100000xf32, #tpu.memory_space<vmem>>[vector<16xi32>], vector<16xf32>,
        %swap3A_611 = arith.constant 0 : i32
        %swap3A_612 = arith.index_cast %swap3A_611 : i32 to index
        %swap3A_613 = arith.index_cast %mul3A_605 : i32 to index
        %swap3A_614 = tpu.vector_load %arg7[%swap3A_612, %swap3A_613] {strides = array<i32>} : memref<2x4096xf32, #tpu.memory_space<vmem>>, vector<16xf32>,
        tpu.vector_store %arg7[%swap3A_612, %swap3A_613], %gather3A_610 {strides = array<i32>} : memref<2x4096xf32, #tpu.memory_space<vmem>>, vector<16xf32>,
        %mul3A_615 = arith.constant 32 : i32
        %mul3A_616 = arith.muli %scan3A_256, %mul3A_615 : i32
        %add3A_617 = arith.constant 24 : i32
        %add3A_618 = arith.addi %mul3A_616, %add3A_617 : i32
        %mul3A_619 = arith.constant 16 : i32
        %mul3A_620 = arith.muli %add3A_618, %mul3A_619 : i32
        %get3A_621 = arith.constant 0 : i32
        %get3A_622 = arith.index_cast %get3A_621 : i32 to index
        %get3A_623 = arith.index_cast %mul3A_620 : i32 to index
        %get3A_624 = tpu.vector_load %arg6[%get3A_622, %get3A_623] {strides = array<i32>} : memref<2x4096xi32, #tpu.memory_space<vmem>>, vector<16xi32>,
        %gather3A_625 = tpu.vector_load_idx %arg5[%get3A_624] : memref<100000xf32, #tpu.memory_space<vmem>>[vector<16xi32>], vector<16xf32>,
        %swap3A_626 = arith.constant 0 : i32
        %swap3A_627 = arith.index_cast %swap3A_626 : i32 to index
        %swap3A_628 = arith.index_cast %mul3A_620 : i32 to index
        %swap3A_629 = tpu.vector_load %arg7[%swap3A_627, %swap3A_628] {strides = array<i32>} : memref<2x4096xf32, #tpu.memory_space<vmem>>, vector<16xf32>,
        tpu.vector_store %arg7[%swap3A_627, %swap3A_628], %gather3A_625 {strides = array<i32>} : memref<2x4096xf32, #tpu.memory_space<vmem>>, vector<16xf32>,
        %mul3A_630 = arith.constant 32 : i32
        %mul3A_631 = arith.muli %scan3A_256, %mul3A_630 : i32
        %add3A_632 = arith.constant 25 : i32
        %add3A_633 = arith.addi %mul3A_631, %add3A_632 : i32
        %mul3A_634 = arith.constant 16 : i32
        %mul3A_635 = arith.muli %add3A_633, %mul3A_634 : i32
        %get3A_636 = arith.constant 0 : i32
        %get3A_637 = arith.index_cast %get3A_636 : i32 to index
        %get3A_638 = arith.index_cast %mul3A_635 : i32 to index
        %get3A_639 = tpu.vector_load %arg6[%get3A_637, %get3A_638] {strides = array<i32>} : memref<2x4096xi32, #tpu.memory_space<vmem>>, vector<16xi32>,
        %gather3A_640 = tpu.vector_load_idx %arg5[%get3A_639] : memref<100000xf32, #tpu.memory_space<vmem>>[vector<16xi32>], vector<16xf32>,
        %swap3A_641 = arith.constant 0 : i32
        %swap3A_642 = arith.index_cast %swap3A_641 : i32 to index
        %swap3A_643 = arith.index_cast %mul3A_635 : i32 to index
        %swap3A_644 = tpu.vector_load %arg7[%swap3A_642, %swap3A_643] {strides = array<i32>} : memref<2x4096xf32, #tpu.memory_space<vmem>>, vector<16xf32>,
        tpu.vector_store %arg7[%swap3A_642, %swap3A_643], %gather3A_640 {strides = array<i32>} : memref<2x4096xf32, #tpu.memory_space<vmem>>, vector<16xf32>,
        %mul3A_645 = arith.constant 32 : i32
        %mul3A_646 = arith.muli %scan3A_256, %mul3A_645 : i32
        %add3A_647 = arith.constant 26 : i32
        %add3A_648 = arith.addi %mul3A_646, %add3A_647 : i32
        %mul3A_649 = arith.constant 16 : i32
        %mul3A_650 = arith.muli %add3A_648, %mul3A_649 : i32
        %get3A_651 = arith.constant 0 : i32
        %get3A_652 = arith.index_cast %get3A_651 : i32 to index
        %get3A_653 = arith.index_cast %mul3A_650 : i32 to index
        %get3A_654 = tpu.vector_load %arg6[%get3A_652, %get3A_653] {strides = array<i32>} : memref<2x4096xi32, #tpu.memory_space<vmem>>, vector<16xi32>,
        %gather3A_655 = tpu.vector_load_idx %arg5[%get3A_654] : memref<100000xf32, #tpu.memory_space<vmem>>[vector<16xi32>], vector<16xf32>,
        %swap3A_656 = arith.constant 0 : i32
        %swap3A_657 = arith.index_cast %swap3A_656 : i32 to index
        %swap3A_658 = arith.index_cast %mul3A_650 : i32 to index
        %swap3A_659 = tpu.vector_load %arg7[%swap3A_657, %swap3A_658] {strides = array<i32>} : memref<2x4096xf32, #tpu.memory_space<vmem>>, vector<16xf32>,
        tpu.vector_store %arg7[%swap3A_657, %swap3A_658], %gather3A_655 {strides = array<i32>} : memref<2x4096xf32, #tpu.memory_space<vmem>>, vector<16xf32>,
        %mul3A_660 = arith.constant 32 : i32
        %mul3A_661 = arith.muli %scan3A_256, %mul3A_660 : i32
        %add3A_662 = arith.constant 27 : i32
        %add3A_663 = arith.addi %mul3A_661, %add3A_662 : i32
        %mul3A_664 = arith.constant 16 : i32
        %mul3A_665 = arith.muli %add3A_663, %mul3A_664 : i32
        %get3A_666 = arith.constant 0 : i32
        %get3A_667 = arith.index_cast %get3A_666 : i32 to index
        %get3A_668 = arith.index_cast %mul3A_665 : i32 to index
        %get3A_669 = tpu.vector_load %arg6[%get3A_667, %get3A_668] {strides = array<i32>} : memref<2x4096xi32, #tpu.memory_space<vmem>>, vector<16xi32>,
        %gather3A_670 = tpu.vector_load_idx %arg5[%get3A_669] : memref<100000xf32, #tpu.memory_space<vmem>>[vector<16xi32>], vector<16xf32>,
        %swap3A_671 = arith.constant 0 : i32
        %swap3A_672 = arith.index_cast %swap3A_671 : i32 to index
        %swap3A_673 = arith.index_cast %mul3A_665 : i32 to index
        %swap3A_674 = tpu.vector_load %arg7[%swap3A_672, %swap3A_673] {strides = array<i32>} : memref<2x4096xf32, #tpu.memory_space<vmem>>, vector<16xf32>,
        tpu.vector_store %arg7[%swap3A_672, %swap3A_673], %gather3A_670 {strides = array<i32>} : memref<2x4096xf32, #tpu.memory_space<vmem>>, vector<16xf32>,
        %mul3A_675 = arith.constant 32 : i32
        %mul3A_676 = arith.muli %scan3A_256, %mul3A_675 : i32
        %add3A_677 = arith.constant 28 : i32
        %add3A_678 = arith.addi %mul3A_676, %add3A_677 : i32
        %mul3A_679 = arith.constant 16 : i32
        %mul3A_680 = arith.muli %add3A_678, %mul3A_679 : i32
        %get3A_681 = arith.constant 0 : i32
        %get3A_682 = arith.index_cast %get3A_681 : i32 to index
        %get3A_683 = arith.index_cast %mul3A_680 : i32 to index
        %get3A_684 = tpu.vector_load %arg6[%get3A_682, %get3A_683] {strides = array<i32>} : memref<2x4096xi32, #tpu.memory_space<vmem>>, vector<16xi32>,
        %gather3A_685 = tpu.vector_load_idx %arg5[%get3A_684] : memref<100000xf32, #tpu.memory_space<vmem>>[vector<16xi32>], vector<16xf32>,
        %swap3A_686 = arith.constant 0 : i32
        %swap3A_687 = arith.index_cast %swap3A_686 : i32 to index
        %swap3A_688 = arith.index_cast %mul3A_680 : i32 to index
        %swap3A_689 = tpu.vector_load %arg7[%swap3A_687, %swap3A_688] {strides = array<i32>} : memref<2x4096xf32, #tpu.memory_space<vmem>>, vector<16xf32>,
        tpu.vector_store %arg7[%swap3A_687, %swap3A_688], %gather3A_685 {strides = array<i32>} : memref<2x4096xf32, #tpu.memory_space<vmem>>, vector<16xf32>,
        %mul3A_690 = arith.constant 32 : i32
        %mul3A_691 = arith.muli %scan3A_256, %mul3A_690 : i32
        %add3A_692 = arith.constant 29 : i32
        %add3A_693 = arith.addi %mul3A_691, %add3A_692 : i32
        %mul3A_694 = arith.constant 16 : i32
        %mul3A_695 = arith.muli %add3A_693, %mul3A_694 : i32
        %get3A_696 = arith.constant 0 : i32
        %get3A_697 = arith.index_cast %get3A_696 : i32 to index
        %get3A_698 = arith.index_cast %mul3A_695 : i32 to index
        %get3A_699 = tpu.vector_load %arg6[%get3A_697, %get3A_698] {strides = array<i32>} : memref<2x4096xi32, #tpu.memory_space<vmem>>, vector<16xi32>,
        %gather3A_700 = tpu.vector_load_idx %arg5[%get3A_699] : memref<100000xf32, #tpu.memory_space<vmem>>[vector<16xi32>], vector<16xf32>,
        %swap3A_701 = arith.constant 0 : i32
        %swap3A_702 = arith.index_cast %swap3A_701 : i32 to index
        %swap3A_703 = arith.index_cast %mul3A_695 : i32 to index
        %swap3A_704 = tpu.vector_load %arg7[%swap3A_702, %swap3A_703] {strides = array<i32>} : memref<2x4096xf32, #tpu.memory_space<vmem>>, vector<16xf32>,
        tpu.vector_store %arg7[%swap3A_702, %swap3A_703], %gather3A_700 {strides = array<i32>} : memref<2x4096xf32, #tpu.memory_space<vmem>>, vector<16xf32>,
        %mul3A_705 = arith.constant 32 : i32
        %mul3A_706 = arith.muli %scan3A_256, %mul3A_705 : i32
        %add3A_707 = arith.constant 30 : i32
        %add3A_708 = arith.addi %mul3A_706, %add3A_707 : i32
        %mul3A_709 = arith.constant 16 : i32
        %mul3A_710 = arith.muli %add3A_708, %mul3A_709 : i32
        %get3A_711 = arith.constant 0 : i32
        %get3A_712 = arith.index_cast %get3A_711 : i32 to index
        %get3A_713 = arith.index_cast %mul3A_710 : i32 to index
        %get3A_714 = tpu.vector_load %arg6[%get3A_712, %get3A_713] {strides = array<i32>} : memref<2x4096xi32, #tpu.memory_space<vmem>>, vector<16xi32>,
        %gather3A_715 = tpu.vector_load_idx %arg5[%get3A_714] : memref<100000xf32, #tpu.memory_space<vmem>>[vector<16xi32>], vector<16xf32>,
        %swap3A_716 = arith.constant 0 : i32
        %swap3A_717 = arith.index_cast %swap3A_716 : i32 to index
        %swap3A_718 = arith.index_cast %mul3A_710 : i32 to index
        %swap3A_719 = tpu.vector_load %arg7[%swap3A_717, %swap3A_718] {strides = array<i32>} : memref<2x4096xf32, #tpu.memory_space<vmem>>, vector<16xf32>,
        tpu.vector_store %arg7[%swap3A_717, %swap3A_718], %gather3A_715 {strides = array<i32>} : memref<2x4096xf32, #tpu.memory_space<vmem>>, vector<16xf32>,
        %mul3A_720 = arith.constant 32 : i32
        %mul3A_721 = arith.muli %scan3A_256, %mul3A_720 : i32
        %add3A_722 = arith.constant 31 : i32
        %add3A_723 = arith.addi %mul3A_721, %add3A_722 : i32
        %mul3A_724 = arith.constant 16 : i32
        %mul3A_725 = arith.muli %add3A_723, %mul3A_724 : i32
        %get3A_726 = arith.constant 0 : i32
        %get3A_727 = arith.index_cast %get3A_726 : i32 to index
        %get3A_728 = arith.index_cast %mul3A_725 : i32 to index
        %get3A_729 = tpu.vector_load %arg6[%get3A_727, %get3A_728] {strides = array<i32>} : memref<2x4096xi32, #tpu.memory_space<vmem>>, vector<16xi32>,
        %gather3A_730 = tpu.vector_load_idx %arg5[%get3A_729] : memref<100000xf32, #tpu.memory_space<vmem>>[vector<16xi32>], vector<16xf32>,
        %swap3A_731 = arith.constant 0 : i32
        %swap3A_732 = arith.index_cast %swap3A_731 : i32 to index
        %swap3A_733 = arith.index_cast %mul3A_725 : i32 to index
        %swap3A_734 = tpu.vector_load %arg7[%swap3A_732, %swap3A_733] {strides = array<i32>} : memref<2x4096xf32, #tpu.memory_space<vmem>>, vector<16xf32>,
        tpu.vector_store %arg7[%swap3A_732, %swap3A_733], %gather3A_730 {strides = array<i32>} : memref<2x4096xf32, #tpu.memory_space<vmem>>, vector<16xf32>,
        %scan3A_735 = arith.constant 0 : i32
        scf.yield %scan3A_735 : i32
      }
      %scan3A_169 = arith.constant 8 : i32
      %dma_start3A_170 = arith.constant 0 : i32
      %dma_start3A_171 = arith.constant 0 : i32
      %dma_start3A_172 = tpu.memref_slice %arg7[%dma_start3A_170, %dma_start3A_171] : memref<2x4096xf32, #tpu.memory_space<vmem>> -> memref<1x4096xf32, #tpu.memory_space<vmem>>
      %dma_start3A_173 = tpu.memref_squeeze %dma_start3A_172 : memref<1x4096xf32, #tpu.memory_space<vmem>> -> memref<4096xf32, #tpu.memory_space<vmem>>
      %dma_start3A_174 = arith.constant 8192 : i32
      %dma_start3A_175 = tpu.memref_slice %arg4[%scan3A_7, %add3A, %dma_start3A_174] : memref<26x32x16384xf32, #tpu.memory_space<hbm>> -> memref<1x1x4096xf32, #tpu.memory_space<hbm>>
      %dma_start3A_176 = tpu.memref_squeeze %dma_start3A_175 : memref<1x1x4096xf32, #tpu.memory_space<hbm>> -> memref<4096xf32, #tpu.memory_space<hbm>>
      %dma_start3A_177 = arith.constant 8192 : i32
      %dma_start3A_178 = tpu.memref_slice %arg4[%scan3A_7, %add3A, %dma_start3A_177] : memref<26x32x16384xf32, #tpu.memory_space<hbm>> -> memref<1x1x4096xf32, #tpu.memory_space<hbm>>
      %dma_start3A_179 = tpu.memref_squeeze %dma_start3A_178 : memref<1x1x4096xf32, #tpu.memory_space<hbm>> -> memref<4096xf32, #tpu.memory_space<hbm>>
      %dma_start3A_180 = arith.constant 0 : i32
      %dma_start3A_181 = tpu.memref_slice %arg7[%dma_start3A_170, %dma_start3A_180] : memref<2x4096xf32, #tpu.memory_space<vmem>> -> memref<1x4096xf32, #tpu.memory_space<vmem>>
      %dma_start3A_182 = tpu.memref_squeeze %dma_start3A_181 : memref<1x4096xf32, #tpu.memory_space<vmem>> -> memref<4096xf32, #tpu.memory_space<vmem>>
      tpu.enqueue_dma source(%dma_start3A_182 : memref<4096xf32, #tpu.memory_space<vmem>>) target(%dma_start3A_179 : memref<4096xf32, #tpu.memory_space<hbm>>) target_semaphore(%arg10 : memref<!tpu.dma_semaphore, #tpu.memory_space<semaphore_mem>>)
      %dma_wait3A_183 = arith.constant 1 : i32
      %dma_wait3A_184 = arith.constant 0 : i32
      %dma_wait3A_185 = tpu.memref_slice %arg6[%dma_wait3A_183, %dma_wait3A_184] : memref<2x4096xi32, #tpu.memory_space<vmem>> -> memref<1x4096xi32, #tpu.memory_space<vmem>>
      %dma_wait3A_186 = tpu.memref_squeeze %dma_wait3A_185 : memref<1x4096xi32, #tpu.memory_space<vmem>> -> memref<4096xi32, #tpu.memory_space<vmem>>
      %dma_wait3A_187 = arith.constant 12288 : i32
      %dma_wait3A_188 = tpu.memref_slice %arg2[%scan3A_7, %dma_wait3A_187] : memref<26x16384xi32, #tpu.memory_space<hbm>> -> memref<1x4096xi32, #tpu.memory_space<hbm>>
      %dma_wait3A_189 = tpu.memref_squeeze %dma_wait3A_188 : memref<1x4096xi32, #tpu.memory_space<hbm>> -> memref<4096xi32, #tpu.memory_space<hbm>>
      %dma_wait3A_190 = arith.constant 0 : i32
      %dma_wait3A_191 = tpu.memref_slice %arg6[%dma_wait3A_183, %dma_wait3A_190] : memref<2x4096xi32, #tpu.memory_space<vmem>> -> memref<1x4096xi32, #tpu.memory_space<vmem>>
      %dma_wait3A_192 = tpu.memref_squeeze %dma_wait3A_191 : memref<1x4096xi32, #tpu.memory_space<vmem>> -> memref<4096xi32, #tpu.memory_space<vmem>>
      %dma_wait3A_193 = arith.constant 12288 : i32
      %dma_wait3A_194 = tpu.memref_slice %arg2[%scan3A_7, %dma_wait3A_193] : memref<26x16384xi32, #tpu.memory_space<hbm>> -> memref<1x4096xi32, #tpu.memory_space<hbm>>
      %dma_wait3A_195 = tpu.memref_squeeze %dma_wait3A_194 : memref<1x4096xi32, #tpu.memory_space<hbm>> -> memref<4096xi32, #tpu.memory_space<hbm>>
      tpu.wait_dma2 semaphore(%arg9 : memref<!tpu.dma_semaphore, #tpu.memory_space<semaphore_mem>>) src(%dma_wait3A_195 : memref<4096xi32, #tpu.memory_space<hbm>>) dst(%dma_wait3A_192 : memref<4096xi32, #tpu.memory_space<vmem>>)
      %dma_wait3A_196 = arith.constant 1 : i32
      %dma_wait3A_197 = arith.constant 0 : i32
      %dma_wait3A_198 = tpu.memref_slice %arg7[%dma_wait3A_196, %dma_wait3A_197] : memref<2x4096xf32, #tpu.memory_space<vmem>> -> memref<1x4096xf32, #tpu.memory_space<vmem>>
      %dma_wait3A_199 = tpu.memref_squeeze %dma_wait3A_198 : memref<1x4096xf32, #tpu.memory_space<vmem>> -> memref<4096xf32, #tpu.memory_space<vmem>>
      %dma_wait3A_200 = arith.constant 4096 : i32
      %dma_wait3A_201 = tpu.memref_slice %arg4[%scan3A_7, %add3A, %dma_wait3A_200] : memref<26x32x16384xf32, #tpu.memory_space<hbm>> -> memref<1x1x4096xf32, #tpu.memory_space<hbm>>
      %dma_wait3A_202 = tpu.memref_squeeze %dma_wait3A_201 : memref<1x1x4096xf32, #tpu.memory_space<hbm>> -> memref<4096xf32, #tpu.memory_space<hbm>>
      %dma_wait3A_203 = arith.constant 4096 : i32
      %dma_wait3A_204 = tpu.memref_slice %arg4[%scan3A_7, %add3A, %dma_wait3A_203] : memref<26x32x16384xf32, #tpu.memory_space<hbm>> -> memref<1x1x4096xf32, #tpu.memory_space<hbm>>
      %dma_wait3A_205 = tpu.memref_squeeze %dma_wait3A_204 : memref<1x1x4096xf32, #tpu.memory_space<hbm>> -> memref<4096xf32, #tpu.memory_space<hbm>>
      %dma_wait3A_206 = arith.constant 0 : i32
      %dma_wait3A_207 = tpu.memref_slice %arg7[%dma_wait3A_196, %dma_wait3A_206] : memref<2x4096xf32, #tpu.memory_space<vmem>> -> memref<1x4096xf32, #tpu.memory_space<vmem>>
      %dma_wait3A_208 = tpu.memref_squeeze %dma_wait3A_207 : memref<1x4096xf32, #tpu.memory_space<vmem>> -> memref<4096xf32, #tpu.memory_space<vmem>>
      tpu.wait_dma2 semaphore(%arg10 : memref<!tpu.dma_semaphore, #tpu.memory_space<semaphore_mem>>) src(%dma_wait3A_208 : memref<4096xf32, #tpu.memory_space<vmem>>) dst(%dma_wait3A_205 : memref<4096xf32, #tpu.memory_space<hbm>>)
      %scan3A_209 = arith.constant 0 : i32
      %scan3A_210 = arith.constant 0 : i32
      %scan3A_211 = arith.constant 8 : i32
      %scan3A_212 = arith.addi %scan3A_210, %scan3A_211 : i32
      %scan3A_213 = arith.constant 1 : i32
      %scan3A_214 = scf.for %scan3A_256 = %scan3A_210 to %scan3A_212 step %scan3A_213 iter_args(%scan3A_257 = %scan3A_209) -> (i32)  : i32 {
        %mul3A_258 = arith.constant 32 : i32
        %mul3A_259 = arith.muli %scan3A_256, %mul3A_258 : i32
        %add3A_260 = arith.constant 0 : i32
        %add3A_261 = arith.addi %mul3A_259, %add3A_260 : i32
        %mul3A_262 = arith.constant 16 : i32
        %mul3A_263 = arith.muli %add3A_261, %mul3A_262 : i32
        %get3A = arith.constant 1 : i32
        %get3A_264 = arith.index_cast %get3A : i32 to index
        %get3A_265 = arith.index_cast %mul3A_263 : i32 to index
        %get3A_266 = tpu.vector_load %arg6[%get3A_264, %get3A_265] {strides = array<i32>} : memref<2x4096xi32, #tpu.memory_space<vmem>>, vector<16xi32>,
        %gather3A = tpu.vector_load_idx %arg5[%get3A_266] : memref<100000xf32, #tpu.memory_space<vmem>>[vector<16xi32>], vector<16xf32>,
        %swap3A = arith.constant 1 : i32
        %swap3A_267 = arith.index_cast %swap3A : i32 to index
        %swap3A_268 = arith.index_cast %mul3A_263 : i32 to index
        %swap3A_269 = tpu.vector_load %arg7[%swap3A_267, %swap3A_268] {strides = array<i32>} : memref<2x4096xf32, #tpu.memory_space<vmem>>, vector<16xf32>,
        tpu.vector_store %arg7[%swap3A_267, %swap3A_268], %gather3A {strides = array<i32>} : memref<2x4096xf32, #tpu.memory_space<vmem>>, vector<16xf32>,
        %mul3A_270 = arith.constant 32 : i32
        %mul3A_271 = arith.muli %scan3A_256, %mul3A_270 : i32
        %add3A_272 = arith.constant 1 : i32
        %add3A_273 = arith.addi %mul3A_271, %add3A_272 : i32
        %mul3A_274 = arith.constant 16 : i32
        %mul3A_275 = arith.muli %add3A_273, %mul3A_274 : i32
        %get3A_276 = arith.constant 1 : i32
        %get3A_277 = arith.index_cast %get3A_276 : i32 to index
        %get3A_278 = arith.index_cast %mul3A_275 : i32 to index
        %get3A_279 = tpu.vector_load %arg6[%get3A_277, %get3A_278] {strides = array<i32>} : memref<2x4096xi32, #tpu.memory_space<vmem>>, vector<16xi32>,
        %gather3A_280 = tpu.vector_load_idx %arg5[%get3A_279] : memref<100000xf32, #tpu.memory_space<vmem>>[vector<16xi32>], vector<16xf32>,
        %swap3A_281 = arith.constant 1 : i32
        %swap3A_282 = arith.index_cast %swap3A_281 : i32 to index
        %swap3A_283 = arith.index_cast %mul3A_275 : i32 to index
        %swap3A_284 = tpu.vector_load %arg7[%swap3A_282, %swap3A_283] {strides = array<i32>} : memref<2x4096xf32, #tpu.memory_space<vmem>>, vector<16xf32>,
        tpu.vector_store %arg7[%swap3A_282, %swap3A_283], %gather3A_280 {strides = array<i32>} : memref<2x4096xf32, #tpu.memory_space<vmem>>, vector<16xf32>,
        %mul3A_285 = arith.constant 32 : i32
        %mul3A_286 = arith.muli %scan3A_256, %mul3A_285 : i32
        %add3A_287 = arith.constant 2 : i32
        %add3A_288 = arith.addi %mul3A_286, %add3A_287 : i32
        %mul3A_289 = arith.constant 16 : i32
        %mul3A_290 = arith.muli %add3A_288, %mul3A_289 : i32
        %get3A_291 = arith.constant 1 : i32
        %get3A_292 = arith.index_cast %get3A_291 : i32 to index
        %get3A_293 = arith.index_cast %mul3A_290 : i32 to index
        %get3A_294 = tpu.vector_load %arg6[%get3A_292, %get3A_293] {strides = array<i32>} : memref<2x4096xi32, #tpu.memory_space<vmem>>, vector<16xi32>,
        %gather3A_295 = tpu.vector_load_idx %arg5[%get3A_294] : memref<100000xf32, #tpu.memory_space<vmem>>[vector<16xi32>], vector<16xf32>,
        %swap3A_296 = arith.constant 1 : i32
        %swap3A_297 = arith.index_cast %swap3A_296 : i32 to index
        %swap3A_298 = arith.index_cast %mul3A_290 : i32 to index
        %swap3A_299 = tpu.vector_load %arg7[%swap3A_297, %swap3A_298] {strides = array<i32>} : memref<2x4096xf32, #tpu.memory_space<vmem>>, vector<16xf32>,
        tpu.vector_store %arg7[%swap3A_297, %swap3A_298], %gather3A_295 {strides = array<i32>} : memref<2x4096xf32, #tpu.memory_space<vmem>>, vector<16xf32>,
        %mul3A_300 = arith.constant 32 : i32
        %mul3A_301 = arith.muli %scan3A_256, %mul3A_300 : i32
        %add3A_302 = arith.constant 3 : i32
        %add3A_303 = arith.addi %mul3A_301, %add3A_302 : i32
        %mul3A_304 = arith.constant 16 : i32
        %mul3A_305 = arith.muli %add3A_303, %mul3A_304 : i32
        %get3A_306 = arith.constant 1 : i32
        %get3A_307 = arith.index_cast %get3A_306 : i32 to index
        %get3A_308 = arith.index_cast %mul3A_305 : i32 to index
        %get3A_309 = tpu.vector_load %arg6[%get3A_307, %get3A_308] {strides = array<i32>} : memref<2x4096xi32, #tpu.memory_space<vmem>>, vector<16xi32>,
        %gather3A_310 = tpu.vector_load_idx %arg5[%get3A_309] : memref<100000xf32, #tpu.memory_space<vmem>>[vector<16xi32>], vector<16xf32>,
        %swap3A_311 = arith.constant 1 : i32
        %swap3A_312 = arith.index_cast %swap3A_311 : i32 to index
        %swap3A_313 = arith.index_cast %mul3A_305 : i32 to index
        %swap3A_314 = tpu.vector_load %arg7[%swap3A_312, %swap3A_313] {strides = array<i32>} : memref<2x4096xf32, #tpu.memory_space<vmem>>, vector<16xf32>,
        tpu.vector_store %arg7[%swap3A_312, %swap3A_313], %gather3A_310 {strides = array<i32>} : memref<2x4096xf32, #tpu.memory_space<vmem>>, vector<16xf32>,
        %mul3A_315 = arith.constant 32 : i32
        %mul3A_316 = arith.muli %scan3A_256, %mul3A_315 : i32
        %add3A_317 = arith.constant 4 : i32
        %add3A_318 = arith.addi %mul3A_316, %add3A_317 : i32
        %mul3A_319 = arith.constant 16 : i32
        %mul3A_320 = arith.muli %add3A_318, %mul3A_319 : i32
        %get3A_321 = arith.constant 1 : i32
        %get3A_322 = arith.index_cast %get3A_321 : i32 to index
        %get3A_323 = arith.index_cast %mul3A_320 : i32 to index
        %get3A_324 = tpu.vector_load %arg6[%get3A_322, %get3A_323] {strides = array<i32>} : memref<2x4096xi32, #tpu.memory_space<vmem>>, vector<16xi32>,
        %gather3A_325 = tpu.vector_load_idx %arg5[%get3A_324] : memref<100000xf32, #tpu.memory_space<vmem>>[vector<16xi32>], vector<16xf32>,
        %swap3A_326 = arith.constant 1 : i32
        %swap3A_327 = arith.index_cast %swap3A_326 : i32 to index
        %swap3A_328 = arith.index_cast %mul3A_320 : i32 to index
        %swap3A_329 = tpu.vector_load %arg7[%swap3A_327, %swap3A_328] {strides = array<i32>} : memref<2x4096xf32, #tpu.memory_space<vmem>>, vector<16xf32>,
        tpu.vector_store %arg7[%swap3A_327, %swap3A_328], %gather3A_325 {strides = array<i32>} : memref<2x4096xf32, #tpu.memory_space<vmem>>, vector<16xf32>,
        %mul3A_330 = arith.constant 32 : i32
        %mul3A_331 = arith.muli %scan3A_256, %mul3A_330 : i32
        %add3A_332 = arith.constant 5 : i32
        %add3A_333 = arith.addi %mul3A_331, %add3A_332 : i32
        %mul3A_334 = arith.constant 16 : i32
        %mul3A_335 = arith.muli %add3A_333, %mul3A_334 : i32
        %get3A_336 = arith.constant 1 : i32
        %get3A_337 = arith.index_cast %get3A_336 : i32 to index
        %get3A_338 = arith.index_cast %mul3A_335 : i32 to index
        %get3A_339 = tpu.vector_load %arg6[%get3A_337, %get3A_338] {strides = array<i32>} : memref<2x4096xi32, #tpu.memory_space<vmem>>, vector<16xi32>,
        %gather3A_340 = tpu.vector_load_idx %arg5[%get3A_339] : memref<100000xf32, #tpu.memory_space<vmem>>[vector<16xi32>], vector<16xf32>,
        %swap3A_341 = arith.constant 1 : i32
        %swap3A_342 = arith.index_cast %swap3A_341 : i32 to index
        %swap3A_343 = arith.index_cast %mul3A_335 : i32 to index
        %swap3A_344 = tpu.vector_load %arg7[%swap3A_342, %swap3A_343] {strides = array<i32>} : memref<2x4096xf32, #tpu.memory_space<vmem>>, vector<16xf32>,
        tpu.vector_store %arg7[%swap3A_342, %swap3A_343], %gather3A_340 {strides = array<i32>} : memref<2x4096xf32, #tpu.memory_space<vmem>>, vector<16xf32>,
        %mul3A_345 = arith.constant 32 : i32
        %mul3A_346 = arith.muli %scan3A_256, %mul3A_345 : i32
        %add3A_347 = arith.constant 6 : i32
        %add3A_348 = arith.addi %mul3A_346, %add3A_347 : i32
        %mul3A_349 = arith.constant 16 : i32
        %mul3A_350 = arith.muli %add3A_348, %mul3A_349 : i32
        %get3A_351 = arith.constant 1 : i32
        %get3A_352 = arith.index_cast %get3A_351 : i32 to index
        %get3A_353 = arith.index_cast %mul3A_350 : i32 to index
        %get3A_354 = tpu.vector_load %arg6[%get3A_352, %get3A_353] {strides = array<i32>} : memref<2x4096xi32, #tpu.memory_space<vmem>>, vector<16xi32>,
        %gather3A_355 = tpu.vector_load_idx %arg5[%get3A_354] : memref<100000xf32, #tpu.memory_space<vmem>>[vector<16xi32>], vector<16xf32>,
        %swap3A_356 = arith.constant 1 : i32
        %swap3A_357 = arith.index_cast %swap3A_356 : i32 to index
        %swap3A_358 = arith.index_cast %mul3A_350 : i32 to index
        %swap3A_359 = tpu.vector_load %arg7[%swap3A_357, %swap3A_358] {strides = array<i32>} : memref<2x4096xf32, #tpu.memory_space<vmem>>, vector<16xf32>,
        tpu.vector_store %arg7[%swap3A_357, %swap3A_358], %gather3A_355 {strides = array<i32>} : memref<2x4096xf32, #tpu.memory_space<vmem>>, vector<16xf32>,
        %mul3A_360 = arith.constant 32 : i32
        %mul3A_361 = arith.muli %scan3A_256, %mul3A_360 : i32
        %add3A_362 = arith.constant 7 : i32
        %add3A_363 = arith.addi %mul3A_361, %add3A_362 : i32
        %mul3A_364 = arith.constant 16 : i32
        %mul3A_365 = arith.muli %add3A_363, %mul3A_364 : i32
        %get3A_366 = arith.constant 1 : i32
        %get3A_367 = arith.index_cast %get3A_366 : i32 to index
        %get3A_368 = arith.index_cast %mul3A_365 : i32 to index
        %get3A_369 = tpu.vector_load %arg6[%get3A_367, %get3A_368] {strides = array<i32>} : memref<2x4096xi32, #tpu.memory_space<vmem>>, vector<16xi32>,
        %gather3A_370 = tpu.vector_load_idx %arg5[%get3A_369] : memref<100000xf32, #tpu.memory_space<vmem>>[vector<16xi32>], vector<16xf32>,
        %swap3A_371 = arith.constant 1 : i32
        %swap3A_372 = arith.index_cast %swap3A_371 : i32 to index
        %swap3A_373 = arith.index_cast %mul3A_365 : i32 to index
        %swap3A_374 = tpu.vector_load %arg7[%swap3A_372, %swap3A_373] {strides = array<i32>} : memref<2x4096xf32, #tpu.memory_space<vmem>>, vector<16xf32>,
        tpu.vector_store %arg7[%swap3A_372, %swap3A_373], %gather3A_370 {strides = array<i32>} : memref<2x4096xf32, #tpu.memory_space<vmem>>, vector<16xf32>,
        %mul3A_375 = arith.constant 32 : i32
        %mul3A_376 = arith.muli %scan3A_256, %mul3A_375 : i32
        %add3A_377 = arith.constant 8 : i32
        %add3A_378 = arith.addi %mul3A_376, %add3A_377 : i32
        %mul3A_379 = arith.constant 16 : i32
        %mul3A_380 = arith.muli %add3A_378, %mul3A_379 : i32
        %get3A_381 = arith.constant 1 : i32
        %get3A_382 = arith.index_cast %get3A_381 : i32 to index
        %get3A_383 = arith.index_cast %mul3A_380 : i32 to index
        %get3A_384 = tpu.vector_load %arg6[%get3A_382, %get3A_383] {strides = array<i32>} : memref<2x4096xi32, #tpu.memory_space<vmem>>, vector<16xi32>,
        %gather3A_385 = tpu.vector_load_idx %arg5[%get3A_384] : memref<100000xf32, #tpu.memory_space<vmem>>[vector<16xi32>], vector<16xf32>,
        %swap3A_386 = arith.constant 1 : i32
        %swap3A_387 = arith.index_cast %swap3A_386 : i32 to index
        %swap3A_388 = arith.index_cast %mul3A_380 : i32 to index
        %swap3A_389 = tpu.vector_load %arg7[%swap3A_387, %swap3A_388] {strides = array<i32>} : memref<2x4096xf32, #tpu.memory_space<vmem>>, vector<16xf32>,
        tpu.vector_store %arg7[%swap3A_387, %swap3A_388], %gather3A_385 {strides = array<i32>} : memref<2x4096xf32, #tpu.memory_space<vmem>>, vector<16xf32>,
        %mul3A_390 = arith.constant 32 : i32
        %mul3A_391 = arith.muli %scan3A_256, %mul3A_390 : i32
        %add3A_392 = arith.constant 9 : i32
        %add3A_393 = arith.addi %mul3A_391, %add3A_392 : i32
        %mul3A_394 = arith.constant 16 : i32
        %mul3A_395 = arith.muli %add3A_393, %mul3A_394 : i32
        %get3A_396 = arith.constant 1 : i32
        %get3A_397 = arith.index_cast %get3A_396 : i32 to index
        %get3A_398 = arith.index_cast %mul3A_395 : i32 to index
        %get3A_399 = tpu.vector_load %arg6[%get3A_397, %get3A_398] {strides = array<i32>} : memref<2x4096xi32, #tpu.memory_space<vmem>>, vector<16xi32>,
        %gather3A_400 = tpu.vector_load_idx %arg5[%get3A_399] : memref<100000xf32, #tpu.memory_space<vmem>>[vector<16xi32>], vector<16xf32>,
        %swap3A_401 = arith.constant 1 : i32
        %swap3A_402 = arith.index_cast %swap3A_401 : i32 to index
        %swap3A_403 = arith.index_cast %mul3A_395 : i32 to index
        %swap3A_404 = tpu.vector_load %arg7[%swap3A_402, %swap3A_403] {strides = array<i32>} : memref<2x4096xf32, #tpu.memory_space<vmem>>, vector<16xf32>,
        tpu.vector_store %arg7[%swap3A_402, %swap3A_403], %gather3A_400 {strides = array<i32>} : memref<2x4096xf32, #tpu.memory_space<vmem>>, vector<16xf32>,
        %mul3A_405 = arith.constant 32 : i32
        %mul3A_406 = arith.muli %scan3A_256, %mul3A_405 : i32
        %add3A_407 = arith.constant 10 : i32
        %add3A_408 = arith.addi %mul3A_406, %add3A_407 : i32
        %mul3A_409 = arith.constant 16 : i32
        %mul3A_410 = arith.muli %add3A_408, %mul3A_409 : i32
        %get3A_411 = arith.constant 1 : i32
        %get3A_412 = arith.index_cast %get3A_411 : i32 to index
        %get3A_413 = arith.index_cast %mul3A_410 : i32 to index
        %get3A_414 = tpu.vector_load %arg6[%get3A_412, %get3A_413] {strides = array<i32>} : memref<2x4096xi32, #tpu.memory_space<vmem>>, vector<16xi32>,
        %gather3A_415 = tpu.vector_load_idx %arg5[%get3A_414] : memref<100000xf32, #tpu.memory_space<vmem>>[vector<16xi32>], vector<16xf32>,
        %swap3A_416 = arith.constant 1 : i32
        %swap3A_417 = arith.index_cast %swap3A_416 : i32 to index
        %swap3A_418 = arith.index_cast %mul3A_410 : i32 to index
        %swap3A_419 = tpu.vector_load %arg7[%swap3A_417, %swap3A_418] {strides = array<i32>} : memref<2x4096xf32, #tpu.memory_space<vmem>>, vector<16xf32>,
        tpu.vector_store %arg7[%swap3A_417, %swap3A_418], %gather3A_415 {strides = array<i32>} : memref<2x4096xf32, #tpu.memory_space<vmem>>, vector<16xf32>,
        %mul3A_420 = arith.constant 32 : i32
        %mul3A_421 = arith.muli %scan3A_256, %mul3A_420 : i32
        %add3A_422 = arith.constant 11 : i32
        %add3A_423 = arith.addi %mul3A_421, %add3A_422 : i32
        %mul3A_424 = arith.constant 16 : i32
        %mul3A_425 = arith.muli %add3A_423, %mul3A_424 : i32
        %get3A_426 = arith.constant 1 : i32
        %get3A_427 = arith.index_cast %get3A_426 : i32 to index
        %get3A_428 = arith.index_cast %mul3A_425 : i32 to index
        %get3A_429 = tpu.vector_load %arg6[%get3A_427, %get3A_428] {strides = array<i32>} : memref<2x4096xi32, #tpu.memory_space<vmem>>, vector<16xi32>,
        %gather3A_430 = tpu.vector_load_idx %arg5[%get3A_429] : memref<100000xf32, #tpu.memory_space<vmem>>[vector<16xi32>], vector<16xf32>,
        %swap3A_431 = arith.constant 1 : i32
        %swap3A_432 = arith.index_cast %swap3A_431 : i32 to index
        %swap3A_433 = arith.index_cast %mul3A_425 : i32 to index
        %swap3A_434 = tpu.vector_load %arg7[%swap3A_432, %swap3A_433] {strides = array<i32>} : memref<2x4096xf32, #tpu.memory_space<vmem>>, vector<16xf32>,
        tpu.vector_store %arg7[%swap3A_432, %swap3A_433], %gather3A_430 {strides = array<i32>} : memref<2x4096xf32, #tpu.memory_space<vmem>>, vector<16xf32>,
        %mul3A_435 = arith.constant 32 : i32
        %mul3A_436 = arith.muli %scan3A_256, %mul3A_435 : i32
        %add3A_437 = arith.constant 12 : i32
        %add3A_438 = arith.addi %mul3A_436, %add3A_437 : i32
        %mul3A_439 = arith.constant 16 : i32
        %mul3A_440 = arith.muli %add3A_438, %mul3A_439 : i32
        %get3A_441 = arith.constant 1 : i32
        %get3A_442 = arith.index_cast %get3A_441 : i32 to index
        %get3A_443 = arith.index_cast %mul3A_440 : i32 to index
        %get3A_444 = tpu.vector_load %arg6[%get3A_442, %get3A_443] {strides = array<i32>} : memref<2x4096xi32, #tpu.memory_space<vmem>>, vector<16xi32>,
        %gather3A_445 = tpu.vector_load_idx %arg5[%get3A_444] : memref<100000xf32, #tpu.memory_space<vmem>>[vector<16xi32>], vector<16xf32>,
        %swap3A_446 = arith.constant 1 : i32
        %swap3A_447 = arith.index_cast %swap3A_446 : i32 to index
        %swap3A_448 = arith.index_cast %mul3A_440 : i32 to index
        %swap3A_449 = tpu.vector_load %arg7[%swap3A_447, %swap3A_448] {strides = array<i32>} : memref<2x4096xf32, #tpu.memory_space<vmem>>, vector<16xf32>,
        tpu.vector_store %arg7[%swap3A_447, %swap3A_448], %gather3A_445 {strides = array<i32>} : memref<2x4096xf32, #tpu.memory_space<vmem>>, vector<16xf32>,
        %mul3A_450 = arith.constant 32 : i32
        %mul3A_451 = arith.muli %scan3A_256, %mul3A_450 : i32
        %add3A_452 = arith.constant 13 : i32
        %add3A_453 = arith.addi %mul3A_451, %add3A_452 : i32
        %mul3A_454 = arith.constant 16 : i32
        %mul3A_455 = arith.muli %add3A_453, %mul3A_454 : i32
        %get3A_456 = arith.constant 1 : i32
        %get3A_457 = arith.index_cast %get3A_456 : i32 to index
        %get3A_458 = arith.index_cast %mul3A_455 : i32 to index
        %get3A_459 = tpu.vector_load %arg6[%get3A_457, %get3A_458] {strides = array<i32>} : memref<2x4096xi32, #tpu.memory_space<vmem>>, vector<16xi32>,
        %gather3A_460 = tpu.vector_load_idx %arg5[%get3A_459] : memref<100000xf32, #tpu.memory_space<vmem>>[vector<16xi32>], vector<16xf32>,
        %swap3A_461 = arith.constant 1 : i32
        %swap3A_462 = arith.index_cast %swap3A_461 : i32 to index
        %swap3A_463 = arith.index_cast %mul3A_455 : i32 to index
        %swap3A_464 = tpu.vector_load %arg7[%swap3A_462, %swap3A_463] {strides = array<i32>} : memref<2x4096xf32, #tpu.memory_space<vmem>>, vector<16xf32>,
        tpu.vector_store %arg7[%swap3A_462, %swap3A_463], %gather3A_460 {strides = array<i32>} : memref<2x4096xf32, #tpu.memory_space<vmem>>, vector<16xf32>,
        %mul3A_465 = arith.constant 32 : i32
        %mul3A_466 = arith.muli %scan3A_256, %mul3A_465 : i32
        %add3A_467 = arith.constant 14 : i32
        %add3A_468 = arith.addi %mul3A_466, %add3A_467 : i32
        %mul3A_469 = arith.constant 16 : i32
        %mul3A_470 = arith.muli %add3A_468, %mul3A_469 : i32
        %get3A_471 = arith.constant 1 : i32
        %get3A_472 = arith.index_cast %get3A_471 : i32 to index
        %get3A_473 = arith.index_cast %mul3A_470 : i32 to index
        %get3A_474 = tpu.vector_load %arg6[%get3A_472, %get3A_473] {strides = array<i32>} : memref<2x4096xi32, #tpu.memory_space<vmem>>, vector<16xi32>,
        %gather3A_475 = tpu.vector_load_idx %arg5[%get3A_474] : memref<100000xf32, #tpu.memory_space<vmem>>[vector<16xi32>], vector<16xf32>,
        %swap3A_476 = arith.constant 1 : i32
        %swap3A_477 = arith.index_cast %swap3A_476 : i32 to index
        %swap3A_478 = arith.index_cast %mul3A_470 : i32 to index
        %swap3A_479 = tpu.vector_load %arg7[%swap3A_477, %swap3A_478] {strides = array<i32>} : memref<2x4096xf32, #tpu.memory_space<vmem>>, vector<16xf32>,
        tpu.vector_store %arg7[%swap3A_477, %swap3A_478], %gather3A_475 {strides = array<i32>} : memref<2x4096xf32, #tpu.memory_space<vmem>>, vector<16xf32>,
        %mul3A_480 = arith.constant 32 : i32
        %mul3A_481 = arith.muli %scan3A_256, %mul3A_480 : i32
        %add3A_482 = arith.constant 15 : i32
        %add3A_483 = arith.addi %mul3A_481, %add3A_482 : i32
        %mul3A_484 = arith.constant 16 : i32
        %mul3A_485 = arith.muli %add3A_483, %mul3A_484 : i32
        %get3A_486 = arith.constant 1 : i32
        %get3A_487 = arith.index_cast %get3A_486 : i32 to index
        %get3A_488 = arith.index_cast %mul3A_485 : i32 to index
        %get3A_489 = tpu.vector_load %arg6[%get3A_487, %get3A_488] {strides = array<i32>} : memref<2x4096xi32, #tpu.memory_space<vmem>>, vector<16xi32>,
        %gather3A_490 = tpu.vector_load_idx %arg5[%get3A_489] : memref<100000xf32, #tpu.memory_space<vmem>>[vector<16xi32>], vector<16xf32>,
        %swap3A_491 = arith.constant 1 : i32
        %swap3A_492 = arith.index_cast %swap3A_491 : i32 to index
        %swap3A_493 = arith.index_cast %mul3A_485 : i32 to index
        %swap3A_494 = tpu.vector_load %arg7[%swap3A_492, %swap3A_493] {strides = array<i32>} : memref<2x4096xf32, #tpu.memory_space<vmem>>, vector<16xf32>,
        tpu.vector_store %arg7[%swap3A_492, %swap3A_493], %gather3A_490 {strides = array<i32>} : memref<2x4096xf32, #tpu.memory_space<vmem>>, vector<16xf32>,
        %mul3A_495 = arith.constant 32 : i32
        %mul3A_496 = arith.muli %scan3A_256, %mul3A_495 : i32
        %add3A_497 = arith.constant 16 : i32
        %add3A_498 = arith.addi %mul3A_496, %add3A_497 : i32
        %mul3A_499 = arith.constant 16 : i32
        %mul3A_500 = arith.muli %add3A_498, %mul3A_499 : i32
        %get3A_501 = arith.constant 1 : i32
        %get3A_502 = arith.index_cast %get3A_501 : i32 to index
        %get3A_503 = arith.index_cast %mul3A_500 : i32 to index
        %get3A_504 = tpu.vector_load %arg6[%get3A_502, %get3A_503] {strides = array<i32>} : memref<2x4096xi32, #tpu.memory_space<vmem>>, vector<16xi32>,
        %gather3A_505 = tpu.vector_load_idx %arg5[%get3A_504] : memref<100000xf32, #tpu.memory_space<vmem>>[vector<16xi32>], vector<16xf32>,
        %swap3A_506 = arith.constant 1 : i32
        %swap3A_507 = arith.index_cast %swap3A_506 : i32 to index
        %swap3A_508 = arith.index_cast %mul3A_500 : i32 to index
        %swap3A_509 = tpu.vector_load %arg7[%swap3A_507, %swap3A_508] {strides = array<i32>} : memref<2x4096xf32, #tpu.memory_space<vmem>>, vector<16xf32>,
        tpu.vector_store %arg7[%swap3A_507, %swap3A_508], %gather3A_505 {strides = array<i32>} : memref<2x4096xf32, #tpu.memory_space<vmem>>, vector<16xf32>,
        %mul3A_510 = arith.constant 32 : i32
        %mul3A_511 = arith.muli %scan3A_256, %mul3A_510 : i32
        %add3A_512 = arith.constant 17 : i32
        %add3A_513 = arith.addi %mul3A_511, %add3A_512 : i32
        %mul3A_514 = arith.constant 16 : i32
        %mul3A_515 = arith.muli %add3A_513, %mul3A_514 : i32
        %get3A_516 = arith.constant 1 : i32
        %get3A_517 = arith.index_cast %get3A_516 : i32 to index
        %get3A_518 = arith.index_cast %mul3A_515 : i32 to index
        %get3A_519 = tpu.vector_load %arg6[%get3A_517, %get3A_518] {strides = array<i32>} : memref<2x4096xi32, #tpu.memory_space<vmem>>, vector<16xi32>,
        %gather3A_520 = tpu.vector_load_idx %arg5[%get3A_519] : memref<100000xf32, #tpu.memory_space<vmem>>[vector<16xi32>], vector<16xf32>,
        %swap3A_521 = arith.constant 1 : i32
        %swap3A_522 = arith.index_cast %swap3A_521 : i32 to index
        %swap3A_523 = arith.index_cast %mul3A_515 : i32 to index
        %swap3A_524 = tpu.vector_load %arg7[%swap3A_522, %swap3A_523] {strides = array<i32>} : memref<2x4096xf32, #tpu.memory_space<vmem>>, vector<16xf32>,
        tpu.vector_store %arg7[%swap3A_522, %swap3A_523], %gather3A_520 {strides = array<i32>} : memref<2x4096xf32, #tpu.memory_space<vmem>>, vector<16xf32>,
        %mul3A_525 = arith.constant 32 : i32
        %mul3A_526 = arith.muli %scan3A_256, %mul3A_525 : i32
        %add3A_527 = arith.constant 18 : i32
        %add3A_528 = arith.addi %mul3A_526, %add3A_527 : i32
        %mul3A_529 = arith.constant 16 : i32
        %mul3A_530 = arith.muli %add3A_528, %mul3A_529 : i32
        %get3A_531 = arith.constant 1 : i32
        %get3A_532 = arith.index_cast %get3A_531 : i32 to index
        %get3A_533 = arith.index_cast %mul3A_530 : i32 to index
        %get3A_534 = tpu.vector_load %arg6[%get3A_532, %get3A_533] {strides = array<i32>} : memref<2x4096xi32, #tpu.memory_space<vmem>>, vector<16xi32>,
        %gather3A_535 = tpu.vector_load_idx %arg5[%get3A_534] : memref<100000xf32, #tpu.memory_space<vmem>>[vector<16xi32>], vector<16xf32>,
        %swap3A_536 = arith.constant 1 : i32
        %swap3A_537 = arith.index_cast %swap3A_536 : i32 to index
        %swap3A_538 = arith.index_cast %mul3A_530 : i32 to index
        %swap3A_539 = tpu.vector_load %arg7[%swap3A_537, %swap3A_538] {strides = array<i32>} : memref<2x4096xf32, #tpu.memory_space<vmem>>, vector<16xf32>,
        tpu.vector_store %arg7[%swap3A_537, %swap3A_538], %gather3A_535 {strides = array<i32>} : memref<2x4096xf32, #tpu.memory_space<vmem>>, vector<16xf32>,
        %mul3A_540 = arith.constant 32 : i32
        %mul3A_541 = arith.muli %scan3A_256, %mul3A_540 : i32
        %add3A_542 = arith.constant 19 : i32
        %add3A_543 = arith.addi %mul3A_541, %add3A_542 : i32
        %mul3A_544 = arith.constant 16 : i32
        %mul3A_545 = arith.muli %add3A_543, %mul3A_544 : i32
        %get3A_546 = arith.constant 1 : i32
        %get3A_547 = arith.index_cast %get3A_546 : i32 to index
        %get3A_548 = arith.index_cast %mul3A_545 : i32 to index
        %get3A_549 = tpu.vector_load %arg6[%get3A_547, %get3A_548] {strides = array<i32>} : memref<2x4096xi32, #tpu.memory_space<vmem>>, vector<16xi32>,
        %gather3A_550 = tpu.vector_load_idx %arg5[%get3A_549] : memref<100000xf32, #tpu.memory_space<vmem>>[vector<16xi32>], vector<16xf32>,
        %swap3A_551 = arith.constant 1 : i32
        %swap3A_552 = arith.index_cast %swap3A_551 : i32 to index
        %swap3A_553 = arith.index_cast %mul3A_545 : i32 to index
        %swap3A_554 = tpu.vector_load %arg7[%swap3A_552, %swap3A_553] {strides = array<i32>} : memref<2x4096xf32, #tpu.memory_space<vmem>>, vector<16xf32>,
        tpu.vector_store %arg7[%swap3A_552, %swap3A_553], %gather3A_550 {strides = array<i32>} : memref<2x4096xf32, #tpu.memory_space<vmem>>, vector<16xf32>,
        %mul3A_555 = arith.constant 32 : i32
        %mul3A_556 = arith.muli %scan3A_256, %mul3A_555 : i32
        %add3A_557 = arith.constant 20 : i32
        %add3A_558 = arith.addi %mul3A_556, %add3A_557 : i32
        %mul3A_559 = arith.constant 16 : i32
        %mul3A_560 = arith.muli %add3A_558, %mul3A_559 : i32
        %get3A_561 = arith.constant 1 : i32
        %get3A_562 = arith.index_cast %get3A_561 : i32 to index
        %get3A_563 = arith.index_cast %mul3A_560 : i32 to index
        %get3A_564 = tpu.vector_load %arg6[%get3A_562, %get3A_563] {strides = array<i32>} : memref<2x4096xi32, #tpu.memory_space<vmem>>, vector<16xi32>,
        %gather3A_565 = tpu.vector_load_idx %arg5[%get3A_564] : memref<100000xf32, #tpu.memory_space<vmem>>[vector<16xi32>], vector<16xf32>,
        %swap3A_566 = arith.constant 1 : i32
        %swap3A_567 = arith.index_cast %swap3A_566 : i32 to index
        %swap3A_568 = arith.index_cast %mul3A_560 : i32 to index
        %swap3A_569 = tpu.vector_load %arg7[%swap3A_567, %swap3A_568] {strides = array<i32>} : memref<2x4096xf32, #tpu.memory_space<vmem>>, vector<16xf32>,
        tpu.vector_store %arg7[%swap3A_567, %swap3A_568], %gather3A_565 {strides = array<i32>} : memref<2x4096xf32, #tpu.memory_space<vmem>>, vector<16xf32>,
        %mul3A_570 = arith.constant 32 : i32
        %mul3A_571 = arith.muli %scan3A_256, %mul3A_570 : i32
        %add3A_572 = arith.constant 21 : i32
        %add3A_573 = arith.addi %mul3A_571, %add3A_572 : i32
        %mul3A_574 = arith.constant 16 : i32
        %mul3A_575 = arith.muli %add3A_573, %mul3A_574 : i32
        %get3A_576 = arith.constant 1 : i32
        %get3A_577 = arith.index_cast %get3A_576 : i32 to index
        %get3A_578 = arith.index_cast %mul3A_575 : i32 to index
        %get3A_579 = tpu.vector_load %arg6[%get3A_577, %get3A_578] {strides = array<i32>} : memref<2x4096xi32, #tpu.memory_space<vmem>>, vector<16xi32>,
        %gather3A_580 = tpu.vector_load_idx %arg5[%get3A_579] : memref<100000xf32, #tpu.memory_space<vmem>>[vector<16xi32>], vector<16xf32>,
        %swap3A_581 = arith.constant 1 : i32
        %swap3A_582 = arith.index_cast %swap3A_581 : i32 to index
        %swap3A_583 = arith.index_cast %mul3A_575 : i32 to index
        %swap3A_584 = tpu.vector_load %arg7[%swap3A_582, %swap3A_583] {strides = array<i32>} : memref<2x4096xf32, #tpu.memory_space<vmem>>, vector<16xf32>,
        tpu.vector_store %arg7[%swap3A_582, %swap3A_583], %gather3A_580 {strides = array<i32>} : memref<2x4096xf32, #tpu.memory_space<vmem>>, vector<16xf32>,
        %mul3A_585 = arith.constant 32 : i32
        %mul3A_586 = arith.muli %scan3A_256, %mul3A_585 : i32
        %add3A_587 = arith.constant 22 : i32
        %add3A_588 = arith.addi %mul3A_586, %add3A_587 : i32
        %mul3A_589 = arith.constant 16 : i32
        %mul3A_590 = arith.muli %add3A_588, %mul3A_589 : i32
        %get3A_591 = arith.constant 1 : i32
        %get3A_592 = arith.index_cast %get3A_591 : i32 to index
        %get3A_593 = arith.index_cast %mul3A_590 : i32 to index
        %get3A_594 = tpu.vector_load %arg6[%get3A_592, %get3A_593] {strides = array<i32>} : memref<2x4096xi32, #tpu.memory_space<vmem>>, vector<16xi32>,
        %gather3A_595 = tpu.vector_load_idx %arg5[%get3A_594] : memref<100000xf32, #tpu.memory_space<vmem>>[vector<16xi32>], vector<16xf32>,
        %swap3A_596 = arith.constant 1 : i32
        %swap3A_597 = arith.index_cast %swap3A_596 : i32 to index
        %swap3A_598 = arith.index_cast %mul3A_590 : i32 to index
        %swap3A_599 = tpu.vector_load %arg7[%swap3A_597, %swap3A_598] {strides = array<i32>} : memref<2x4096xf32, #tpu.memory_space<vmem>>, vector<16xf32>,
        tpu.vector_store %arg7[%swap3A_597, %swap3A_598], %gather3A_595 {strides = array<i32>} : memref<2x4096xf32, #tpu.memory_space<vmem>>, vector<16xf32>,
        %mul3A_600 = arith.constant 32 : i32
        %mul3A_601 = arith.muli %scan3A_256, %mul3A_600 : i32
        %add3A_602 = arith.constant 23 : i32
        %add3A_603 = arith.addi %mul3A_601, %add3A_602 : i32
        %mul3A_604 = arith.constant 16 : i32
        %mul3A_605 = arith.muli %add3A_603, %mul3A_604 : i32
        %get3A_606 = arith.constant 1 : i32
        %get3A_607 = arith.index_cast %get3A_606 : i32 to index
        %get3A_608 = arith.index_cast %mul3A_605 : i32 to index
        %get3A_609 = tpu.vector_load %arg6[%get3A_607, %get3A_608] {strides = array<i32>} : memref<2x4096xi32, #tpu.memory_space<vmem>>, vector<16xi32>,
        %gather3A_610 = tpu.vector_load_idx %arg5[%get3A_609] : memref<100000xf32, #tpu.memory_space<vmem>>[vector<16xi32>], vector<16xf32>,
        %swap3A_611 = arith.constant 1 : i32
        %swap3A_612 = arith.index_cast %swap3A_611 : i32 to index
        %swap3A_613 = arith.index_cast %mul3A_605 : i32 to index
        %swap3A_614 = tpu.vector_load %arg7[%swap3A_612, %swap3A_613] {strides = array<i32>} : memref<2x4096xf32, #tpu.memory_space<vmem>>, vector<16xf32>,
        tpu.vector_store %arg7[%swap3A_612, %swap3A_613], %gather3A_610 {strides = array<i32>} : memref<2x4096xf32, #tpu.memory_space<vmem>>, vector<16xf32>,
        %mul3A_615 = arith.constant 32 : i32
        %mul3A_616 = arith.muli %scan3A_256, %mul3A_615 : i32
        %add3A_617 = arith.constant 24 : i32
        %add3A_618 = arith.addi %mul3A_616, %add3A_617 : i32
        %mul3A_619 = arith.constant 16 : i32
        %mul3A_620 = arith.muli %add3A_618, %mul3A_619 : i32
        %get3A_621 = arith.constant 1 : i32
        %get3A_622 = arith.index_cast %get3A_621 : i32 to index
        %get3A_623 = arith.index_cast %mul3A_620 : i32 to index
        %get3A_624 = tpu.vector_load %arg6[%get3A_622, %get3A_623] {strides = array<i32>} : memref<2x4096xi32, #tpu.memory_space<vmem>>, vector<16xi32>,
        %gather3A_625 = tpu.vector_load_idx %arg5[%get3A_624] : memref<100000xf32, #tpu.memory_space<vmem>>[vector<16xi32>], vector<16xf32>,
        %swap3A_626 = arith.constant 1 : i32
        %swap3A_627 = arith.index_cast %swap3A_626 : i32 to index
        %swap3A_628 = arith.index_cast %mul3A_620 : i32 to index
        %swap3A_629 = tpu.vector_load %arg7[%swap3A_627, %swap3A_628] {strides = array<i32>} : memref<2x4096xf32, #tpu.memory_space<vmem>>, vector<16xf32>,
        tpu.vector_store %arg7[%swap3A_627, %swap3A_628], %gather3A_625 {strides = array<i32>} : memref<2x4096xf32, #tpu.memory_space<vmem>>, vector<16xf32>,
        %mul3A_630 = arith.constant 32 : i32
        %mul3A_631 = arith.muli %scan3A_256, %mul3A_630 : i32
        %add3A_632 = arith.constant 25 : i32
        %add3A_633 = arith.addi %mul3A_631, %add3A_632 : i32
        %mul3A_634 = arith.constant 16 : i32
        %mul3A_635 = arith.muli %add3A_633, %mul3A_634 : i32
        %get3A_636 = arith.constant 1 : i32
        %get3A_637 = arith.index_cast %get3A_636 : i32 to index
        %get3A_638 = arith.index_cast %mul3A_635 : i32 to index
        %get3A_639 = tpu.vector_load %arg6[%get3A_637, %get3A_638] {strides = array<i32>} : memref<2x4096xi32, #tpu.memory_space<vmem>>, vector<16xi32>,
        %gather3A_640 = tpu.vector_load_idx %arg5[%get3A_639] : memref<100000xf32, #tpu.memory_space<vmem>>[vector<16xi32>], vector<16xf32>,
        %swap3A_641 = arith.constant 1 : i32
        %swap3A_642 = arith.index_cast %swap3A_641 : i32 to index
        %swap3A_643 = arith.index_cast %mul3A_635 : i32 to index
        %swap3A_644 = tpu.vector_load %arg7[%swap3A_642, %swap3A_643] {strides = array<i32>} : memref<2x4096xf32, #tpu.memory_space<vmem>>, vector<16xf32>,
        tpu.vector_store %arg7[%swap3A_642, %swap3A_643], %gather3A_640 {strides = array<i32>} : memref<2x4096xf32, #tpu.memory_space<vmem>>, vector<16xf32>,
        %mul3A_645 = arith.constant 32 : i32
        %mul3A_646 = arith.muli %scan3A_256, %mul3A_645 : i32
        %add3A_647 = arith.constant 26 : i32
        %add3A_648 = arith.addi %mul3A_646, %add3A_647 : i32
        %mul3A_649 = arith.constant 16 : i32
        %mul3A_650 = arith.muli %add3A_648, %mul3A_649 : i32
        %get3A_651 = arith.constant 1 : i32
        %get3A_652 = arith.index_cast %get3A_651 : i32 to index
        %get3A_653 = arith.index_cast %mul3A_650 : i32 to index
        %get3A_654 = tpu.vector_load %arg6[%get3A_652, %get3A_653] {strides = array<i32>} : memref<2x4096xi32, #tpu.memory_space<vmem>>, vector<16xi32>,
        %gather3A_655 = tpu.vector_load_idx %arg5[%get3A_654] : memref<100000xf32, #tpu.memory_space<vmem>>[vector<16xi32>], vector<16xf32>,
        %swap3A_656 = arith.constant 1 : i32
        %swap3A_657 = arith.index_cast %swap3A_656 : i32 to index
        %swap3A_658 = arith.index_cast %mul3A_650 : i32 to index
        %swap3A_659 = tpu.vector_load %arg7[%swap3A_657, %swap3A_658] {strides = array<i32>} : memref<2x4096xf32, #tpu.memory_space<vmem>>, vector<16xf32>,
        tpu.vector_store %arg7[%swap3A_657, %swap3A_658], %gather3A_655 {strides = array<i32>} : memref<2x4096xf32, #tpu.memory_space<vmem>>, vector<16xf32>,
        %mul3A_660 = arith.constant 32 : i32
        %mul3A_661 = arith.muli %scan3A_256, %mul3A_660 : i32
        %add3A_662 = arith.constant 27 : i32
        %add3A_663 = arith.addi %mul3A_661, %add3A_662 : i32
        %mul3A_664 = arith.constant 16 : i32
        %mul3A_665 = arith.muli %add3A_663, %mul3A_664 : i32
        %get3A_666 = arith.constant 1 : i32
        %get3A_667 = arith.index_cast %get3A_666 : i32 to index
        %get3A_668 = arith.index_cast %mul3A_665 : i32 to index
        %get3A_669 = tpu.vector_load %arg6[%get3A_667, %get3A_668] {strides = array<i32>} : memref<2x4096xi32, #tpu.memory_space<vmem>>, vector<16xi32>,
        %gather3A_670 = tpu.vector_load_idx %arg5[%get3A_669] : memref<100000xf32, #tpu.memory_space<vmem>>[vector<16xi32>], vector<16xf32>,
        %swap3A_671 = arith.constant 1 : i32
        %swap3A_672 = arith.index_cast %swap3A_671 : i32 to index
        %swap3A_673 = arith.index_cast %mul3A_665 : i32 to index
        %swap3A_674 = tpu.vector_load %arg7[%swap3A_672, %swap3A_673] {strides = array<i32>} : memref<2x4096xf32, #tpu.memory_space<vmem>>, vector<16xf32>,
        tpu.vector_store %arg7[%swap3A_672, %swap3A_673], %gather3A_670 {strides = array<i32>} : memref<2x4096xf32, #tpu.memory_space<vmem>>, vector<16xf32>,
        %mul3A_675 = arith.constant 32 : i32
        %mul3A_676 = arith.muli %scan3A_256, %mul3A_675 : i32
        %add3A_677 = arith.constant 28 : i32
        %add3A_678 = arith.addi %mul3A_676, %add3A_677 : i32
        %mul3A_679 = arith.constant 16 : i32
        %mul3A_680 = arith.muli %add3A_678, %mul3A_679 : i32
        %get3A_681 = arith.constant 1 : i32
        %get3A_682 = arith.index_cast %get3A_681 : i32 to index
        %get3A_683 = arith.index_cast %mul3A_680 : i32 to index
        %get3A_684 = tpu.vector_load %arg6[%get3A_682, %get3A_683] {strides = array<i32>} : memref<2x4096xi32, #tpu.memory_space<vmem>>, vector<16xi32>,
        %gather3A_685 = tpu.vector_load_idx %arg5[%get3A_684] : memref<100000xf32, #tpu.memory_space<vmem>>[vector<16xi32>], vector<16xf32>,
        %swap3A_686 = arith.constant 1 : i32
        %swap3A_687 = arith.index_cast %swap3A_686 : i32 to index
        %swap3A_688 = arith.index_cast %mul3A_680 : i32 to index
        %swap3A_689 = tpu.vector_load %arg7[%swap3A_687, %swap3A_688] {strides = array<i32>} : memref<2x4096xf32, #tpu.memory_space<vmem>>, vector<16xf32>,
        tpu.vector_store %arg7[%swap3A_687, %swap3A_688], %gather3A_685 {strides = array<i32>} : memref<2x4096xf32, #tpu.memory_space<vmem>>, vector<16xf32>,
        %mul3A_690 = arith.constant 32 : i32
        %mul3A_691 = arith.muli %scan3A_256, %mul3A_690 : i32
        %add3A_692 = arith.constant 29 : i32
        %add3A_693 = arith.addi %mul3A_691, %add3A_692 : i32
        %mul3A_694 = arith.constant 16 : i32
        %mul3A_695 = arith.muli %add3A_693, %mul3A_694 : i32
        %get3A_696 = arith.constant 1 : i32
        %get3A_697 = arith.index_cast %get3A_696 : i32 to index
        %get3A_698 = arith.index_cast %mul3A_695 : i32 to index
        %get3A_699 = tpu.vector_load %arg6[%get3A_697, %get3A_698] {strides = array<i32>} : memref<2x4096xi32, #tpu.memory_space<vmem>>, vector<16xi32>,
        %gather3A_700 = tpu.vector_load_idx %arg5[%get3A_699] : memref<100000xf32, #tpu.memory_space<vmem>>[vector<16xi32>], vector<16xf32>,
        %swap3A_701 = arith.constant 1 : i32
        %swap3A_702 = arith.index_cast %swap3A_701 : i32 to index
        %swap3A_703 = arith.index_cast %mul3A_695 : i32 to index
        %swap3A_704 = tpu.vector_load %arg7[%swap3A_702, %swap3A_703] {strides = array<i32>} : memref<2x4096xf32, #tpu.memory_space<vmem>>, vector<16xf32>,
        tpu.vector_store %arg7[%swap3A_702, %swap3A_703], %gather3A_700 {strides = array<i32>} : memref<2x4096xf32, #tpu.memory_space<vmem>>, vector<16xf32>,
        %mul3A_705 = arith.constant 32 : i32
        %mul3A_706 = arith.muli %scan3A_256, %mul3A_705 : i32
        %add3A_707 = arith.constant 30 : i32
        %add3A_708 = arith.addi %mul3A_706, %add3A_707 : i32
        %mul3A_709 = arith.constant 16 : i32
        %mul3A_710 = arith.muli %add3A_708, %mul3A_709 : i32
        %get3A_711 = arith.constant 1 : i32
        %get3A_712 = arith.index_cast %get3A_711 : i32 to index
        %get3A_713 = arith.index_cast %mul3A_710 : i32 to index
        %get3A_714 = tpu.vector_load %arg6[%get3A_712, %get3A_713] {strides = array<i32>} : memref<2x4096xi32, #tpu.memory_space<vmem>>, vector<16xi32>,
        %gather3A_715 = tpu.vector_load_idx %arg5[%get3A_714] : memref<100000xf32, #tpu.memory_space<vmem>>[vector<16xi32>], vector<16xf32>,
        %swap3A_716 = arith.constant 1 : i32
        %swap3A_717 = arith.index_cast %swap3A_716 : i32 to index
        %swap3A_718 = arith.index_cast %mul3A_710 : i32 to index
        %swap3A_719 = tpu.vector_load %arg7[%swap3A_717, %swap3A_718] {strides = array<i32>} : memref<2x4096xf32, #tpu.memory_space<vmem>>, vector<16xf32>,
        tpu.vector_store %arg7[%swap3A_717, %swap3A_718], %gather3A_715 {strides = array<i32>} : memref<2x4096xf32, #tpu.memory_space<vmem>>, vector<16xf32>,
        %mul3A_720 = arith.constant 32 : i32
        %mul3A_721 = arith.muli %scan3A_256, %mul3A_720 : i32
        %add3A_722 = arith.constant 31 : i32
        %add3A_723 = arith.addi %mul3A_721, %add3A_722 : i32
        %mul3A_724 = arith.constant 16 : i32
        %mul3A_725 = arith.muli %add3A_723, %mul3A_724 : i32
        %get3A_726 = arith.constant 1 : i32
        %get3A_727 = arith.index_cast %get3A_726 : i32 to index
        %get3A_728 = arith.index_cast %mul3A_725 : i32 to index
        %get3A_729 = tpu.vector_load %arg6[%get3A_727, %get3A_728] {strides = array<i32>} : memref<2x4096xi32, #tpu.memory_space<vmem>>, vector<16xi32>,
        %gather3A_730 = tpu.vector_load_idx %arg5[%get3A_729] : memref<100000xf32, #tpu.memory_space<vmem>>[vector<16xi32>], vector<16xf32>,
        %swap3A_731 = arith.constant 1 : i32
        %swap3A_732 = arith.index_cast %swap3A_731 : i32 to index
        %swap3A_733 = arith.index_cast %mul3A_725 : i32 to index
        %swap3A_734 = tpu.vector_load %arg7[%swap3A_732, %swap3A_733] {strides = array<i32>} : memref<2x4096xf32, #tpu.memory_space<vmem>>, vector<16xf32>,
        tpu.vector_store %arg7[%swap3A_732, %swap3A_733], %gather3A_730 {strides = array<i32>} : memref<2x4096xf32, #tpu.memory_space<vmem>>, vector<16xf32>,
        %scan3A_735 = arith.constant 0 : i32
        scf.yield %scan3A_735 : i32
      }
      %scan3A_215 = arith.constant 8 : i32
      %dma_start3A_216 = arith.constant 1 : i32
      %dma_start3A_217 = arith.constant 0 : i32
      %dma_start3A_218 = tpu.memref_slice %arg7[%dma_start3A_216, %dma_start3A_217] : memref<2x4096xf32, #tpu.memory_space<vmem>> -> memref<1x4096xf32, #tpu.memory_space<vmem>>
      %dma_start3A_219 = tpu.memref_squeeze %dma_start3A_218 : memref<1x4096xf32, #tpu.memory_space<vmem>> -> memref<4096xf32, #tpu.memory_space<vmem>>
      %dma_start3A_220 = arith.constant 12288 : i32
      %dma_start3A_221 = tpu.memref_slice %arg4[%scan3A_7, %add3A, %dma_start3A_220] : memref<26x32x16384xf32, #tpu.memory_space<hbm>> -> memref<1x1x4096xf32, #tpu.memory_space<hbm>>
      %dma_start3A_222 = tpu.memref_squeeze %dma_start3A_221 : memref<1x1x4096xf32, #tpu.memory_space<hbm>> -> memref<4096xf32, #tpu.memory_space<hbm>>
      %dma_start3A_223 = arith.constant 12288 : i32
      %dma_start3A_224 = tpu.memref_slice %arg4[%scan3A_7, %add3A, %dma_start3A_223] : memref<26x32x16384xf32, #tpu.memory_space<hbm>> -> memref<1x1x4096xf32, #tpu.memory_space<hbm>>
      %dma_start3A_225 = tpu.memref_squeeze %dma_start3A_224 : memref<1x1x4096xf32, #tpu.memory_space<hbm>> -> memref<4096xf32, #tpu.memory_space<hbm>>
      %dma_start3A_226 = arith.constant 0 : i32
      %dma_start3A_227 = tpu.memref_slice %arg7[%dma_start3A_216, %dma_start3A_226] : memref<2x4096xf32, #tpu.memory_space<vmem>> -> memref<1x4096xf32, #tpu.memory_space<vmem>>
      %dma_start3A_228 = tpu.memref_squeeze %dma_start3A_227 : memref<1x4096xf32, #tpu.memory_space<vmem>> -> memref<4096xf32, #tpu.memory_space<vmem>>
      tpu.enqueue_dma source(%dma_start3A_228 : memref<4096xf32, #tpu.memory_space<vmem>>) target(%dma_start3A_225 : memref<4096xf32, #tpu.memory_space<hbm>>) target_semaphore(%arg10 : memref<!tpu.dma_semaphore, #tpu.memory_space<semaphore_mem>>)
      %dma_wait3A_229 = arith.constant 0 : i32
      %dma_wait3A_230 = arith.constant 0 : i32
      %dma_wait3A_231 = tpu.memref_slice %arg7[%dma_wait3A_229, %dma_wait3A_230] : memref<2x4096xf32, #tpu.memory_space<vmem>> -> memref<1x4096xf32, #tpu.memory_space<vmem>>
      %dma_wait3A_232 = tpu.memref_squeeze %dma_wait3A_231 : memref<1x4096xf32, #tpu.memory_space<vmem>> -> memref<4096xf32, #tpu.memory_space<vmem>>
      %dma_wait3A_233 = arith.constant 8192 : i32
      %dma_wait3A_234 = tpu.memref_slice %arg4[%scan3A_7, %add3A, %dma_wait3A_233] : memref<26x32x16384xf32, #tpu.memory_space<hbm>> -> memref<1x1x4096xf32, #tpu.memory_space<hbm>>
      %dma_wait3A_235 = tpu.memref_squeeze %dma_wait3A_234 : memref<1x1x4096xf32, #tpu.memory_space<hbm>> -> memref<4096xf32, #tpu.memory_space<hbm>>
      %dma_wait3A_236 = arith.constant 8192 : i32
      %dma_wait3A_237 = tpu.memref_slice %arg4[%scan3A_7, %add3A, %dma_wait3A_236] : memref<26x32x16384xf32, #tpu.memory_space<hbm>> -> memref<1x1x4096xf32, #tpu.memory_space<hbm>>
      %dma_wait3A_238 = tpu.memref_squeeze %dma_wait3A_237 : memref<1x1x4096xf32, #tpu.memory_space<hbm>> -> memref<4096xf32, #tpu.memory_space<hbm>>
      %dma_wait3A_239 = arith.constant 0 : i32
      %dma_wait3A_240 = tpu.memref_slice %arg7[%dma_wait3A_229, %dma_wait3A_239] : memref<2x4096xf32, #tpu.memory_space<vmem>> -> memref<1x4096xf32, #tpu.memory_space<vmem>>
      %dma_wait3A_241 = tpu.memref_squeeze %dma_wait3A_240 : memref<1x4096xf32, #tpu.memory_space<vmem>> -> memref<4096xf32, #tpu.memory_space<vmem>>
      tpu.wait_dma2 semaphore(%arg10 : memref<!tpu.dma_semaphore, #tpu.memory_space<semaphore_mem>>) src(%dma_wait3A_241 : memref<4096xf32, #tpu.memory_space<vmem>>) dst(%dma_wait3A_238 : memref<4096xf32, #tpu.memory_space<hbm>>)
      %dma_wait3A_242 = arith.constant 1 : i32
      %dma_wait3A_243 = arith.constant 0 : i32
      %dma_wait3A_244 = tpu.memref_slice %arg7[%dma_wait3A_242, %dma_wait3A_243] : memref<2x4096xf32, #tpu.memory_space<vmem>> -> memref<1x4096xf32, #tpu.memory_space<vmem>>
      %dma_wait3A_245 = tpu.memref_squeeze %dma_wait3A_244 : memref<1x4096xf32, #tpu.memory_space<vmem>> -> memref<4096xf32, #tpu.memory_space<vmem>>
      %dma_wait3A_246 = arith.constant 12288 : i32
      %dma_wait3A_247 = tpu.memref_slice %arg4[%scan3A_7, %add3A, %dma_wait3A_246] : memref<26x32x16384xf32, #tpu.memory_space<hbm>> -> memref<1x1x4096xf32, #tpu.memory_space<hbm>>
      %dma_wait3A_248 = tpu.memref_squeeze %dma_wait3A_247 : memref<1x1x4096xf32, #tpu.memory_space<hbm>> -> memref<4096xf32, #tpu.memory_space<hbm>>
      %dma_wait3A_249 = arith.constant 12288 : i32
      %dma_wait3A_250 = tpu.memref_slice %arg4[%scan3A_7, %add3A, %dma_wait3A_249] : memref<26x32x16384xf32, #tpu.memory_space<hbm>> -> memref<1x1x4096xf32, #tpu.memory_space<hbm>>
      %dma_wait3A_251 = tpu.memref_squeeze %dma_wait3A_250 : memref<1x1x4096xf32, #tpu.memory_space<hbm>> -> memref<4096xf32, #tpu.memory_space<hbm>>
      %dma_wait3A_252 = arith.constant 0 : i32
      %dma_wait3A_253 = tpu.memref_slice %arg7[%dma_wait3A_242, %dma_wait3A_252] : memref<2x4096xf32, #tpu.memory_space<vmem>> -> memref<1x4096xf32, #tpu.memory_space<vmem>>
      %dma_wait3A_254 = tpu.memref_squeeze %dma_wait3A_253 : memref<1x4096xf32, #tpu.memory_space<vmem>> -> memref<4096xf32, #tpu.memory_space<vmem>>
      tpu.wait_dma2 semaphore(%arg10 : memref<!tpu.dma_semaphore, #tpu.memory_space<semaphore_mem>>) src(%dma_wait3A_254 : memref<4096xf32, #tpu.memory_space<vmem>>) dst(%dma_wait3A_251 : memref<4096xf32, #tpu.memory_space<hbm>>)
      %scan3A_255 = arith.constant 0 : i32
      scf.yield %scan3A_255 : i32
    }
    %scan3A_6 = arith.constant 26 : i32
    return
  }
}

</mosaic_0001>

<sc_bundles>
// kernel: kernel.3.cloned.1.call-start
scs
__scs_entry_jumppad:
0x0: {  	(pc) =	sbr.rel $0x88, $3  }
0x1: {  	(tag) =	ssettag $0x0;
	lr =	simm.s32 $0x1  }
0x2: {  	[smem:$0x3F9F] =	sst lr;
	_ =	strace $0xD0000000  }
0x3: {  	_ = 	snop  }
0x4: {  	_ = 	snop  }
0x5: {  	_ = 	snop  }
0x6: {  	_ = 	snop  }
0x7: {  	_ = 	snop  }
__scs_overlays_trampoline_lowered:
0x8: {  	[smem:$0x3FAE] =	sst s0  }
0x9: {  	[smem:$0x3FAF] =	sst s1  }
0xa: {  	[smem:$0x3FB0] =	sst s2  }
0xb: {  	[smem:$0x3FB1] =	sst s3  }
0xc: {  	[smem:$0x3FB2] =	sst s4  }
0xd: {  	[smem:$0x3FB3] =	sst s5  }
0xe: {  	[smem:$0x3FB4] =	sst s6  }
0xf: {  	[smem:$0x3FB5] =	sst s7  }
0x10: {  	[smem:$0x3FB6] =	sst s8  }
0x11: {  	[smem:$0x3FB7] =	sst s9;
	s0 =	simm.s32 @!p0 $0x0  }
0x12: {  	s1 =	sld [smem:$0x3F9D];
	s0 =	simm.s32 @p0 $0x1  }
0x13: {  	[smem:$0x3FB8] =	sst s0;
	s0 =	simm.s32 @!p1 $0x0  }
0x14: {  	s2 =	sld [smem:$0x3F9C];
	s0 =	simm.s32 @p1 $0x1  }
0x15: {  	[smem:$0x3FB9] =	sst s0;
	s0 =	simm.s32 @!p2 $0x0  }
0x16: {  	s3 =	sld [smem:$0x3FDB];
	s0 =	simm.s32 @p2 $0x1  }
0x17: {  	s4 =	simm.s32 $0x1BF5;
	[smem:$0x3FBB] =	sst s0  }
0x18: {  	s0 =	sld [smem:$0x3F9E];
	_ =	swait.ge [sflag:s4], $0x0  }
0x19: {  	s7 =	sld [smem:$0x3F9F]  }
0x1a: {  	s8 =	sadd.s32 $0xFFFFE003, lr  }
0x1b: {  	s9 =	sadd.s32 $0xFFFFFEF7, lr;
	s5 =	simm.s32 $0xFFFFFFFF;
	p2 =	slt.u32 s8, $0xFFFFF086  }
0x1c: {  	p1 =	slt.u32 s9, $0xF7A;
	s5 =	simm.s32 @!p2 $0x0  }
0x1d: {  	s5 =	simm.s32 @p1 $0x1;
	p0 =	seq.s32 s7, s2  }
0x1e: {  	s7 =	smul.u32 @!p0 $0xF7A, s2;
	p2 =	seq.s32 @!p0 s5, $0x0  }
0x1f: {  	s9 =	smul.u32 $0xF7A, s1;
	s8 =	simm.s32 @!p0 $0x1BF5;
	p2 =	por !p2, p0  }
0x20: {  	[sflag:s8] =	ssyncset.s32 @!p0 $0xFFFFF086;
	s6 =	sadd.s32 @!p0 s3, s7;
	s7 =	simm.s32 @!p0 $0x108  }
0x21: {  	s3 =	sadd.s32 s3, s9;
	s6 =	sadd.s32 @!p0 $0x88, s6;
	s7 =	simm.s32 @p2 $0x1082  }
0x22: {  	[simem:s7], [sflag:s8] =	dma.local @!p0 [hbm:s6], $0xF7A  }
0x23: {  	s9 =	sor.u32 $0xD0000000, s2;
	s6 =	simm.s32 $0x108;
	_ =	swait.ge @!p0 [sflag:s8], $0x0  }
0x24: {  	s3 =	sadd.s32 $0x88, s3;
	s6 =	simm.s32 @!p1 $0x1082;
	[sflag:s4] =	ssyncset.s32 $0xFFFFF086  }
0x25: {  	[simem:s6], [sflag:s4] =	dma.local [hbm:s3], $0xF7A  }
0x26: {  	[smem:$0x3F9F] =	sst s1;
	(tag) =	ssettag s2;
	_ =	strace s9  }
0x27: {  	s1 =	sld [smem:$0x3FAF]  }
0x28: {  	s2 =	sld [smem:$0x3FB0]  }
0x29: {  	s4 =	sld [smem:$0x3FB2]  }
0x2a: {  	p0 =	seq.s32 s5, $0x0;
	s5 =	sld [smem:$0x3FB3]  }
0x2b: {  	s6 =	sld [smem:$0x3FB4]  }
0x2c: {  	s7 =	sld [smem:$0x3FB5]  }
0x2d: {  	s3 =	simm.s32 $0x108;
	s8 =	sld [smem:$0x3FB6]  }
0x2e: {  	s3 =	simm.s32 @!p0 $0x1082;
	s9 =	sld [smem:$0x3FB7]  }
0x2f: {  	lr =	sadd.s32 s0, s3;
	s0 =	sld [smem:$0x3FAE]  }
0x30: {  	s3 =	sld [smem:$0x3FB1]  }
0x31: {  	[smem:$0x3FBA] =	sst s10  }
0x32: {  	s10 =	sld [smem:$0x3FB8];
	_ =	sdelay $0x3  }
0x33: {  	p0 =	seq.s32 s10, $0x1;
	s10 =	sld [smem:$0x3FBA];
	_ =	sdelay $0x3  }
0x34: {  	[smem:$0x3FBA] =	sst s10  }
0x35: {  	s10 =	sld [smem:$0x3FB9];
	_ =	sdelay $0x3  }
0x36: {  	p1 =	seq.s32 s10, $0x1;
	s10 =	sld [smem:$0x3FBA];
	_ =	sdelay $0x3  }
0x37: {  	[smem:$0x3FBA] =	sst s10  }
0x38: {  	s10 =	sld [smem:$0x3FBB]  }
0x39: {  	_ = 	snop;
	(pc) =	sbr.ind lr, $3  }
0x3a: {  	_ = 	snop  }
0x3b: {  	_ = 	snop  }
0x3c: {  	p2 =	seq.s32 s10, $0x1;
	s10 =	sld [smem:$0x3FBA]  }
0x3d: {  	_ =	shalt  }
0x3e: {  	_ =	shalt  }
0x3f: {  	_ =	shalt  }
0x40: {  	_ =	shalt  }
0x41: {  	_ =	shalt  }
0x42: {  	_ =	shalt  }
0x43: {  	_ =	shalt  }
0x44: {  	_ =	shalt  }
0x45: {  	_ =	shalt  }
0x46: {  	_ =	shalt  }
0x47: {  	_ =	shalt  }
0x48: {  	_ =	shalt  }
0x49: {  	_ =	shalt  }
0x4a: {  	_ =	shalt  }
0x4b: {  	_ =	shalt  }
0x4c: {  	_ =	shalt  }
0x4d: {  	_ =	shalt  }
0x4e: {  	_ =	shalt  }
0x4f: {  	_ =	shalt  }
0x50: {  	_ =	shalt  }
0x51: {  	_ =	shalt  }
0x52: {  	_ =	shalt  }
0x53: {  	_ =	shalt  }
0x54: {  	_ =	shalt  }
0x55: {  	_ =	shalt  }
0x56: {  	_ =	shalt  }
0x57: {  	_ =	shalt  }
0x58: {  	_ =	shalt  }
0x59: {  	_ =	shalt  }
0x5a: {  	_ =	shalt  }
0x5b: {  	_ =	shalt  }
0x5c: {  	_ =	shalt  }
0x5d: {  	_ =	shalt  }
0x5e: {  	_ =	shalt  }
0x5f: {  	_ =	shalt  }
0x60: {  	_ =	shalt  }
0x61: {  	_ =	shalt  }
0x62: {  	_ =	shalt  }
0x63: {  	_ =	shalt  }
0x64: {  	_ =	shalt  }
0x65: {  	_ =	shalt  }
0x66: {  	_ =	shalt  }
0x67: {  	_ =	shalt  }
0x68: {  	_ =	shalt  }
0x69: {  	_ =	shalt  }
0x6a: {  	_ =	shalt  }
0x6b: {  	_ =	shalt  }
0x6c: {  	_ =	shalt  }
0x6d: {  	_ =	shalt  }
0x6e: {  	_ =	shalt  }
0x6f: {  	_ =	shalt  }
0x70: {  	_ =	shalt  }
0x71: {  	_ =	shalt  }
0x72: {  	_ =	shalt  }
0x73: {  	_ =	shalt  }
0x74: {  	_ =	shalt  }
0x75: {  	_ =	shalt  }
0x76: {  	_ =	shalt  }
0x77: {  	_ =	shalt  }
0x78: {  	_ =	shalt  }
0x79: {  	_ =	shalt  }
0x7a: {  	_ =	shalt  }
0x7b: {  	_ =	shalt  }
0x7c: {  	_ =	shalt  }
0x7d: {  	_ =	shalt  }
0x7e: {  	_ =	shalt  }
0x7f: {  	_ =	shalt  }
0x80: {  	_ =	shalt  }
0x81: {  	_ =	shalt  }
0x82: {  	_ =	shalt  }
0x83: {  	_ =	shalt  }
0x84: {  	_ =	shalt  }
0x85: {  	_ =	shalt  }
0x86: {  	_ =	shalt  }
0x87: {  	_ =	shalt  }
.Lfunc_end0:
.L_simem_size_0:
called_computation_lowered:
.L_overlay_start_0:
0x88: {  	s2 =	sld [smem:$0x3FD9]  }
0x89: {  	s3 =	sld [smem:$0x3FFE];
	_ =	sdelay $0x1  }
0x8a: {  	s1 =	srdreg.scid  }
0x8b: {  	s0 =	sand.u32 $0x1, s1  }
0x8c: {  	s18 =	sshll.u32 s0, $0xA;
	s2 =	sadd.s32 s3, s2  }
0x8d: {  	s2 =	sadd.s32 s2, s18  }
0x8e: {  	[smem:$0x3FC6] =	sst s2  }
0x8f: {  	_ = 	snop  }
0x90: {  	s2 =	sld [smem:$0x3FC9]  }
0x91: {  	s19 =	sld [smem:$0x3FC8]  }
0x92: {  	s4 =	sld [smem:$0x3FD0];
	(tm) =	ssettm $0x1  }
0x93: {  	s5 =	sld [smem:$0x3FFB];
	_ =	sdelay $0x3  }
0x94: {  	_ =	strace s5  }
0x95: {  	s5 =	sld [smem:$0x3FFC];
	_ =	sdelay $0x3  }
0x96: {  	_ =	strace s5  }
0x97: {  	s5 =	sld [smem:$0x3FFD];
	_ =	sdelay $0x3  }
0x98: {  	_ =	strace s5  }
0x99: {  	_ =	strace $0x8FFFFFFF  }
0x9a: {  	s20 =	sld [smem:$0x3FDB];
	_ =	sdelay $0x1  }
0x9b: {  	s6 =	simm.s32 $_scs_section_size  }
0x9c: {  	s7 =	simm.s32 $_size__tile_overlayer_lowered;
	s8 =	simm.s32 $_tile_overlayer_lowered  }
0x9d: {  	s23 =	simm.s32 $0x1BFF;
	s22 =	sshll.u32 s8, $0x1;
	s5 =	sadd.s32 s6, s20  }
0x9e: {  	s9 =	simm.s32 $0x0;
	s21 =	sshll.u32 s7, $0x1;
	s7 =	sadd.s32 s22, s5  }
0x9f: {  	[timem:s9], [sflag:s23] =	dma.local [hbm:s7], s21  }
0xa0: {  	_ =	swait.ge [sflag:s23], s21  }
0xa1: {  	s6 =	ssub.s32 $0x0, s21;
	[sflag:s23] =	ssyncset.done $0x0  }
0xa2: {  	[sflag:s23] =	ssyncadd.s32 s6;
	_ =	sdelay $0x1  }
0xa3: {  	s24 =	simm.s32 $0x1B8B  }
0xa4: {  	_ =	swait.ge [sflag:s24], $0x1  }
0xa5: {  	[sflag:s24] =	ssyncset.done $0x0  }
0xa6: {  	s25 =	simm.s32 $0x1B8E;
	[sflag:s24] =	ssyncadd.s32 $0xFFFFFFFF  }
0xa7: {  	s26 =	simm.s32 $execute0_lowered;
	[smem:$0x3FD2] =	sst s25  }
0xa8: {  	s6 =	sshll.u32 s26, $0x1;
	_ =	strace $0x80000046;
	[dreg:$0x1] =	wrdreg $0xFFFFFFFF  }
0xa9: {  	s28 =	simm.s32 $_size_execute0_lowered;
	s5 =	sadd.s32 s5, s6;
	[dreg:$0x0] =	wrdreg $0x0  }
0xaa: {  	s6 =	sshll.u32 s28, $0x1;
	[dreg:$0x2] =	wrdreg s5  }
0xab: {  	[dreg:$0x3] =	wrdreg s6  }
0xac: {  	[dreg:$0x4] =	wrdreg $0xC0  }
0xad: {  	_ =	task [dreg:s9], $0x5FFFF  }
0xae: {  	[dreg:$0x1] =	wrdreg $0xFFFFFFFF  }
0xaf: {  	[dreg:$0x0] =	wrdreg $0x60  }
0xb0: {  	[dreg:$0x2] =	wrdreg s2  }
0xb1: {  	[dreg:$0x3] =	wrdreg s19  }
0xb2: {  	[dreg:$0x4] =	wrdreg s4  }
0xb3: {  	[dreg:$0x5] =	wrdreg $0x9  }
0xb4: {  	_ =	task.clear_ibuf [dreg:s9], $0x6FFFF;
	_ =	strace $0x90000046  }
0xb5: {  	s29 =	simm.s32 $0x9;
	_ =	strace $0x80000048  }
0xb6: {  	_ =	swait.ge [sflag:s29], $0x1  }
0xb7: {  	[sflag:s29] =	ssyncadd.s32 $0xFFFFFFFF  }
0xb8: {  	_ =	strace $0x90000048  }
0xb9: {  	_ =	sfence  }
0xba: {  	s30 =	sld [smem:$0x0];
	_ =	sdelay $0x2  }
0xbb: {  	s31 =	sshll.u32 s1, $0xD;
	s1 =	sshrl.u32 s1, $0x2  }
0xbc: {  	s3 =	sand.u32 $0x4000, s31;
	s1 =	sadd.s32 s1, s30  }
0xbd: {  	s0 =	sor.u32 s3, s0;
	s1 =	sshll.u32 s1, $0x11  }
0xbe: {  	s0 =	sor.u32 s1, s0  }
0xbf: {  	s0 =	sadd.s32 $0x8F2B, s0  }
0xc0: {  	[sflag:s0] =	ssyncadd.remote.s32 $0x1  }
0xc1: {  	_ =	sfence.sel $0xFFFF  }
0xc2: {  	[dreg:$0x0] =	wrdreg $0xFFFFFFFF;
	(pc) =	sbr.abs _section_cstart, $3  }
0xc3: {  	[dreg:$0x1] =	wrdreg $0xFFFFFFFF  }
0xc4: {  	_ =	task.clear_ibuf [dreg:s9], $0x2FFFF;
	_ =	strace $0x9FFFFFFF  }
0xc5: {  	(tm) =	ssettm $0x7FFFFFFF  }
tec
execute0_lowered:
.L_overlay_start_1:
0x0: {  	(tag) =	ssettag $0x1  }
0x1: {  	s1 =	rddreg [dreg:$0x0]  }
0x2: {  	s2 =	rddreg [dreg:$0x1]  }
0x3: {  	s3 =	rddreg [dreg:$0x2];
	s4 =	srdreg.scid  }
0x4: {  	s0 =	rddreg [dreg:$0x3];
	s5 =	simm.s32 $0x0;
	s16 =	simm.s32 $0x80  }
0x5: {  	s17 =	simm.s32 $0x400;
	s18 =	simm.s32 $0x2;
	s19 =	simm.s32 $0x1  }
0x6: {  	s20 =	simm.s32 $0x3;
	s21 =	simm.s32 $0x0;
	s6 =	sand.u32 $0x1, s4  }
0x7: {  	[smem:$0x7FF] =	sst s5;
	s4 =	stileid.u32;
	s12 =	sadd.s32 $0x3000, s1  }
0x8: {  	s13 =	sadd.s32 $0x2000, s3;
	s14 =	sadd.s32 $0x3000, s3;
	s7 =	ssub.s32 $0x2, s6  }
0x9: {  	s9 =	sshrl.u32 s4, $0x2;
	s10 =	sshll.u32 s4, $0x8;
	s6 =	sshll.u32 s6, $0x7  }
0xa: {  	_ =	strace $0x80000047;
	s8 =	sshrl.u32 s7, $0x1;
	s10 =	sand.u32 $0x300, s10  }
0xb: {  	s11 =	smul.u32 $0xC3800, s9;
	s9 =	sshll.u32 s9, $0x11;
	s15 =	ssub.s32 s7, s8  }
0xc: {  	s6 =	sor.u32 s6, s10;
	s8 =	sadd.s32 $0x1000, s1;
	s10 =	sadd.s32 $0x2000, s1  }
0xd: {  	s7 =	sor.u32 s6, s11;
	s11 =	sadd.s32 $0x1000, s3;
	s15 =	smax.u32 s15, $0x1  }
.LBB2_1:
0xe: {  	s22 =	simm.s32 $0x0  }
.LBB2_2:
0xf: {  	s23 =	smul.u32 $0x30E000, s22;
	_ =	sdelay $0x1  }
0x10: {  	s23 =	sadd.s32 s7, s23  }
0x11: {  	s24 =	simm.s32 $0x0;
	s23 =	sshrl.u32 s23, $0x3  }
0x12: {  	s30 =	sshll.u32 s22, $0xB;
	s31 =	sshll.u32 s22, $0x4;
	s23 =	sadd.s32 s2, s23  }
0x13: {  	[tilespmem:s24], [sflag:$0x1] =	stream.strided.gather [hbm4b:s23+s16], $0x18700, s17, s16, $0x38;
	[tilespmem:$0x1C700] =	vst v63  }
0x14: {  	s23 =	sand.u32 $0xC000, s30;
	s24 =	sand.u32 $0x70, s31  }
0x15: {  	s24 =	sor.u32 s24, s23  }
0x16: {  	s25 =	simm.s32 $0x18700;
	s23 =	sadd.s32 s1, s24  }
0x17: {  	s26 =	simm.s32 $0x80;
	s28 =	simm.s32 $0x18800;
	s29 =	sadd.s32 $0x0, s23  }
.LBB2_3:
0x18: {  	[tilespmem:s25], [sflag:$0x2] =	stream.linear.gather [hbm4b:s29+s5], $0x80, $0x38;
	[tilespmem:$0x1C700] =	vst v63  }
0x19: {  	s29 =	smov.u32 s26;
	s25 =	smov.u32 s28;
	p0 =	sne.s32 s26, $0xF80  }
.Ltmp0:
0x1a: {  	s26 =	sadd.s32 $0x80, s26;
	(pc) =	sbr.rel @p0 .LBB2_3-.Ltmp0, $2  }
0x1b: {  	_ =	sdelay $0x2  }
0x1c: {  	s28 =	sadd.s32 $0x100, s28;
	s29 =	sadd.s32 s29, s23  }
0x1d: {  	[tilespmem:s25], [sflag:$0x2] =	stream.linear.gather [hbm4b:s29+s5], $0x80, $0x38;
	[tilespmem:$0x1C700] =	vst v63  }
0x1e: {  	_ =	swait.ge [sflag:s18], $0x1000  }
0x1f: {  	[sflag:s18] =	ssyncset.done $0x0  }
0x20: {  	[sflag:s18] =	ssyncadd.s32 $0xFFFFF000  }
0x21: {  	s25 =	sadd.s32 s24, s8;
	s23 =	simm.s32 $0x0;
	_ =	swait.ge [sflag:s19], $0x18700  }
0x22: {  	s26 =	simm.s32 $0x18780;
	s28 =	simm.s32 $0x80;
	[sflag:s19] =	ssyncset.done $0x0  }
0x23: {  	s29 =	simm.s32 $0x18880;
	s30 =	sadd.s32 $0x0, s25;
	[sflag:s19] =	ssyncadd.s32 $0xFFFE7900  }
.LBB2_5:
0x24: {  	[tilespmem:s26], [sflag:$0x2] =	stream.linear.gather [hbm4b:s30+s23], $0x80, $0x38;
	[tilespmem:$0x1C700] =	vst v63  }
0x25: {  	s30 =	smov.u32 s28;
	s26 =	smov.u32 s29;
	p0 =	sne.s32 s28, $0xF80  }
.Ltmp1:
0x26: {  	s28 =	sadd.s32 $0x80, s28;
	(pc) =	sbr.rel @p0 .LBB2_5-.Ltmp1, $2  }
0x27: {  	_ =	sdelay $0x2  }
0x28: {  	s29 =	sadd.s32 $0x100, s29;
	s30 =	sadd.s32 s30, s25  }
0x29: {  	[tilespmem:s26], [sflag:$0x2] =	stream.linear.gather [hbm4b:s30+s23], $0x80, $0x38;
	[tilespmem:$0x1C700] =	vst v63  }
0x2a: {  	s23 =	simm.s32 $0x0  }
0x2b: {  	v0 =	vld [tilespmem:s23+$0x18700];
	_ =	sdelay $0x5  }
0x2c: {  	v1 =	vld [tilespmem:s23+$0x18710];
	_ =	sdelay $0x1  }
0x2d: {  	v0 =	vld.idx.msk [tilespmem:v0+s5+$0x0], $0xffff;
	_ =	sdelay $0x4  }
0x2e: {  	[tilespmem:s23+$0x1A700] =	vst v0;
	v0 =	vld [tilespmem:s23+$0x18720]  }
0x2f: {  	v1 =	vld.idx.msk [tilespmem:v1+s5+$0x0], $0xffff;
	_ =	sdelay $0x4  }
0x30: {  	[tilespmem:s23+$0x1A710] =	vst v1;
	v1 =	vld [tilespmem:s23+$0x18730];
	_ =	sdelay $0x1  }
0x31: {  	v0 =	vld.idx.msk [tilespmem:v0+s5+$0x0], $0xffff;
	_ =	sdelay $0x4  }
0x32: {  	[tilespmem:s23+$0x1A720] =	vst v0;
	v0 =	vld [tilespmem:s23+$0x18740]  }
0x33: {  	v1 =	vld.idx.msk [tilespmem:v1+s5+$0x0], $0xffff;
	_ =	sdelay $0x4  }
0x34: {  	[tilespmem:s23+$0x1A730] =	vst v1;
	v1 =	vld [tilespmem:s23+$0x18750];
	_ =	sdelay $0x1  }
0x35: {  	v0 =	vld.idx.msk [tilespmem:v0+s5+$0x0], $0xffff;
	_ =	sdelay $0x4  }
0x36: {  	[tilespmem:s23+$0x1A740] =	vst v0;
	v0 =	vld [tilespmem:s23+$0x18760]  }
0x37: {  	v1 =	vld.idx.msk [tilespmem:v1+s5+$0x0], $0xffff;
	_ =	sdelay $0x4  }
0x38: {  	[tilespmem:s23+$0x1A750] =	vst v1;
	v1 =	vld [tilespmem:s23+$0x18770];
	_ =	sdelay $0x1  }
0x39: {  	v0 =	vld.idx.msk [tilespmem:v0+s5+$0x0], $0xffff;
	_ =	sdelay $0x4  }
0x3a: {  	[tilespmem:s23+$0x1A760] =	vst v0;
	v0 =	vld [tilespmem:s23+$0x18800]  }
0x3b: {  	v1 =	vld.idx.msk [tilespmem:v1+s5+$0x0], $0xffff;
	_ =	sdelay $0x4  }
0x3c: {  	[tilespmem:s23+$0x1A770] =	vst v1;
	v1 =	vld [tilespmem:s23+$0x18810];
	_ =	sdelay $0x1  }
0x3d: {  	v0 =	vld.idx.msk [tilespmem:v0+s5+$0x0], $0xffff;
	_ =	sdelay $0x4  }
0x3e: {  	[tilespmem:s23+$0x1A800] =	vst v0;
	v0 =	vld [tilespmem:s23+$0x18820]  }
0x3f: {  	v1 =	vld.idx.msk [tilespmem:v1+s5+$0x0], $0xffff;
	_ =	sdelay $0x4  }
0x40: {  	[tilespmem:s23+$0x1A810] =	vst v1;
	v1 =	vld [tilespmem:s23+$0x18830];
	_ =	sdelay $0x1  }
0x41: {  	v0 =	vld.idx.msk [tilespmem:v0+s5+$0x0], $0xffff;
	_ =	sdelay $0x4  }
0x42: {  	[tilespmem:s23+$0x1A820] =	vst v0;
	v0 =	vld [tilespmem:s23+$0x18840]  }
0x43: {  	v1 =	vld.idx.msk [tilespmem:v1+s5+$0x0], $0xffff;
	_ =	sdelay $0x4  }
0x44: {  	[tilespmem:s23+$0x1A830] =	vst v1;
	v1 =	vld [tilespmem:s23+$0x18850];
	_ =	sdelay $0x1  }
0x45: {  	v0 =	vld.idx.msk [tilespmem:v0+s5+$0x0], $0xffff;
	_ =	sdelay $0x4  }
0x46: {  	[tilespmem:s23+$0x1A840] =	vst v0;
	v0 =	vld [tilespmem:s23+$0x18860]  }
0x47: {  	v1 =	vld.idx.msk [tilespmem:v1+s5+$0x0], $0xffff;
	_ =	sdelay $0x4  }
0x48: {  	[tilespmem:s23+$0x1A850] =	vst v1;
	v1 =	vld [tilespmem:s23+$0x18870];
	_ =	sdelay $0x1  }
0x49: {  	v0 =	vld.idx.msk [tilespmem:v0+s5+$0x0], $0xffff;
	_ =	sdelay $0x4  }
0x4a: {  	[tilespmem:s23+$0x1A860] =	vst v0;
	v0 =	vld [tilespmem:s23+$0x18900]  }
0x4b: {  	v1 =	vld.idx.msk [tilespmem:v1+s5+$0x0], $0xffff;
	_ =	sdelay $0x4  }
0x4c: {  	[tilespmem:s23+$0x1A870] =	vst v1;
	v1 =	vld [tilespmem:s23+$0x18910];
	_ =	sdelay $0x1  }
0x4d: {  	v0 =	vld.idx.msk [tilespmem:v0+s5+$0x0], $0xffff;
	_ =	sdelay $0x4  }
0x4e: {  	[tilespmem:s23+$0x1A900] =	vst v0;
	v0 =	vld [tilespmem:s23+$0x18920]  }
0x4f: {  	v1 =	vld.idx.msk [tilespmem:v1+s5+$0x0], $0xffff;
	_ =	sdelay $0x4  }
0x50: {  	[tilespmem:s23+$0x1A910] =	vst v1;
	v1 =	vld [tilespmem:s23+$0x18930];
	_ =	sdelay $0x1  }
0x51: {  	v0 =	vld.idx.msk [tilespmem:v0+s5+$0x0], $0xffff;
	_ =	sdelay $0x4  }
0x52: {  	[tilespmem:s23+$0x1A920] =	vst v0;
	v0 =	vld [tilespmem:s23+$0x18940]  }
0x53: {  	v1 =	vld.idx.msk [tilespmem:v1+s5+$0x0], $0xffff;
	_ =	sdelay $0x4  }
0x54: {  	[tilespmem:s23+$0x1A930] =	vst v1;
	v1 =	vld [tilespmem:s23+$0x18950];
	_ =	sdelay $0x1  }
0x55: {  	v0 =	vld.idx.msk [tilespmem:v0+s5+$0x0], $0xffff;
	_ =	sdelay $0x4  }
0x56: {  	[tilespmem:s23+$0x1A940] =	vst v0;
	v0 =	vld [tilespmem:s23+$0x18960]  }
0x57: {  	v1 =	vld.idx.msk [tilespmem:v1+s5+$0x0], $0xffff;
	_ =	sdelay $0x4  }
0x58: {  	[tilespmem:s23+$0x1A950] =	vst v1;
	v1 =	vld [tilespmem:s23+$0x18970];
	_ =	sdelay $0x1  }
0x59: {  	v0 =	vld.idx.msk [tilespmem:v0+s5+$0x0], $0xffff;
	_ =	sdelay $0x4  }
0x5a: {  	[tilespmem:s23+$0x1A960] =	vst v0;
	v0 =	vld [tilespmem:s23+$0x18A00]  }
0x5b: {  	v1 =	vld.idx.msk [tilespmem:v1+s5+$0x0], $0xffff;
	_ =	sdelay $0x4  }
0x5c: {  	[tilespmem:s23+$0x1A970] =	vst v1;
	v1 =	vld [tilespmem:s23+$0x18A10];
	_ =	sdelay $0x1  }
0x5d: {  	v0 =	vld.idx.msk [tilespmem:v0+s5+$0x0], $0xffff;
	_ =	sdelay $0x4  }
0x5e: {  	[tilespmem:s23+$0x1AA00] =	vst v0;
	v0 =	vld [tilespmem:s23+$0x18A20]  }
0x5f: {  	v1 =	vld.idx.msk [tilespmem:v1+s5+$0x0], $0xffff;
	_ =	sdelay $0x4  }
0x60: {  	[tilespmem:s23+$0x1AA10] =	vst v1;
	v1 =	vld [tilespmem:s23+$0x18A30];
	_ =	sdelay $0x1  }
0x61: {  	v0 =	vld.idx.msk [tilespmem:v0+s5+$0x0], $0xffff;
	_ =	sdelay $0x4  }
0x62: {  	[tilespmem:s23+$0x1AA20] =	vst v0;
	v0 =	vld [tilespmem:s23+$0x18A40]  }
0x63: {  	v1 =	vld.idx.msk [tilespmem:v1+s5+$0x0], $0xffff;
	_ =	sdelay $0x4  }
0x64: {  	[tilespmem:s23+$0x1AA30] =	vst v1;
	v1 =	vld [tilespmem:s23+$0x18A50];
	_ =	sdelay $0x1  }
0x65: {  	v0 =	vld.idx.msk [tilespmem:v0+s5+$0x0], $0xffff;
	_ =	sdelay $0x4  }
0x66: {  	v2 =	vld [tilespmem:s23+$0x18A60];
	[tilespmem:s23+$0x1AA40] =	vst v0  }
0x67: {  	v0 =	vld.idx.msk [tilespmem:v1+s5+$0x0], $0xffff;
	_ =	sdelay $0x4  }
0x68: {  	[tilespmem:s23+$0x1AA50] =	vst v0;
	v0 =	vld [tilespmem:s23+$0x18A70];
	_ =	sdelay $0x1  }
0x69: {  	v1 =	vld.idx.msk [tilespmem:v2+s5+$0x0], $0xffff;
	_ =	sdelay $0x3  }
0x6a: {  	s26 =	simm.s32 $0x400;
	s25 =	simm.s32 $0x2000  }
.LBB2_7:
0x6b: {  	p0 =	sne.s32 s25, $0x7000;
	v2 =	vld [tilespmem:s26+$0x18700];
	[tilespmem:s23+$0x1AA60] =	vst v1  }
0x6c: {  	v0 =	vld.idx.msk [tilespmem:v0+s5+$0x0], $0xffff;
	_ =	sdelay $0x5  }
0x6d: {  	v1 =	vld [tilespmem:s26+$0x18710];
	[tilespmem:s23+$0x1AA70] =	vst v0;
	s23 =	smov.u32 s26  }
0x6e: {  	v0 =	vld.idx.msk [tilespmem:v2+s5+$0x0], $0xffff;
	_ =	sdelay $0x5  }
0x6f: {  	[tilespmem:s23+$0x1A700] =	vst v0;
	v0 =	vld [tilespmem:s23+$0x18720]  }
0x70: {  	v1 =	vld.idx.msk [tilespmem:v1+s5+$0x0], $0xffff;
	_ =	sdelay $0x5  }
0x71: {  	[tilespmem:s23+$0x1A710] =	vst v1;
	v1 =	vld [tilespmem:s23+$0x18730]  }
0x72: {  	v0 =	vld.idx.msk [tilespmem:v0+s5+$0x0], $0xffff;
	_ =	sdelay $0x5  }
0x73: {  	[tilespmem:s23+$0x1A720] =	vst v0;
	v0 =	vld [tilespmem:s23+$0x18740]  }
0x74: {  	v1 =	vld.idx.msk [tilespmem:v1+s5+$0x0], $0xffff;
	_ =	sdelay $0x5  }
0x75: {  	[tilespmem:s23+$0x1A730] =	vst v1;
	v1 =	vld [tilespmem:s23+$0x18750]  }
0x76: {  	v0 =	vld.idx.msk [tilespmem:v0+s5+$0x0], $0xffff;
	_ =	sdelay $0x5  }
0x77: {  	[tilespmem:s23+$0x1A740] =	vst v0;
	v0 =	vld [tilespmem:s23+$0x18760]  }
0x78: {  	v1 =	vld.idx.msk [tilespmem:v1+s5+$0x0], $0xffff;
	_ =	sdelay $0x5  }
0x79: {  	[tilespmem:s23+$0x1A750] =	vst v1;
	v1 =	vld [tilespmem:s23+$0x18770]  }
0x7a: {  	v0 =	vld.idx.msk [tilespmem:v0+s5+$0x0], $0xffff;
	_ =	sdelay $0x5  }
0x7b: {  	[tilespmem:s23+$0x1A760] =	vst v0;
	v0 =	vld [tilespmem:s23+$0x18800]  }
0x7c: {  	v1 =	vld.idx.msk [tilespmem:v1+s5+$0x0], $0xffff;
	_ =	sdelay $0x5  }
0x7d: {  	[tilespmem:s23+$0x1A770] =	vst v1;
	v1 =	vld [tilespmem:s23+$0x18810]  }
0x7e: {  	v0 =	vld.idx.msk [tilespmem:v0+s5+$0x0], $0xffff;
	_ =	sdelay $0x5  }
0x7f: {  	[tilespmem:s23+$0x1A800] =	vst v0;
	v0 =	vld [tilespmem:s23+$0x18820]  }
0x80: {  	v1 =	vld.idx.msk [tilespmem:v1+s5+$0x0], $0xffff;
	_ =	sdelay $0x5  }
0x81: {  	[tilespmem:s23+$0x1A810] =	vst v1;
	v1 =	vld [tilespmem:s23+$0x18830]  }
0x82: {  	v0 =	vld.idx.msk [tilespmem:v0+s5+$0x0], $0xffff;
	_ =	sdelay $0x5  }
0x83: {  	[tilespmem:s23+$0x1A820] =	vst v0;
	v0 =	vld [tilespmem:s23+$0x18840]  }
0x84: {  	v1 =	vld.idx.msk [tilespmem:v1+s5+$0x0], $0xffff;
	_ =	sdelay $0x5  }
0x85: {  	[tilespmem:s23+$0x1A830] =	vst v1;
	v1 =	vld [tilespmem:s23+$0x18850]  }
0x86: {  	v0 =	vld.idx.msk [tilespmem:v0+s5+$0x0], $0xffff;
	_ =	sdelay $0x5  }
0x87: {  	[tilespmem:s23+$0x1A840] =	vst v0;
	v0 =	vld [tilespmem:s23+$0x18860]  }
0x88: {  	v1 =	vld.idx.msk [tilespmem:v1+s5+$0x0], $0xffff;
	_ =	sdelay $0x5  }
0x89: {  	[tilespmem:s23+$0x1A850] =	vst v1;
	v1 =	vld [tilespmem:s23+$0x18870]  }
0x8a: {  	v0 =	vld.idx.msk [tilespmem:v0+s5+$0x0], $0xffff;
	_ =	sdelay $0x5  }
0x8b: {  	[tilespmem:s23+$0x1A860] =	vst v0;
	v0 =	vld [tilespmem:s23+$0x18900]  }
0x8c: {  	v1 =	vld.idx.msk [tilespmem:v1+s5+$0x0], $0xffff;
	_ =	sdelay $0x5  }
0x8d: {  	[tilespmem:s23+$0x1A870] =	vst v1;
	v1 =	vld [tilespmem:s23+$0x18910]  }
0x8e: {  	v0 =	vld.idx.msk [tilespmem:v0+s5+$0x0], $0xffff;
	_ =	sdelay $0x5  }
0x8f: {  	[tilespmem:s23+$0x1A900] =	vst v0;
	v0 =	vld [tilespmem:s23+$0x18920]  }
0x90: {  	v1 =	vld.idx.msk [tilespmem:v1+s5+$0x0], $0xffff;
	_ =	sdelay $0x5  }
0x91: {  	[tilespmem:s23+$0x1A910] =	vst v1;
	v1 =	vld [tilespmem:s23+$0x18930]  }
0x92: {  	v0 =	vld.idx.msk [tilespmem:v0+s5+$0x0], $0xffff;
	_ =	sdelay $0x5  }
0x93: {  	[tilespmem:s23+$0x1A920] =	vst v0;
	v0 =	vld [tilespmem:s23+$0x18940]  }
0x94: {  	v1 =	vld.idx.msk [tilespmem:v1+s5+$0x0], $0xffff;
	_ =	sdelay $0x5  }
0x95: {  	[tilespmem:s23+$0x1A930] =	vst v1;
	v1 =	vld [tilespmem:s23+$0x18950]  }
0x96: {  	v0 =	vld.idx.msk [tilespmem:v0+s5+$0x0], $0xffff;
	_ =	sdelay $0x5  }
0x97: {  	[tilespmem:s23+$0x1A940] =	vst v0;
	v0 =	vld [tilespmem:s23+$0x18960]  }
0x98: {  	v1 =	vld.idx.msk [tilespmem:v1+s5+$0x0], $0xffff;
	_ =	sdelay $0x5  }
0x99: {  	[tilespmem:s23+$0x1A950] =	vst v1;
	v1 =	vld [tilespmem:s23+$0x18970]  }
0x9a: {  	v0 =	vld.idx.msk [tilespmem:v0+s5+$0x0], $0xffff;
	_ =	sdelay $0x5  }
0x9b: {  	[tilespmem:s23+$0x1A960] =	vst v0;
	v0 =	vld [tilespmem:s23+$0x18A00]  }
0x9c: {  	v1 =	vld.idx.msk [tilespmem:v1+s5+$0x0], $0xffff;
	_ =	sdelay $0x5  }
0x9d: {  	[tilespmem:s23+$0x1A970] =	vst v1;
	v1 =	vld [tilespmem:s23+$0x18A10]  }
0x9e: {  	v0 =	vld.idx.msk [tilespmem:v0+s5+$0x0], $0xffff;
	_ =	sdelay $0x5  }
0x9f: {  	[tilespmem:s23+$0x1AA00] =	vst v0;
	v0 =	vld [tilespmem:s23+$0x18A20]  }
0xa0: {  	v1 =	vld.idx.msk [tilespmem:v1+s5+$0x0], $0xffff;
	_ =	sdelay $0x5  }
0xa1: {  	[tilespmem:s23+$0x1AA10] =	vst v1;
	v1 =	vld [tilespmem:s23+$0x18A30]  }
0xa2: {  	v0 =	vld.idx.msk [tilespmem:v0+s5+$0x0], $0xffff;
	_ =	sdelay $0x5  }
0xa3: {  	[tilespmem:s23+$0x1AA20] =	vst v0;
	v0 =	vld [tilespmem:s23+$0x18A40]  }
0xa4: {  	v1 =	vld.idx.msk [tilespmem:v1+s5+$0x0], $0xffff;
	_ =	sdelay $0x5  }
0xa5: {  	[tilespmem:s23+$0x1AA30] =	vst v1;
	v1 =	vld [tilespmem:s23+$0x18A50]  }
0xa6: {  	v0 =	vld.idx.msk [tilespmem:v0+s5+$0x0], $0xffff;
	_ =	sdelay $0x5  }
0xa7: {  	[tilespmem:s23+$0x1AA40] =	vst v0;
	v2 =	vld [tilespmem:s23+$0x18A60]  }
0xa8: {  	v0 =	vld.idx.msk [tilespmem:v1+s5+$0x0], $0xffff;
	_ =	sdelay $0x5  }
0xa9: {  	[tilespmem:s23+$0x1AA50] =	vst v0;
	v0 =	vld [tilespmem:s23+$0x18A70]  }
0xaa: {  	v1 =	vld.idx.msk [tilespmem:v2+s5+$0x0], $0xffff  }
.Ltmp2:
0xab: {  	(pc) =	sbr.rel @p0 .LBB2_7-.Ltmp2, $2  }
0xac: {  	_ =	sdelay $0x2  }
0xad: {  	s26 =	sshra.s32 s25, $0x2;
	s25 =	sadd.s32 $0x1000, s25  }
0xae: {  	_ =	sdelay $0x1  }
0xaf: {  	v2 =	vld [tilespmem:s26+$0x18700]  }
0xb0: {  	[tilespmem:s23+$0x1AA60] =	vst v1  }
0xb1: {  	v0 =	vld.idx.msk [tilespmem:v0+s5+$0x0], $0xffff;
	_ =	sdelay $0x3  }
0xb2: {  	v1 =	vld [tilespmem:s26+$0x18710]  }
0xb3: {  	[tilespmem:s23+$0x1AA70] =	vst v0  }
0xb4: {  	v0 =	vld.idx.msk [tilespmem:v2+s5+$0x0], $0xffff;
	_ =	sdelay $0x3  }
0xb5: {  	v34 =	vld [tilespmem:s26+$0x18720]  }
0xb6: {  	[tilespmem:s26+$0x1A700] =	vst v0  }
0xb7: {  	v1 =	vld.idx.msk [tilespmem:v1+s5+$0x0], $0xffff;
	_ =	sdelay $0x3  }
0xb8: {  	v35 =	vld [tilespmem:s26+$0x18730]  }
0xb9: {  	[tilespmem:s26+$0x1A710] =	vst v1  }
0xba: {  	v0 =	vld.idx.msk [tilespmem:v34+s5+$0x0], $0xffff;
	_ =	sdelay $0x3  }
0xbb: {  	v36 =	vld [tilespmem:s26+$0x18740]  }
0xbc: {  	[tilespmem:s26+$0x1A720] =	vst v0  }
0xbd: {  	v1 =	vld.idx.msk [tilespmem:v35+s5+$0x0], $0xffff;
	_ =	sdelay $0x3  }
0xbe: {  	v37 =	vld [tilespmem:s26+$0x18750]  }
0xbf: {  	[tilespmem:s26+$0x1A730] =	vst v1  }
0xc0: {  	v0 =	vld.idx.msk [tilespmem:v36+s5+$0x0], $0xffff;
	_ =	sdelay $0x3  }
0xc1: {  	v38 =	vld [tilespmem:s26+$0x18760]  }
0xc2: {  	[tilespmem:s26+$0x1A740] =	vst v0  }
0xc3: {  	v1 =	vld.idx.msk [tilespmem:v37+s5+$0x0], $0xffff;
	_ =	sdelay $0x3  }
0xc4: {  	v39 =	vld [tilespmem:s26+$0x18770]  }
0xc5: {  	[tilespmem:s26+$0x1A750] =	vst v1  }
0xc6: {  	v0 =	vld.idx.msk [tilespmem:v38+s5+$0x0], $0xffff;
	_ =	sdelay $0x3  }
0xc7: {  	v40 =	vld [tilespmem:s26+$0x18800]  }
0xc8: {  	[tilespmem:s26+$0x1A760] =	vst v0  }
0xc9: {  	v1 =	vld.idx.msk [tilespmem:v39+s5+$0x0], $0xffff;
	_ =	sdelay $0x3  }
0xca: {  	v41 =	vld [tilespmem:s26+$0x18810]  }
0xcb: {  	[tilespmem:s26+$0x1A770] =	vst v1  }
0xcc: {  	v0 =	vld.idx.msk [tilespmem:v40+s5+$0x0], $0xffff;
	_ =	sdelay $0x3  }
0xcd: {  	v42 =	vld [tilespmem:s26+$0x18820]  }
0xce: {  	[tilespmem:s26+$0x1A800] =	vst v0  }
0xcf: {  	v1 =	vld.idx.msk [tilespmem:v41+s5+$0x0], $0xffff;
	_ =	sdelay $0x3  }
0xd0: {  	v43 =	vld [tilespmem:s26+$0x18830]  }
0xd1: {  	[tilespmem:s26+$0x1A810] =	vst v1  }
0xd2: {  	v0 =	vld.idx.msk [tilespmem:v42+s5+$0x0], $0xffff;
	_ =	sdelay $0x3  }
0xd3: {  	v44 =	vld [tilespmem:s26+$0x18840]  }
0xd4: {  	[tilespmem:s26+$0x1A820] =	vst v0  }
0xd5: {  	v1 =	vld.idx.msk [tilespmem:v43+s5+$0x0], $0xffff;
	_ =	sdelay $0x3  }
0xd6: {  	v45 =	vld [tilespmem:s26+$0x18850]  }
0xd7: {  	[tilespmem:s26+$0x1A830] =	vst v1  }
0xd8: {  	v0 =	vld.idx.msk [tilespmem:v44+s5+$0x0], $0xffff;
	_ =	sdelay $0x3  }
0xd9: {  	v46 =	vld [tilespmem:s26+$0x18860]  }
0xda: {  	[tilespmem:s26+$0x1A840] =	vst v0  }
0xdb: {  	v1 =	vld.idx.msk [tilespmem:v45+s5+$0x0], $0xffff;
	_ =	sdelay $0x3  }
0xdc: {  	v47 =	vld [tilespmem:s26+$0x18870]  }
0xdd: {  	[tilespmem:s26+$0x1A850] =	vst v1  }
0xde: {  	v0 =	vld.idx.msk [tilespmem:v46+s5+$0x0], $0xffff;
	_ =	sdelay $0x3  }
0xdf: {  	v48 =	vld [tilespmem:s26+$0x18900]  }
0xe0: {  	[tilespmem:s26+$0x1A860] =	vst v0  }
0xe1: {  	v1 =	vld.idx.msk [tilespmem:v47+s5+$0x0], $0xffff;
	_ =	sdelay $0x3  }
0xe2: {  	v49 =	vld [tilespmem:s26+$0x18910]  }
0xe3: {  	[tilespmem:s26+$0x1A870] =	vst v1  }
0xe4: {  	v0 =	vld.idx.msk [tilespmem:v48+s5+$0x0], $0xffff;
	_ =	sdelay $0x3  }
0xe5: {  	v50 =	vld [tilespmem:s26+$0x18920]  }
0xe6: {  	[tilespmem:s26+$0x1A900] =	vst v0  }
0xe7: {  	v1 =	vld.idx.msk [tilespmem:v49+s5+$0x0], $0xffff;
	_ =	sdelay $0x3  }
0xe8: {  	v51 =	vld [tilespmem:s26+$0x18930]  }
0xe9: {  	[tilespmem:s26+$0x1A910] =	vst v1  }
0xea: {  	v0 =	vld.idx.msk [tilespmem:v50+s5+$0x0], $0xffff;
	_ =	sdelay $0x3  }
0xeb: {  	v52 =	vld [tilespmem:s26+$0x18940]  }
0xec: {  	[tilespmem:s26+$0x1A920] =	vst v0  }
0xed: {  	v1 =	vld.idx.msk [tilespmem:v51+s5+$0x0], $0xffff;
	_ =	sdelay $0x3  }
0xee: {  	v53 =	vld [tilespmem:s26+$0x18950]  }
0xef: {  	[tilespmem:s26+$0x1A930] =	vst v1  }
0xf0: {  	v0 =	vld.idx.msk [tilespmem:v52+s5+$0x0], $0xffff;
	_ =	sdelay $0x3  }
0xf1: {  	v54 =	vld [tilespmem:s26+$0x18960]  }
0xf2: {  	[tilespmem:s26+$0x1A940] =	vst v0  }
0xf3: {  	v1 =	vld.idx.msk [tilespmem:v53+s5+$0x0], $0xffff;
	_ =	sdelay $0x3  }
0xf4: {  	v55 =	vld [tilespmem:s26+$0x18970]  }
0xf5: {  	[tilespmem:s26+$0x1A950] =	vst v1  }
0xf6: {  	v0 =	vld.idx.msk [tilespmem:v54+s5+$0x0], $0xffff;
	_ =	sdelay $0x3  }
0xf7: {  	v56 =	vld [tilespmem:s26+$0x18A00]  }
0xf8: {  	[tilespmem:s26+$0x1A960] =	vst v0  }
0xf9: {  	v1 =	vld.idx.msk [tilespmem:v55+s5+$0x0], $0xffff;
	_ =	sdelay $0x3  }
0xfa: {  	v57 =	vld [tilespmem:s26+$0x18A10]  }
0xfb: {  	[tilespmem:s26+$0x1A970] =	vst v1  }
0xfc: {  	v0 =	vld.idx.msk [tilespmem:v56+s5+$0x0], $0xffff;
	_ =	sdelay $0x3  }
0xfd: {  	v58 =	vld [tilespmem:s26+$0x18A20]  }
0xfe: {  	[tilespmem:s26+$0x1AA00] =	vst v0  }
0xff: {  	v1 =	vld.idx.msk [tilespmem:v57+s5+$0x0], $0xffff;
	_ =	sdelay $0x3  }
0x100: {  	v59 =	vld [tilespmem:s26+$0x18A30]  }
0x101: {  	[tilespmem:s26+$0x1AA10] =	vst v1  }
0x102: {  	v0 =	vld.idx.msk [tilespmem:v58+s5+$0x0], $0xffff;
	_ =	sdelay $0x3  }
0x103: {  	v60 =	vld [tilespmem:s26+$0x18A40]  }
0x104: {  	[tilespmem:s26+$0x1AA20] =	vst v0  }
0x105: {  	v1 =	vld.idx.msk [tilespmem:v59+s5+$0x0], $0xffff;
	_ =	sdelay $0x3  }
0x106: {  	v61 =	vld [tilespmem:s26+$0x18A50]  }
0x107: {  	[tilespmem:s26+$0x1AA30] =	vst v1  }
0x108: {  	v0 =	vld.idx.msk [tilespmem:v60+s5+$0x0], $0xffff;
	_ =	sdelay $0x3  }
0x109: {  	v62 =	vld [tilespmem:s26+$0x18A60]  }
0x10a: {  	[tilespmem:s26+$0x1AA40] =	vst v0  }
0x10b: {  	v1 =	vld.idx.msk [tilespmem:v61+s5+$0x0], $0xffff;
	_ =	sdelay $0x3  }
0x10c: {  	v63 =	vld [tilespmem:s26+$0x18A70]  }
0x10d: {  	[tilespmem:s26+$0x1AA50] =	vst v1  }
0x10e: {  	v0 =	vld.idx.msk [tilespmem:v62+s5+$0x0], $0xffff;
	_ =	sdelay $0x4  }
0x10f: {  	[tilespmem:s26+$0x1AA60] =	vst v0  }
0x110: {  	s31 =	sshll.u32 s22, $0x13;
	v0 =	vld.idx.msk [tilespmem:v63+s5+$0x0], $0xffff  }
0x111: {  	s23 =	sor.u32 s31, s9  }
0x112: {  	s23 =	sor.u32 s6, s23  }
0x113: {  	s23 =	sshrl.u32 s23, $0x3  }
0x114: {  	s28 =	simm.s32 $0x1A700;
	s25 =	sadd.s32 s3, s23  }
0x115: {  	s29 =	simm.s32 $0x1A800;
	s30 =	sadd.s32 $0x0, s25;
	[tilespmem:s26+$0x1AA70] =	vst v0;
	s26 =	simm.s32 $0x80  }
.LBB2_9:
0x116: {  	[hbm4b:s30+s5] =	stream.linear.scatter [tilespmem:s28], [sflag:$0x3], $0x80, $0x38;
	[tilespmem:$0x1C700] =	vst v63  }
0x117: {  	s30 =	smov.u32 s26;
	s28 =	smov.u32 s29;
	p0 =	sne.s32 s26, $0xF80  }
.Ltmp3:
0x118: {  	s26 =	sadd.s32 $0x80, s26;
	(pc) =	sbr.rel @p0 .LBB2_9-.Ltmp3, $2  }
0x119: {  	_ =	sdelay $0x2  }
0x11a: {  	s29 =	sadd.s32 $0x100, s29;
	s30 =	sadd.s32 s30, s25  }
0x11b: {  	[hbm4b:s30+s5] =	stream.linear.scatter [tilespmem:s28], [sflag:$0x3], $0x80, $0x38;
	[tilespmem:$0x1C700] =	vst v63  }
0x11c: {  	s26 =	sadd.s32 s24, s10;
	s25 =	simm.s32 $0x0;
	_ =	swait.ge [sflag:s18], $0x1000  }
0x11d: {  	s28 =	simm.s32 $0x18700;
	s29 =	simm.s32 $0x80;
	[sflag:s18] =	ssyncset.done $0x0  }
0x11e: {  	s30 =	simm.s32 $0x18800;
	s31 =	sadd.s32 $0x0, s26;
	[sflag:s18] =	ssyncadd.s32 $0xFFFFF000  }
.LBB2_11:
0x11f: {  	[tilespmem:s28], [sflag:$0x2] =	stream.linear.gather [hbm4b:s31+s25], $0x80, $0x38;
	[tilespmem:$0x1C700] =	vst v63  }
0x120: {  	s31 =	smov.u32 s29;
	s28 =	smov.u32 s30;
	p0 =	sne.s32 s29, $0xF80  }
.Ltmp4:
0x121: {  	s29 =	sadd.s32 $0x80, s29;
	(pc) =	sbr.rel @p0 .LBB2_11-.Ltmp4, $2  }
0x122: {  	_ =	sdelay $0x2  }
0x123: {  	s30 =	sadd.s32 $0x100, s30;
	s31 =	sadd.s32 s31, s26  }
0x124: {  	[tilespmem:s28], [sflag:$0x2] =	stream.linear.gather [hbm4b:s31+s25], $0x80, $0x38;
	[tilespmem:$0x1C700] =	vst v63  }
0x125: {  	s25 =	simm.s32 $0x0  }
0x126: {  	v0 =	vld [tilespmem:s25+$0x18780];
	_ =	sdelay $0x5  }
0x127: {  	v1 =	vld [tilespmem:s25+$0x18790];
	_ =	sdelay $0x1  }
0x128: {  	v0 =	vld.idx.msk [tilespmem:v0+s5+$0x0], $0xffff;
	_ =	sdelay $0x4  }
0x129: {  	[tilespmem:s25+$0x1A780] =	vst v0;
	v0 =	vld [tilespmem:s25+$0x187A0]  }
0x12a: {  	v1 =	vld.idx.msk [tilespmem:v1+s5+$0x0], $0xffff;
	_ =	sdelay $0x4  }
0x12b: {  	[tilespmem:s25+$0x1A790] =	vst v1;
	v1 =	vld [tilespmem:s25+$0x187B0];
	_ =	sdelay $0x1  }
0x12c: {  	v0 =	vld.idx.msk [tilespmem:v0+s5+$0x0], $0xffff;
	_ =	sdelay $0x4  }
0x12d: {  	[tilespmem:s25+$0x1A7A0] =	vst v0;
	v0 =	vld [tilespmem:s25+$0x187C0]  }
0x12e: {  	v1 =	vld.idx.msk [tilespmem:v1+s5+$0x0], $0xffff;
	_ =	sdelay $0x4  }
0x12f: {  	[tilespmem:s25+$0x1A7B0] =	vst v1;
	v1 =	vld [tilespmem:s25+$0x187D0];
	_ =	sdelay $0x1  }
0x130: {  	v0 =	vld.idx.msk [tilespmem:v0+s5+$0x0], $0xffff;
	_ =	sdelay $0x4  }
0x131: {  	[tilespmem:s25+$0x1A7C0] =	vst v0;
	v0 =	vld [tilespmem:s25+$0x187E0]  }
0x132: {  	v1 =	vld.idx.msk [tilespmem:v1+s5+$0x0], $0xffff;
	_ =	sdelay $0x4  }
0x133: {  	[tilespmem:s25+$0x1A7D0] =	vst v1;
	v1 =	vld [tilespmem:s25+$0x187F0];
	_ =	sdelay $0x1  }
0x134: {  	v0 =	vld.idx.msk [tilespmem:v0+s5+$0x0], $0xffff;
	_ =	sdelay $0x4  }
0x135: {  	[tilespmem:s25+$0x1A7E0] =	vst v0;
	v0 =	vld [tilespmem:s25+$0x18880]  }
0x136: {  	v1 =	vld.idx.msk [tilespmem:v1+s5+$0x0], $0xffff;
	_ =	sdelay $0x4  }
0x137: {  	[tilespmem:s25+$0x1A7F0] =	vst v1;
	v1 =	vld [tilespmem:s25+$0x18890];
	_ =	sdelay $0x1  }
0x138: {  	v0 =	vld.idx.msk [tilespmem:v0+s5+$0x0], $0xffff;
	_ =	sdelay $0x4  }
0x139: {  	[tilespmem:s25+$0x1A880] =	vst v0;
	v0 =	vld [tilespmem:s25+$0x188A0]  }
0x13a: {  	v1 =	vld.idx.msk [tilespmem:v1+s5+$0x0], $0xffff;
	_ =	sdelay $0x4  }
0x13b: {  	[tilespmem:s25+$0x1A890] =	vst v1;
	v1 =	vld [tilespmem:s25+$0x188B0];
	_ =	sdelay $0x1  }
0x13c: {  	v0 =	vld.idx.msk [tilespmem:v0+s5+$0x0], $0xffff;
	_ =	sdelay $0x4  }
0x13d: {  	[tilespmem:s25+$0x1A8A0] =	vst v0;
	v0 =	vld [tilespmem:s25+$0x188C0]  }
0x13e: {  	v1 =	vld.idx.msk [tilespmem:v1+s5+$0x0], $0xffff;
	_ =	sdelay $0x4  }
0x13f: {  	[tilespmem:s25+$0x1A8B0] =	vst v1;
	v1 =	vld [tilespmem:s25+$0x188D0];
	_ =	sdelay $0x1  }
0x140: {  	v0 =	vld.idx.msk [tilespmem:v0+s5+$0x0], $0xffff;
	_ =	sdelay $0x4  }
0x141: {  	[tilespmem:s25+$0x1A8C0] =	vst v0;
	v0 =	vld [tilespmem:s25+$0x188E0]  }
0x142: {  	v1 =	vld.idx.msk [tilespmem:v1+s5+$0x0], $0xffff;
	_ =	sdelay $0x4  }
0x143: {  	[tilespmem:s25+$0x1A8D0] =	vst v1;
	v1 =	vld [tilespmem:s25+$0x188F0];
	_ =	sdelay $0x1  }
0x144: {  	v0 =	vld.idx.msk [tilespmem:v0+s5+$0x0], $0xffff;
	_ =	sdelay $0x4  }
0x145: {  	[tilespmem:s25+$0x1A8E0] =	vst v0;
	v0 =	vld [tilespmem:s25+$0x18980]  }
0x146: {  	v1 =	vld.idx.msk [tilespmem:v1+s5+$0x0], $0xffff;
	_ =	sdelay $0x4  }
0x147: {  	[tilespmem:s25+$0x1A8F0] =	vst v1;
	v1 =	vld [tilespmem:s25+$0x18990];
	_ =	sdelay $0x1  }
0x148: {  	v0 =	vld.idx.msk [tilespmem:v0+s5+$0x0], $0xffff;
	_ =	sdelay $0x4  }
0x149: {  	[tilespmem:s25+$0x1A980] =	vst v0;
	v0 =	vld [tilespmem:s25+$0x189A0]  }
0x14a: {  	v1 =	vld.idx.msk [tilespmem:v1+s5+$0x0], $0xffff;
	_ =	sdelay $0x4  }
0x14b: {  	[tilespmem:s25+$0x1A990] =	vst v1;
	v1 =	vld [tilespmem:s25+$0x189B0];
	_ =	sdelay $0x1  }
0x14c: {  	v0 =	vld.idx.msk [tilespmem:v0+s5+$0x0], $0xffff;
	_ =	sdelay $0x4  }
0x14d: {  	[tilespmem:s25+$0x1A9A0] =	vst v0;
	v0 =	vld [tilespmem:s25+$0x189C0]  }
0x14e: {  	v1 =	vld.idx.msk [tilespmem:v1+s5+$0x0], $0xffff;
	_ =	sdelay $0x4  }
0x14f: {  	[tilespmem:s25+$0x1A9B0] =	vst v1;
	v1 =	vld [tilespmem:s25+$0x189D0];
	_ =	sdelay $0x1  }
0x150: {  	v0 =	vld.idx.msk [tilespmem:v0+s5+$0x0], $0xffff;
	_ =	sdelay $0x4  }
0x151: {  	[tilespmem:s25+$0x1A9C0] =	vst v0;
	v0 =	vld [tilespmem:s25+$0x189E0]  }
0x152: {  	v1 =	vld.idx.msk [tilespmem:v1+s5+$0x0], $0xffff;
	_ =	sdelay $0x4  }
0x153: {  	[tilespmem:s25+$0x1A9D0] =	vst v1;
	v1 =	vld [tilespmem:s25+$0x189F0];
	_ =	sdelay $0x1  }
0x154: {  	v0 =	vld.idx.msk [tilespmem:v0+s5+$0x0], $0xffff;
	_ =	sdelay $0x4  }
0x155: {  	[tilespmem:s25+$0x1A9E0] =	vst v0;
	v0 =	vld [tilespmem:s25+$0x18A80]  }
0x156: {  	v1 =	vld.idx.msk [tilespmem:v1+s5+$0x0], $0xffff;
	_ =	sdelay $0x4  }
0x157: {  	[tilespmem:s25+$0x1A9F0] =	vst v1;
	v1 =	vld [tilespmem:s25+$0x18A90];
	_ =	sdelay $0x1  }
0x158: {  	v0 =	vld.idx.msk [tilespmem:v0+s5+$0x0], $0xffff;
	_ =	sdelay $0x4  }
0x159: {  	[tilespmem:s25+$0x1AA80] =	vst v0;
	v0 =	vld [tilespmem:s25+$0x18AA0]  }
0x15a: {  	v1 =	vld.idx.msk [tilespmem:v1+s5+$0x0], $0xffff;
	_ =	sdelay $0x4  }
0x15b: {  	[tilespmem:s25+$0x1AA90] =	vst v1;
	v1 =	vld [tilespmem:s25+$0x18AB0];
	_ =	sdelay $0x1  }
0x15c: {  	v0 =	vld.idx.msk [tilespmem:v0+s5+$0x0], $0xffff;
	_ =	sdelay $0x4  }
0x15d: {  	[tilespmem:s25+$0x1AAA0] =	vst v0;
	v0 =	vld [tilespmem:s25+$0x18AC0]  }
0x15e: {  	v1 =	vld.idx.msk [tilespmem:v1+s5+$0x0], $0xffff;
	_ =	sdelay $0x4  }
0x15f: {  	[tilespmem:s25+$0x1AAB0] =	vst v1;
	v1 =	vld [tilespmem:s25+$0x18AD0];
	_ =	sdelay $0x1  }
0x160: {  	v0 =	vld.idx.msk [tilespmem:v0+s5+$0x0], $0xffff;
	_ =	sdelay $0x4  }
0x161: {  	v2 =	vld [tilespmem:s25+$0x18AE0];
	[tilespmem:s25+$0x1AAC0] =	vst v0  }
0x162: {  	v0 =	vld.idx.msk [tilespmem:v1+s5+$0x0], $0xffff;
	_ =	sdelay $0x4  }
0x163: {  	[tilespmem:s25+$0x1AAD0] =	vst v0;
	v0 =	vld [tilespmem:s25+$0x18AF0];
	_ =	sdelay $0x1  }
0x164: {  	v1 =	vld.idx.msk [tilespmem:v2+s5+$0x0], $0xffff;
	_ =	sdelay $0x3  }
0x165: {  	s28 =	simm.s32 $0x400;
	s26 =	simm.s32 $0x2000  }
.LBB2_13:
0x166: {  	p0 =	sne.s32 s26, $0x7000;
	v2 =	vld [tilespmem:s28+$0x18780];
	[tilespmem:s25+$0x1AAE0] =	vst v1  }
0x167: {  	v0 =	vld.idx.msk [tilespmem:v0+s5+$0x0], $0xffff;
	_ =	sdelay $0x5  }
0x168: {  	v1 =	vld [tilespmem:s28+$0x18790];
	[tilespmem:s25+$0x1AAF0] =	vst v0;
	s25 =	smov.u32 s28  }
0x169: {  	v0 =	vld.idx.msk [tilespmem:v2+s5+$0x0], $0xffff;
	_ =	sdelay $0x5  }
0x16a: {  	[tilespmem:s25+$0x1A780] =	vst v0;
	v0 =	vld [tilespmem:s25+$0x187A0]  }
0x16b: {  	v1 =	vld.idx.msk [tilespmem:v1+s5+$0x0], $0xffff;
	_ =	sdelay $0x5  }
0x16c: {  	[tilespmem:s25+$0x1A790] =	vst v1;
	v1 =	vld [tilespmem:s25+$0x187B0]  }
0x16d: {  	v0 =	vld.idx.msk [tilespmem:v0+s5+$0x0], $0xffff;
	_ =	sdelay $0x5  }
0x16e: {  	[tilespmem:s25+$0x1A7A0] =	vst v0;
	v0 =	vld [tilespmem:s25+$0x187C0]  }
0x16f: {  	v1 =	vld.idx.msk [tilespmem:v1+s5+$0x0], $0xffff;
	_ =	sdelay $0x5  }
0x170: {  	[tilespmem:s25+$0x1A7B0] =	vst v1;
	v1 =	vld [tilespmem:s25+$0x187D0]  }
0x171: {  	v0 =	vld.idx.msk [tilespmem:v0+s5+$0x0], $0xffff;
	_ =	sdelay $0x5  }
0x172: {  	[tilespmem:s25+$0x1A7C0] =	vst v0;
	v0 =	vld [tilespmem:s25+$0x187E0]  }
0x173: {  	v1 =	vld.idx.msk [tilespmem:v1+s5+$0x0], $0xffff;
	_ =	sdelay $0x5  }
0x174: {  	[tilespmem:s25+$0x1A7D0] =	vst v1;
	v1 =	vld [tilespmem:s25+$0x187F0]  }
0x175: {  	v0 =	vld.idx.msk [tilespmem:v0+s5+$0x0], $0xffff;
	_ =	sdelay $0x5  }
0x176: {  	[tilespmem:s25+$0x1A7E0] =	vst v0;
	v0 =	vld [tilespmem:s25+$0x18880]  }
0x177: {  	v1 =	vld.idx.msk [tilespmem:v1+s5+$0x0], $0xffff;
	_ =	sdelay $0x5  }
0x178: {  	[tilespmem:s25+$0x1A7F0] =	vst v1;
	v1 =	vld [tilespmem:s25+$0x18890]  }
0x179: {  	v0 =	vld.idx.msk [tilespmem:v0+s5+$0x0], $0xffff;
	_ =	sdelay $0x5  }
0x17a: {  	[tilespmem:s25+$0x1A880] =	vst v0;
	v0 =	vld [tilespmem:s25+$0x188A0]  }
0x17b: {  	v1 =	vld.idx.msk [tilespmem:v1+s5+$0x0], $0xffff;
	_ =	sdelay $0x5  }
0x17c: {  	[tilespmem:s25+$0x1A890] =	vst v1;
	v1 =	vld [tilespmem:s25+$0x188B0]  }
0x17d: {  	v0 =	vld.idx.msk [tilespmem:v0+s5+$0x0], $0xffff;
	_ =	sdelay $0x5  }
0x17e: {  	[tilespmem:s25+$0x1A8A0] =	vst v0;
	v0 =	vld [tilespmem:s25+$0x188C0]  }
0x17f: {  	v1 =	vld.idx.msk [tilespmem:v1+s5+$0x0], $0xffff;
	_ =	sdelay $0x5  }
0x180: {  	[tilespmem:s25+$0x1A8B0] =	vst v1;
	v1 =	vld [tilespmem:s25+$0x188D0]  }
0x181: {  	v0 =	vld.idx.msk [tilespmem:v0+s5+$0x0], $0xffff;
	_ =	sdelay $0x5  }
0x182: {  	[tilespmem:s25+$0x1A8C0] =	vst v0;
	v0 =	vld [tilespmem:s25+$0x188E0]  }
0x183: {  	v1 =	vld.idx.msk [tilespmem:v1+s5+$0x0], $0xffff;
	_ =	sdelay $0x5  }
0x184: {  	[tilespmem:s25+$0x1A8D0] =	vst v1;
	v1 =	vld [tilespmem:s25+$0x188F0]  }
0x185: {  	v0 =	vld.idx.msk [tilespmem:v0+s5+$0x0], $0xffff;
	_ =	sdelay $0x5  }
0x186: {  	[tilespmem:s25+$0x1A8E0] =	vst v0;
	v0 =	vld [tilespmem:s25+$0x18980]  }
0x187: {  	v1 =	vld.idx.msk [tilespmem:v1+s5+$0x0], $0xffff;
	_ =	sdelay $0x5  }
0x188: {  	[tilespmem:s25+$0x1A8F0] =	vst v1;
	v1 =	vld [tilespmem:s25+$0x18990]  }
0x189: {  	v0 =	vld.idx.msk [tilespmem:v0+s5+$0x0], $0xffff;
	_ =	sdelay $0x5  }
0x18a: {  	[tilespmem:s25+$0x1A980] =	vst v0;
	v0 =	vld [tilespmem:s25+$0x189A0]  }
0x18b: {  	v1 =	vld.idx.msk [tilespmem:v1+s5+$0x0], $0xffff;
	_ =	sdelay $0x5  }
0x18c: {  	[tilespmem:s25+$0x1A990] =	vst v1;
	v1 =	vld [tilespmem:s25+$0x189B0]  }
0x18d: {  	v0 =	vld.idx.msk [tilespmem:v0+s5+$0x0], $0xffff;
	_ =	sdelay $0x5  }
0x18e: {  	[tilespmem:s25+$0x1A9A0] =	vst v0;
	v0 =	vld [tilespmem:s25+$0x189C0]  }
0x18f: {  	v1 =	vld.idx.msk [tilespmem:v1+s5+$0x0], $0xffff;
	_ =	sdelay $0x5  }
0x190: {  	[tilespmem:s25+$0x1A9B0] =	vst v1;
	v1 =	vld [tilespmem:s25+$0x189D0]  }
0x191: {  	v0 =	vld.idx.msk [tilespmem:v0+s5+$0x0], $0xffff;
	_ =	sdelay $0x5  }
0x192: {  	[tilespmem:s25+$0x1A9C0] =	vst v0;
	v0 =	vld [tilespmem:s25+$0x189E0]  }
0x193: {  	v1 =	vld.idx.msk [tilespmem:v1+s5+$0x0], $0xffff;
	_ =	sdelay $0x5  }
0x194: {  	[tilespmem:s25+$0x1A9D0] =	vst v1;
	v1 =	vld [tilespmem:s25+$0x189F0]  }
0x195: {  	v0 =	vld.idx.msk [tilespmem:v0+s5+$0x0], $0xffff;
	_ =	sdelay $0x5  }
0x196: {  	[tilespmem:s25+$0x1A9E0] =	vst v0;
	v0 =	vld [tilespmem:s25+$0x18A80]  }
0x197: {  	v1 =	vld.idx.msk [tilespmem:v1+s5+$0x0], $0xffff;
	_ =	sdelay $0x5  }
0x198: {  	[tilespmem:s25+$0x1A9F0] =	vst v1;
	v1 =	vld [tilespmem:s25+$0x18A90]  }
0x199: {  	v0 =	vld.idx.msk [tilespmem:v0+s5+$0x0], $0xffff;
	_ =	sdelay $0x5  }
0x19a: {  	[tilespmem:s25+$0x1AA80] =	vst v0;
	v0 =	vld [tilespmem:s25+$0x18AA0]  }
0x19b: {  	v1 =	vld.idx.msk [tilespmem:v1+s5+$0x0], $0xffff;
	_ =	sdelay $0x5  }
0x19c: {  	[tilespmem:s25+$0x1AA90] =	vst v1;
	v1 =	vld [tilespmem:s25+$0x18AB0]  }
0x19d: {  	v0 =	vld.idx.msk [tilespmem:v0+s5+$0x0], $0xffff;
	_ =	sdelay $0x5  }
0x19e: {  	[tilespmem:s25+$0x1AAA0] =	vst v0;
	v0 =	vld [tilespmem:s25+$0x18AC0]  }
0x19f: {  	v1 =	vld.idx.msk [tilespmem:v1+s5+$0x0], $0xffff;
	_ =	sdelay $0x5  }
0x1a0: {  	[tilespmem:s25+$0x1AAB0] =	vst v1;
	v1 =	vld [tilespmem:s25+$0x18AD0]  }
0x1a1: {  	v0 =	vld.idx.msk [tilespmem:v0+s5+$0x0], $0xffff;
	_ =	sdelay $0x5  }
0x1a2: {  	[tilespmem:s25+$0x1AAC0] =	vst v0;
	v2 =	vld [tilespmem:s25+$0x18AE0]  }
0x1a3: {  	v0 =	vld.idx.msk [tilespmem:v1+s5+$0x0], $0xffff;
	_ =	sdelay $0x5  }
0x1a4: {  	[tilespmem:s25+$0x1AAD0] =	vst v0;
	v0 =	vld [tilespmem:s25+$0x18AF0]  }
0x1a5: {  	v1 =	vld.idx.msk [tilespmem:v2+s5+$0x0], $0xffff  }
.Ltmp5:
0x1a6: {  	(pc) =	sbr.rel @p0 .LBB2_13-.Ltmp5, $2  }
0x1a7: {  	_ =	sdelay $0x2  }
0x1a8: {  	s28 =	sshra.s32 s26, $0x2;
	s26 =	sadd.s32 $0x1000, s26  }
0x1a9: {  	_ =	sdelay $0x1  }
0x1aa: {  	v2 =	vld [tilespmem:s28+$0x18780]  }
0x1ab: {  	[tilespmem:s25+$0x1AAE0] =	vst v1  }
0x1ac: {  	v0 =	vld.idx.msk [tilespmem:v0+s5+$0x0], $0xffff;
	_ =	sdelay $0x3  }
0x1ad: {  	v1 =	vld [tilespmem:s28+$0x18790]  }
0x1ae: {  	[tilespmem:s25+$0x1AAF0] =	vst v0  }
0x1af: {  	v0 =	vld.idx.msk [tilespmem:v2+s5+$0x0], $0xffff;
	_ =	sdelay $0x3  }
0x1b0: {  	v34 =	vld [tilespmem:s28+$0x187A0]  }
0x1b1: {  	[tilespmem:s28+$0x1A780] =	vst v0  }
0x1b2: {  	v1 =	vld.idx.msk [tilespmem:v1+s5+$0x0], $0xffff;
	_ =	sdelay $0x3  }
0x1b3: {  	v35 =	vld [tilespmem:s28+$0x187B0]  }
0x1b4: {  	[tilespmem:s28+$0x1A790] =	vst v1  }
0x1b5: {  	v0 =	vld.idx.msk [tilespmem:v34+s5+$0x0], $0xffff;
	_ =	sdelay $0x3  }
0x1b6: {  	v36 =	vld [tilespmem:s28+$0x187C0]  }
0x1b7: {  	[tilespmem:s28+$0x1A7A0] =	vst v0  }
0x1b8: {  	v1 =	vld.idx.msk [tilespmem:v35+s5+$0x0], $0xffff;
	_ =	sdelay $0x3  }
0x1b9: {  	v37 =	vld [tilespmem:s28+$0x187D0]  }
0x1ba: {  	[tilespmem:s28+$0x1A7B0] =	vst v1  }
0x1bb: {  	v0 =	vld.idx.msk [tilespmem:v36+s5+$0x0], $0xffff;
	_ =	sdelay $0x3  }
0x1bc: {  	v38 =	vld [tilespmem:s28+$0x187E0]  }
0x1bd: {  	[tilespmem:s28+$0x1A7C0] =	vst v0  }
0x1be: {  	v1 =	vld.idx.msk [tilespmem:v37+s5+$0x0], $0xffff;
	_ =	sdelay $0x3  }
0x1bf: {  	v39 =	vld [tilespmem:s28+$0x187F0]  }
0x1c0: {  	[tilespmem:s28+$0x1A7D0] =	vst v1  }
0x1c1: {  	v0 =	vld.idx.msk [tilespmem:v38+s5+$0x0], $0xffff;
	_ =	sdelay $0x3  }
0x1c2: {  	v40 =	vld [tilespmem:s28+$0x18880]  }
0x1c3: {  	[tilespmem:s28+$0x1A7E0] =	vst v0  }
0x1c4: {  	v1 =	vld.idx.msk [tilespmem:v39+s5+$0x0], $0xffff;
	_ =	sdelay $0x3  }
0x1c5: {  	v41 =	vld [tilespmem:s28+$0x18890]  }
0x1c6: {  	[tilespmem:s28+$0x1A7F0] =	vst v1  }
0x1c7: {  	v0 =	vld.idx.msk [tilespmem:v40+s5+$0x0], $0xffff;
	_ =	sdelay $0x3  }
0x1c8: {  	v42 =	vld [tilespmem:s28+$0x188A0]  }
0x1c9: {  	[tilespmem:s28+$0x1A880] =	vst v0  }
0x1ca: {  	v1 =	vld.idx.msk [tilespmem:v41+s5+$0x0], $0xffff;
	_ =	sdelay $0x3  }
0x1cb: {  	v43 =	vld [tilespmem:s28+$0x188B0]  }
0x1cc: {  	[tilespmem:s28+$0x1A890] =	vst v1  }
0x1cd: {  	v0 =	vld.idx.msk [tilespmem:v42+s5+$0x0], $0xffff;
	_ =	sdelay $0x3  }
0x1ce: {  	v44 =	vld [tilespmem:s28+$0x188C0]  }
0x1cf: {  	[tilespmem:s28+$0x1A8A0] =	vst v0  }
0x1d0: {  	v1 =	vld.idx.msk [tilespmem:v43+s5+$0x0], $0xffff;
	_ =	sdelay $0x3  }
0x1d1: {  	v45 =	vld [tilespmem:s28+$0x188D0]  }
0x1d2: {  	[tilespmem:s28+$0x1A8B0] =	vst v1  }
0x1d3: {  	v0 =	vld.idx.msk [tilespmem:v44+s5+$0x0], $0xffff;
	_ =	sdelay $0x3  }
0x1d4: {  	v46 =	vld [tilespmem:s28+$0x188E0]  }
0x1d5: {  	[tilespmem:s28+$0x1A8C0] =	vst v0  }
0x1d6: {  	v1 =	vld.idx.msk [tilespmem:v45+s5+$0x0], $0xffff;
	_ =	sdelay $0x3  }
0x1d7: {  	v47 =	vld [tilespmem:s28+$0x188F0]  }
0x1d8: {  	[tilespmem:s28+$0x1A8D0] =	vst v1  }
0x1d9: {  	v0 =	vld.idx.msk [tilespmem:v46+s5+$0x0], $0xffff;
	_ =	sdelay $0x3  }
0x1da: {  	v48 =	vld [tilespmem:s28+$0x18980]  }
0x1db: {  	[tilespmem:s28+$0x1A8E0] =	vst v0  }
0x1dc: {  	v1 =	vld.idx.msk [tilespmem:v47+s5+$0x0], $0xffff;
	_ =	sdelay $0x3  }
0x1dd: {  	v49 =	vld [tilespmem:s28+$0x18990]  }
0x1de: {  	[tilespmem:s28+$0x1A8F0] =	vst v1  }
0x1df: {  	v0 =	vld.idx.msk [tilespmem:v48+s5+$0x0], $0xffff;
	_ =	sdelay $0x3  }
0x1e0: {  	v50 =	vld [tilespmem:s28+$0x189A0]  }
0x1e1: {  	[tilespmem:s28+$0x1A980] =	vst v0  }
0x1e2: {  	v1 =	vld.idx.msk [tilespmem:v49+s5+$0x0], $0xffff;
	_ =	sdelay $0x3  }
0x1e3: {  	v51 =	vld [tilespmem:s28+$0x189B0]  }
0x1e4: {  	[tilespmem:s28+$0x1A990] =	vst v1  }
0x1e5: {  	v0 =	vld.idx.msk [tilespmem:v50+s5+$0x0], $0xffff;
	_ =	sdelay $0x3  }
0x1e6: {  	v52 =	vld [tilespmem:s28+$0x189C0]  }
0x1e7: {  	[tilespmem:s28+$0x1A9A0] =	vst v0  }
0x1e8: {  	v1 =	vld.idx.msk [tilespmem:v51+s5+$0x0], $0xffff;
	_ =	sdelay $0x3  }
0x1e9: {  	v53 =	vld [tilespmem:s28+$0x189D0]  }
0x1ea: {  	[tilespmem:s28+$0x1A9B0] =	vst v1  }
0x1eb: {  	v0 =	vld.idx.msk [tilespmem:v52+s5+$0x0], $0xffff;
	_ =	sdelay $0x3  }
0x1ec: {  	v54 =	vld [tilespmem:s28+$0x189E0]  }
0x1ed: {  	[tilespmem:s28+$0x1A9C0] =	vst v0  }
0x1ee: {  	v1 =	vld.idx.msk [tilespmem:v53+s5+$0x0], $0xffff;
	_ =	sdelay $0x3  }
0x1ef: {  	v55 =	vld [tilespmem:s28+$0x189F0]  }
0x1f0: {  	[tilespmem:s28+$0x1A9D0] =	vst v1  }
0x1f1: {  	v0 =	vld.idx.msk [tilespmem:v54+s5+$0x0], $0xffff;
	_ =	sdelay $0x3  }
0x1f2: {  	v56 =	vld [tilespmem:s28+$0x18A80]  }
0x1f3: {  	[tilespmem:s28+$0x1A9E0] =	vst v0  }
0x1f4: {  	v1 =	vld.idx.msk [tilespmem:v55+s5+$0x0], $0xffff;
	_ =	sdelay $0x3  }
0x1f5: {  	v57 =	vld [tilespmem:s28+$0x18A90]  }
0x1f6: {  	[tilespmem:s28+$0x1A9F0] =	vst v1  }
0x1f7: {  	v0 =	vld.idx.msk [tilespmem:v56+s5+$0x0], $0xffff;
	_ =	sdelay $0x3  }
0x1f8: {  	v58 =	vld [tilespmem:s28+$0x18AA0]  }
0x1f9: {  	[tilespmem:s28+$0x1AA80] =	vst v0  }
0x1fa: {  	v1 =	vld.idx.msk [tilespmem:v57+s5+$0x0], $0xffff;
	_ =	sdelay $0x3  }
0x1fb: {  	v59 =	vld [tilespmem:s28+$0x18AB0]  }
0x1fc: {  	[tilespmem:s28+$0x1AA90] =	vst v1  }
0x1fd: {  	v0 =	vld.idx.msk [tilespmem:v58+s5+$0x0], $0xffff;
	_ =	sdelay $0x3  }
0x1fe: {  	v60 =	vld [tilespmem:s28+$0x18AC0]  }
0x1ff: {  	[tilespmem:s28+$0x1AAA0] =	vst v0  }
0x200: {  	v1 =	vld.idx.msk [tilespmem:v59+s5+$0x0], $0xffff;
	_ =	sdelay $0x3  }
0x201: {  	v61 =	vld [tilespmem:s28+$0x18AD0]  }
0x202: {  	[tilespmem:s28+$0x1AAB0] =	vst v1  }
0x203: {  	v0 =	vld.idx.msk [tilespmem:v60+s5+$0x0], $0xffff;
	_ =	sdelay $0x3  }
0x204: {  	v62 =	vld [tilespmem:s28+$0x18AE0]  }
0x205: {  	[tilespmem:s28+$0x1AAC0] =	vst v0  }
0x206: {  	v1 =	vld.idx.msk [tilespmem:v61+s5+$0x0], $0xffff;
	_ =	sdelay $0x3  }
0x207: {  	v63 =	vld [tilespmem:s28+$0x18AF0]  }
0x208: {  	[tilespmem:s28+$0x1AAD0] =	vst v1  }
0x209: {  	v0 =	vld.idx.msk [tilespmem:v62+s5+$0x0], $0xffff;
	_ =	sdelay $0x4  }
0x20a: {  	[tilespmem:s28+$0x1AAE0] =	vst v0  }
0x20b: {  	v0 =	vld.idx.msk [tilespmem:v63+s5+$0x0], $0xffff;
	_ =	sdelay $0x3  }
0x20c: {  	s26 =	simm.s32 $0x1A780;
	s25 =	sadd.s32 s23, s11  }
0x20d: {  	s29 =	simm.s32 $0x1A880;
	s30 =	sadd.s32 $0x0, s25;
	[tilespmem:s28+$0x1AAF0] =	vst v0;
	s28 =	simm.s32 $0x80  }
.LBB2_15:
0x20e: {  	[hbm4b:s30+s5] =	stream.linear.scatter [tilespmem:s26], [sflag:$0x3], $0x80, $0x38;
	[tilespmem:$0x1C700] =	vst v63  }
0x20f: {  	s30 =	smov.u32 s28;
	s26 =	smov.u32 s29;
	p0 =	sne.s32 s28, $0xF80  }
.Ltmp6:
0x210: {  	s28 =	sadd.s32 $0x80, s28;
	(pc) =	sbr.rel @p0 .LBB2_15-.Ltmp6, $2  }
0x211: {  	_ =	sdelay $0x2  }
0x212: {  	s29 =	sadd.s32 $0x100, s29;
	s30 =	sadd.s32 s30, s25  }
0x213: {  	[hbm4b:s30+s5] =	stream.linear.scatter [tilespmem:s26], [sflag:$0x3], $0x80, $0x38;
	[tilespmem:$0x1C700] =	vst v63  }
0x214: {  	s24 =	sadd.s32 s24, s12;
	_ =	swait.ge [sflag:s18], $0x1000  }
0x215: {  	s25 =	simm.s32 $0x18780;
	s26 =	simm.s32 $0x80;
	[sflag:s18] =	ssyncset.done $0x0  }
0x216: {  	s28 =	simm.s32 $0x18880;
	s29 =	sadd.s32 $0x0, s24;
	[sflag:s18] =	ssyncadd.s32 $0xFFFFF000  }
.LBB2_17:
0x217: {  	[tilespmem:s25], [sflag:$0x2] =	stream.linear.gather [hbm4b:s29+s5], $0x80, $0x38;
	[tilespmem:$0x1C700] =	vst v63  }
0x218: {  	s29 =	smov.u32 s26;
	s25 =	smov.u32 s28;
	p0 =	sne.s32 s26, $0xF80  }
.Ltmp7:
0x219: {  	s26 =	sadd.s32 $0x80, s26;
	(pc) =	sbr.rel @p0 .LBB2_17-.Ltmp7, $2  }
0x21a: {  	_ =	sdelay $0x2  }
0x21b: {  	s28 =	sadd.s32 $0x100, s28;
	s29 =	sadd.s32 s29, s24  }
0x21c: {  	[tilespmem:s25], [sflag:$0x2] =	stream.linear.gather [hbm4b:s29+s5], $0x80, $0x38;
	[tilespmem:$0x1C700] =	vst v63  }
0x21d: {  	_ =	swait.ge [sflag:s20], $0x1000  }
0x21e: {  	[sflag:s20] =	ssyncset.done $0x0  }
0x21f: {  	s24 =	simm.s32 $0x0;
	[sflag:s20] =	ssyncadd.s32 $0xFFFFF000  }
0x220: {  	v0 =	vld [tilespmem:s24+$0x18700];
	_ =	sdelay $0x5  }
0x221: {  	v1 =	vld [tilespmem:s24+$0x18710];
	_ =	sdelay $0x1  }
0x222: {  	v0 =	vld.idx.msk [tilespmem:v0+s5+$0x0], $0xffff;
	_ =	sdelay $0x4  }
0x223: {  	[tilespmem:s24+$0x1A700] =	vst v0;
	v0 =	vld [tilespmem:s24+$0x18720]  }
0x224: {  	v1 =	vld.idx.msk [tilespmem:v1+s5+$0x0], $0xffff;
	_ =	sdelay $0x4  }
0x225: {  	[tilespmem:s24+$0x1A710] =	vst v1;
	v1 =	vld [tilespmem:s24+$0x18730];
	_ =	sdelay $0x1  }
0x226: {  	v0 =	vld.idx.msk [tilespmem:v0+s5+$0x0], $0xffff;
	_ =	sdelay $0x4  }
0x227: {  	[tilespmem:s24+$0x1A720] =	vst v0;
	v0 =	vld [tilespmem:s24+$0x18740]  }
0x228: {  	v1 =	vld.idx.msk [tilespmem:v1+s5+$0x0], $0xffff;
	_ =	sdelay $0x4  }
0x229: {  	[tilespmem:s24+$0x1A730] =	vst v1;
	v1 =	vld [tilespmem:s24+$0x18750];
	_ =	sdelay $0x1  }
0x22a: {  	v0 =	vld.idx.msk [tilespmem:v0+s5+$0x0], $0xffff;
	_ =	sdelay $0x4  }
0x22b: {  	[tilespmem:s24+$0x1A740] =	vst v0;
	v0 =	vld [tilespmem:s24+$0x18760]  }
0x22c: {  	v1 =	vld.idx.msk [tilespmem:v1+s5+$0x0], $0xffff;
	_ =	sdelay $0x4  }
0x22d: {  	[tilespmem:s24+$0x1A750] =	vst v1;
	v1 =	vld [tilespmem:s24+$0x18770];
	_ =	sdelay $0x1  }
0x22e: {  	v0 =	vld.idx.msk [tilespmem:v0+s5+$0x0], $0xffff;
	_ =	sdelay $0x4  }
0x22f: {  	[tilespmem:s24+$0x1A760] =	vst v0;
	v0 =	vld [tilespmem:s24+$0x18800]  }
0x230: {  	v1 =	vld.idx.msk [tilespmem:v1+s5+$0x0], $0xffff;
	_ =	sdelay $0x4  }
0x231: {  	[tilespmem:s24+$0x1A770] =	vst v1;
	v1 =	vld [tilespmem:s24+$0x18810];
	_ =	sdelay $0x1  }
0x232: {  	v0 =	vld.idx.msk [tilespmem:v0+s5+$0x0], $0xffff;
	_ =	sdelay $0x4  }
0x233: {  	[tilespmem:s24+$0x1A800] =	vst v0;
	v0 =	vld [tilespmem:s24+$0x18820]  }
0x234: {  	v1 =	vld.idx.msk [tilespmem:v1+s5+$0x0], $0xffff;
	_ =	sdelay $0x4  }
0x235: {  	[tilespmem:s24+$0x1A810] =	vst v1;
	v1 =	vld [tilespmem:s24+$0x18830];
	_ =	sdelay $0x1  }
0x236: {  	v0 =	vld.idx.msk [tilespmem:v0+s5+$0x0], $0xffff;
	_ =	sdelay $0x4  }
0x237: {  	[tilespmem:s24+$0x1A820] =	vst v0;
	v0 =	vld [tilespmem:s24+$0x18840]  }
0x238: {  	v1 =	vld.idx.msk [tilespmem:v1+s5+$0x0], $0xffff;
	_ =	sdelay $0x4  }
0x239: {  	[tilespmem:s24+$0x1A830] =	vst v1;
	v1 =	vld [tilespmem:s24+$0x18850];
	_ =	sdelay $0x1  }
0x23a: {  	v0 =	vld.idx.msk [tilespmem:v0+s5+$0x0], $0xffff;
	_ =	sdelay $0x4  }
0x23b: {  	[tilespmem:s24+$0x1A840] =	vst v0;
	v0 =	vld [tilespmem:s24+$0x18860]  }
0x23c: {  	v1 =	vld.idx.msk [tilespmem:v1+s5+$0x0], $0xffff;
	_ =	sdelay $0x4  }
0x23d: {  	[tilespmem:s24+$0x1A850] =	vst v1;
	v1 =	vld [tilespmem:s24+$0x18870];
	_ =	sdelay $0x1  }
0x23e: {  	v0 =	vld.idx.msk [tilespmem:v0+s5+$0x0], $0xffff;
	_ =	sdelay $0x4  }
0x23f: {  	[tilespmem:s24+$0x1A860] =	vst v0;
	v0 =	vld [tilespmem:s24+$0x18900]  }
0x240: {  	v1 =	vld.idx.msk [tilespmem:v1+s5+$0x0], $0xffff;
	_ =	sdelay $0x4  }
0x241: {  	[tilespmem:s24+$0x1A870] =	vst v1;
	v1 =	vld [tilespmem:s24+$0x18910];
	_ =	sdelay $0x1  }
0x242: {  	v0 =	vld.idx.msk [tilespmem:v0+s5+$0x0], $0xffff;
	_ =	sdelay $0x4  }
0x243: {  	[tilespmem:s24+$0x1A900] =	vst v0;
	v0 =	vld [tilespmem:s24+$0x18920]  }
0x244: {  	v1 =	vld.idx.msk [tilespmem:v1+s5+$0x0], $0xffff;
	_ =	sdelay $0x4  }
0x245: {  	[tilespmem:s24+$0x1A910] =	vst v1;
	v1 =	vld [tilespmem:s24+$0x18930];
	_ =	sdelay $0x1  }
0x246: {  	v0 =	vld.idx.msk [tilespmem:v0+s5+$0x0], $0xffff;
	_ =	sdelay $0x4  }
0x247: {  	[tilespmem:s24+$0x1A920] =	vst v0;
	v0 =	vld [tilespmem:s24+$0x18940]  }
0x248: {  	v1 =	vld.idx.msk [tilespmem:v1+s5+$0x0], $0xffff;
	_ =	sdelay $0x4  }
0x249: {  	[tilespmem:s24+$0x1A930] =	vst v1;
	v1 =	vld [tilespmem:s24+$0x18950];
	_ =	sdelay $0x1  }
0x24a: {  	v0 =	vld.idx.msk [tilespmem:v0+s5+$0x0], $0xffff;
	_ =	sdelay $0x4  }
0x24b: {  	[tilespmem:s24+$0x1A940] =	vst v0;
	v0 =	vld [tilespmem:s24+$0x18960]  }
0x24c: {  	v1 =	vld.idx.msk [tilespmem:v1+s5+$0x0], $0xffff;
	_ =	sdelay $0x4  }
0x24d: {  	[tilespmem:s24+$0x1A950] =	vst v1;
	v1 =	vld [tilespmem:s24+$0x18970];
	_ =	sdelay $0x1  }
0x24e: {  	v0 =	vld.idx.msk [tilespmem:v0+s5+$0x0], $0xffff;
	_ =	sdelay $0x4  }
0x24f: {  	[tilespmem:s24+$0x1A960] =	vst v0;
	v0 =	vld [tilespmem:s24+$0x18A00]  }
0x250: {  	v1 =	vld.idx.msk [tilespmem:v1+s5+$0x0], $0xffff;
	_ =	sdelay $0x4  }
0x251: {  	[tilespmem:s24+$0x1A970] =	vst v1;
	v1 =	vld [tilespmem:s24+$0x18A10];
	_ =	sdelay $0x1  }
0x252: {  	v0 =	vld.idx.msk [tilespmem:v0+s5+$0x0], $0xffff;
	_ =	sdelay $0x4  }
0x253: {  	[tilespmem:s24+$0x1AA00] =	vst v0;
	v0 =	vld [tilespmem:s24+$0x18A20]  }
0x254: {  	v1 =	vld.idx.msk [tilespmem:v1+s5+$0x0], $0xffff;
	_ =	sdelay $0x4  }
0x255: {  	[tilespmem:s24+$0x1AA10] =	vst v1;
	v1 =	vld [tilespmem:s24+$0x18A30];
	_ =	sdelay $0x1  }
0x256: {  	v0 =	vld.idx.msk [tilespmem:v0+s5+$0x0], $0xffff;
	_ =	sdelay $0x4  }
0x257: {  	[tilespmem:s24+$0x1AA20] =	vst v0;
	v0 =	vld [tilespmem:s24+$0x18A40]  }
0x258: {  	v1 =	vld.idx.msk [tilespmem:v1+s5+$0x0], $0xffff;
	_ =	sdelay $0x4  }
0x259: {  	[tilespmem:s24+$0x1AA30] =	vst v1;
	v1 =	vld [tilespmem:s24+$0x18A50];
	_ =	sdelay $0x1  }
0x25a: {  	v0 =	vld.idx.msk [tilespmem:v0+s5+$0x0], $0xffff;
	_ =	sdelay $0x4  }
0x25b: {  	v2 =	vld [tilespmem:s24+$0x18A60];
	[tilespmem:s24+$0x1AA40] =	vst v0  }
0x25c: {  	v0 =	vld.idx.msk [tilespmem:v1+s5+$0x0], $0xffff;
	_ =	sdelay $0x4  }
0x25d: {  	[tilespmem:s24+$0x1AA50] =	vst v0;
	v0 =	vld [tilespmem:s24+$0x18A70];
	_ =	sdelay $0x1  }
0x25e: {  	v1 =	vld.idx.msk [tilespmem:v2+s5+$0x0], $0xffff;
	_ =	sdelay $0x3  }
0x25f: {  	s26 =	simm.s32 $0x400;
	s25 =	simm.s32 $0x2000  }
.LBB2_19:
0x260: {  	p0 =	sne.s32 s25, $0x7000;
	v2 =	vld [tilespmem:s26+$0x18700];
	[tilespmem:s24+$0x1AA60] =	vst v1  }
0x261: {  	v0 =	vld.idx.msk [tilespmem:v0+s5+$0x0], $0xffff;
	_ =	sdelay $0x5  }
0x262: {  	v1 =	vld [tilespmem:s26+$0x18710];
	[tilespmem:s24+$0x1AA70] =	vst v0;
	s24 =	smov.u32 s26  }
0x263: {  	v0 =	vld.idx.msk [tilespmem:v2+s5+$0x0], $0xffff;
	_ =	sdelay $0x5  }
0x264: {  	[tilespmem:s24+$0x1A700] =	vst v0;
	v0 =	vld [tilespmem:s24+$0x18720]  }
0x265: {  	v1 =	vld.idx.msk [tilespmem:v1+s5+$0x0], $0xffff;
	_ =	sdelay $0x5  }
0x266: {  	[tilespmem:s24+$0x1A710] =	vst v1;
	v1 =	vld [tilespmem:s24+$0x18730]  }
0x267: {  	v0 =	vld.idx.msk [tilespmem:v0+s5+$0x0], $0xffff;
	_ =	sdelay $0x5  }
0x268: {  	[tilespmem:s24+$0x1A720] =	vst v0;
	v0 =	vld [tilespmem:s24+$0x18740]  }
0x269: {  	v1 =	vld.idx.msk [tilespmem:v1+s5+$0x0], $0xffff;
	_ =	sdelay $0x5  }
0x26a: {  	[tilespmem:s24+$0x1A730] =	vst v1;
	v1 =	vld [tilespmem:s24+$0x18750]  }
0x26b: {  	v0 =	vld.idx.msk [tilespmem:v0+s5+$0x0], $0xffff;
	_ =	sdelay $0x5  }
0x26c: {  	[tilespmem:s24+$0x1A740] =	vst v0;
	v0 =	vld [tilespmem:s24+$0x18760]  }
0x26d: {  	v1 =	vld.idx.msk [tilespmem:v1+s5+$0x0], $0xffff;
	_ =	sdelay $0x5  }
0x26e: {  	[tilespmem:s24+$0x1A750] =	vst v1;
	v1 =	vld [tilespmem:s24+$0x18770]  }
0x26f: {  	v0 =	vld.idx.msk [tilespmem:v0+s5+$0x0], $0xffff;
	_ =	sdelay $0x5  }
0x270: {  	[tilespmem:s24+$0x1A760] =	vst v0;
	v0 =	vld [tilespmem:s24+$0x18800]  }
0x271: {  	v1 =	vld.idx.msk [tilespmem:v1+s5+$0x0], $0xffff;
	_ =	sdelay $0x5  }
0x272: {  	[tilespmem:s24+$0x1A770] =	vst v1;
	v1 =	vld [tilespmem:s24+$0x18810]  }
0x273: {  	v0 =	vld.idx.msk [tilespmem:v0+s5+$0x0], $0xffff;
	_ =	sdelay $0x5  }
0x274: {  	[tilespmem:s24+$0x1A800] =	vst v0;
	v0 =	vld [tilespmem:s24+$0x18820]  }
0x275: {  	v1 =	vld.idx.msk [tilespmem:v1+s5+$0x0], $0xffff;
	_ =	sdelay $0x5  }
0x276: {  	[tilespmem:s24+$0x1A810] =	vst v1;
	v1 =	vld [tilespmem:s24+$0x18830]  }
0x277: {  	v0 =	vld.idx.msk [tilespmem:v0+s5+$0x0], $0xffff;
	_ =	sdelay $0x5  }
0x278: {  	[tilespmem:s24+$0x1A820] =	vst v0;
	v0 =	vld [tilespmem:s24+$0x18840]  }
0x279: {  	v1 =	vld.idx.msk [tilespmem:v1+s5+$0x0], $0xffff;
	_ =	sdelay $0x5  }
0x27a: {  	[tilespmem:s24+$0x1A830] =	vst v1;
	v1 =	vld [tilespmem:s24+$0x18850]  }
0x27b: {  	v0 =	vld.idx.msk [tilespmem:v0+s5+$0x0], $0xffff;
	_ =	sdelay $0x5  }
0x27c: {  	[tilespmem:s24+$0x1A840] =	vst v0;
	v0 =	vld [tilespmem:s24+$0x18860]  }
0x27d: {  	v1 =	vld.idx.msk [tilespmem:v1+s5+$0x0], $0xffff;
	_ =	sdelay $0x5  }
0x27e: {  	[tilespmem:s24+$0x1A850] =	vst v1;
	v1 =	vld [tilespmem:s24+$0x18870]  }
0x27f: {  	v0 =	vld.idx.msk [tilespmem:v0+s5+$0x0], $0xffff;
	_ =	sdelay $0x5  }
0x280: {  	[tilespmem:s24+$0x1A860] =	vst v0;
	v0 =	vld [tilespmem:s24+$0x18900]  }
0x281: {  	v1 =	vld.idx.msk [tilespmem:v1+s5+$0x0], $0xffff;
	_ =	sdelay $0x5  }
0x282: {  	[tilespmem:s24+$0x1A870] =	vst v1;
	v1 =	vld [tilespmem:s24+$0x18910]  }
0x283: {  	v0 =	vld.idx.msk [tilespmem:v0+s5+$0x0], $0xffff;
	_ =	sdelay $0x5  }
0x284: {  	[tilespmem:s24+$0x1A900] =	vst v0;
	v0 =	vld [tilespmem:s24+$0x18920]  }
0x285: {  	v1 =	vld.idx.msk [tilespmem:v1+s5+$0x0], $0xffff;
	_ =	sdelay $0x5  }
0x286: {  	[tilespmem:s24+$0x1A910] =	vst v1;
	v1 =	vld [tilespmem:s24+$0x18930]  }
0x287: {  	v0 =	vld.idx.msk [tilespmem:v0+s5+$0x0], $0xffff;
	_ =	sdelay $0x5  }
0x288: {  	[tilespmem:s24+$0x1A920] =	vst v0;
	v0 =	vld [tilespmem:s24+$0x18940]  }
0x289: {  	v1 =	vld.idx.msk [tilespmem:v1+s5+$0x0], $0xffff;
	_ =	sdelay $0x5  }
0x28a: {  	[tilespmem:s24+$0x1A930] =	vst v1;
	v1 =	vld [tilespmem:s24+$0x18950]  }
0x28b: {  	v0 =	vld.idx.msk [tilespmem:v0+s5+$0x0], $0xffff;
	_ =	sdelay $0x5  }
0x28c: {  	[tilespmem:s24+$0x1A940] =	vst v0;
	v0 =	vld [tilespmem:s24+$0x18960]  }
0x28d: {  	v1 =	vld.idx.msk [tilespmem:v1+s5+$0x0], $0xffff;
	_ =	sdelay $0x5  }
0x28e: {  	[tilespmem:s24+$0x1A950] =	vst v1;
	v1 =	vld [tilespmem:s24+$0x18970]  }
0x28f: {  	v0 =	vld.idx.msk [tilespmem:v0+s5+$0x0], $0xffff;
	_ =	sdelay $0x5  }
0x290: {  	[tilespmem:s24+$0x1A960] =	vst v0;
	v0 =	vld [tilespmem:s24+$0x18A00]  }
0x291: {  	v1 =	vld.idx.msk [tilespmem:v1+s5+$0x0], $0xffff;
	_ =	sdelay $0x5  }
0x292: {  	[tilespmem:s24+$0x1A970] =	vst v1;
	v1 =	vld [tilespmem:s24+$0x18A10]  }
0x293: {  	v0 =	vld.idx.msk [tilespmem:v0+s5+$0x0], $0xffff;
	_ =	sdelay $0x5  }
0x294: {  	[tilespmem:s24+$0x1AA00] =	vst v0;
	v0 =	vld [tilespmem:s24+$0x18A20]  }
0x295: {  	v1 =	vld.idx.msk [tilespmem:v1+s5+$0x0], $0xffff;
	_ =	sdelay $0x5  }
0x296: {  	[tilespmem:s24+$0x1AA10] =	vst v1;
	v1 =	vld [tilespmem:s24+$0x18A30]  }
0x297: {  	v0 =	vld.idx.msk [tilespmem:v0+s5+$0x0], $0xffff;
	_ =	sdelay $0x5  }
0x298: {  	[tilespmem:s24+$0x1AA20] =	vst v0;
	v0 =	vld [tilespmem:s24+$0x18A40]  }
0x299: {  	v1 =	vld.idx.msk [tilespmem:v1+s5+$0x0], $0xffff;
	_ =	sdelay $0x5  }
0x29a: {  	[tilespmem:s24+$0x1AA30] =	vst v1;
	v1 =	vld [tilespmem:s24+$0x18A50]  }
0x29b: {  	v0 =	vld.idx.msk [tilespmem:v0+s5+$0x0], $0xffff;
	_ =	sdelay $0x5  }
0x29c: {  	[tilespmem:s24+$0x1AA40] =	vst v0;
	v2 =	vld [tilespmem:s24+$0x18A60]  }
0x29d: {  	v0 =	vld.idx.msk [tilespmem:v1+s5+$0x0], $0xffff;
	_ =	sdelay $0x5  }
0x29e: {  	[tilespmem:s24+$0x1AA50] =	vst v0;
	v0 =	vld [tilespmem:s24+$0x18A70]  }
0x29f: {  	v1 =	vld.idx.msk [tilespmem:v2+s5+$0x0], $0xffff  }
.Ltmp8:
0x2a0: {  	(pc) =	sbr.rel @p0 .LBB2_19-.Ltmp8, $2  }
0x2a1: {  	_ =	sdelay $0x2  }
0x2a2: {  	s26 =	sshra.s32 s25, $0x2;
	s25 =	sadd.s32 $0x1000, s25  }
0x2a3: {  	_ =	sdelay $0x1  }
0x2a4: {  	v2 =	vld [tilespmem:s26+$0x18700]  }
0x2a5: {  	[tilespmem:s24+$0x1AA60] =	vst v1  }
0x2a6: {  	v0 =	vld.idx.msk [tilespmem:v0+s5+$0x0], $0xffff;
	_ =	sdelay $0x3  }
0x2a7: {  	v1 =	vld [tilespmem:s26+$0x18710]  }
0x2a8: {  	[tilespmem:s24+$0x1AA70] =	vst v0  }
0x2a9: {  	v0 =	vld.idx.msk [tilespmem:v2+s5+$0x0], $0xffff;
	_ =	sdelay $0x3  }
0x2aa: {  	v34 =	vld [tilespmem:s26+$0x18720]  }
0x2ab: {  	[tilespmem:s26+$0x1A700] =	vst v0  }
0x2ac: {  	v1 =	vld.idx.msk [tilespmem:v1+s5+$0x0], $0xffff;
	_ =	sdelay $0x3  }
0x2ad: {  	v35 =	vld [tilespmem:s26+$0x18730]  }
0x2ae: {  	[tilespmem:s26+$0x1A710] =	vst v1  }
0x2af: {  	v0 =	vld.idx.msk [tilespmem:v34+s5+$0x0], $0xffff;
	_ =	sdelay $0x3  }
0x2b0: {  	v36 =	vld [tilespmem:s26+$0x18740]  }
0x2b1: {  	[tilespmem:s26+$0x1A720] =	vst v0  }
0x2b2: {  	v1 =	vld.idx.msk [tilespmem:v35+s5+$0x0], $0xffff;
	_ =	sdelay $0x3  }
0x2b3: {  	v37 =	vld [tilespmem:s26+$0x18750]  }
0x2b4: {  	[tilespmem:s26+$0x1A730] =	vst v1  }
0x2b5: {  	v0 =	vld.idx.msk [tilespmem:v36+s5+$0x0], $0xffff;
	_ =	sdelay $0x3  }
0x2b6: {  	v38 =	vld [tilespmem:s26+$0x18760]  }
0x2b7: {  	[tilespmem:s26+$0x1A740] =	vst v0  }
0x2b8: {  	v1 =	vld.idx.msk [tilespmem:v37+s5+$0x0], $0xffff;
	_ =	sdelay $0x3  }
0x2b9: {  	v39 =	vld [tilespmem:s26+$0x18770]  }
0x2ba: {  	[tilespmem:s26+$0x1A750] =	vst v1  }
0x2bb: {  	v0 =	vld.idx.msk [tilespmem:v38+s5+$0x0], $0xffff;
	_ =	sdelay $0x3  }
0x2bc: {  	v40 =	vld [tilespmem:s26+$0x18800]  }
0x2bd: {  	[tilespmem:s26+$0x1A760] =	vst v0  }
0x2be: {  	v1 =	vld.idx.msk [tilespmem:v39+s5+$0x0], $0xffff;
	_ =	sdelay $0x3  }
0x2bf: {  	v41 =	vld [tilespmem:s26+$0x18810]  }
0x2c0: {  	[tilespmem:s26+$0x1A770] =	vst v1  }
0x2c1: {  	v0 =	vld.idx.msk [tilespmem:v40+s5+$0x0], $0xffff;
	_ =	sdelay $0x3  }
0x2c2: {  	v42 =	vld [tilespmem:s26+$0x18820]  }
0x2c3: {  	[tilespmem:s26+$0x1A800] =	vst v0  }
0x2c4: {  	v1 =	vld.idx.msk [tilespmem:v41+s5+$0x0], $0xffff;
	_ =	sdelay $0x3  }
0x2c5: {  	v43 =	vld [tilespmem:s26+$0x18830]  }
0x2c6: {  	[tilespmem:s26+$0x1A810] =	vst v1  }
0x2c7: {  	v0 =	vld.idx.msk [tilespmem:v42+s5+$0x0], $0xffff;
	_ =	sdelay $0x3  }
0x2c8: {  	v44 =	vld [tilespmem:s26+$0x18840]  }
0x2c9: {  	[tilespmem:s26+$0x1A820] =	vst v0  }
0x2ca: {  	v1 =	vld.idx.msk [tilespmem:v43+s5+$0x0], $0xffff;
	_ =	sdelay $0x3  }
0x2cb: {  	v45 =	vld [tilespmem:s26+$0x18850]  }
0x2cc: {  	[tilespmem:s26+$0x1A830] =	vst v1  }
0x2cd: {  	v0 =	vld.idx.msk [tilespmem:v44+s5+$0x0], $0xffff;
	_ =	sdelay $0x3  }
0x2ce: {  	v46 =	vld [tilespmem:s26+$0x18860]  }
0x2cf: {  	[tilespmem:s26+$0x1A840] =	vst v0  }
0x2d0: {  	v1 =	vld.idx.msk [tilespmem:v45+s5+$0x0], $0xffff;
	_ =	sdelay $0x3  }
0x2d1: {  	v47 =	vld [tilespmem:s26+$0x18870]  }
0x2d2: {  	[tilespmem:s26+$0x1A850] =	vst v1  }
0x2d3: {  	v0 =	vld.idx.msk [tilespmem:v46+s5+$0x0], $0xffff;
	_ =	sdelay $0x3  }
0x2d4: {  	v48 =	vld [tilespmem:s26+$0x18900]  }
0x2d5: {  	[tilespmem:s26+$0x1A860] =	vst v0  }
0x2d6: {  	v1 =	vld.idx.msk [tilespmem:v47+s5+$0x0], $0xffff;
	_ =	sdelay $0x3  }
0x2d7: {  	v49 =	vld [tilespmem:s26+$0x18910]  }
0x2d8: {  	[tilespmem:s26+$0x1A870] =	vst v1  }
0x2d9: {  	v0 =	vld.idx.msk [tilespmem:v48+s5+$0x0], $0xffff;
	_ =	sdelay $0x3  }
0x2da: {  	v50 =	vld [tilespmem:s26+$0x18920]  }
0x2db: {  	[tilespmem:s26+$0x1A900] =	vst v0  }
0x2dc: {  	v1 =	vld.idx.msk [tilespmem:v49+s5+$0x0], $0xffff;
	_ =	sdelay $0x3  }
0x2dd: {  	v51 =	vld [tilespmem:s26+$0x18930]  }
0x2de: {  	[tilespmem:s26+$0x1A910] =	vst v1  }
0x2df: {  	v0 =	vld.idx.msk [tilespmem:v50+s5+$0x0], $0xffff;
	_ =	sdelay $0x3  }
0x2e0: {  	v52 =	vld [tilespmem:s26+$0x18940]  }
0x2e1: {  	[tilespmem:s26+$0x1A920] =	vst v0  }
0x2e2: {  	v1 =	vld.idx.msk [tilespmem:v51+s5+$0x0], $0xffff;
	_ =	sdelay $0x3  }
0x2e3: {  	v53 =	vld [tilespmem:s26+$0x18950]  }
0x2e4: {  	[tilespmem:s26+$0x1A930] =	vst v1  }
0x2e5: {  	v0 =	vld.idx.msk [tilespmem:v52+s5+$0x0], $0xffff;
	_ =	sdelay $0x3  }
0x2e6: {  	v54 =	vld [tilespmem:s26+$0x18960]  }
0x2e7: {  	[tilespmem:s26+$0x1A940] =	vst v0  }
0x2e8: {  	v1 =	vld.idx.msk [tilespmem:v53+s5+$0x0], $0xffff;
	_ =	sdelay $0x3  }
0x2e9: {  	v55 =	vld [tilespmem:s26+$0x18970]  }
0x2ea: {  	[tilespmem:s26+$0x1A950] =	vst v1  }
0x2eb: {  	v0 =	vld.idx.msk [tilespmem:v54+s5+$0x0], $0xffff;
	_ =	sdelay $0x3  }
0x2ec: {  	v56 =	vld [tilespmem:s26+$0x18A00]  }
0x2ed: {  	[tilespmem:s26+$0x1A960] =	vst v0  }
0x2ee: {  	v1 =	vld.idx.msk [tilespmem:v55+s5+$0x0], $0xffff;
	_ =	sdelay $0x3  }
0x2ef: {  	v57 =	vld [tilespmem:s26+$0x18A10]  }
0x2f0: {  	[tilespmem:s26+$0x1A970] =	vst v1  }
0x2f1: {  	v0 =	vld.idx.msk [tilespmem:v56+s5+$0x0], $0xffff;
	_ =	sdelay $0x3  }
0x2f2: {  	v58 =	vld [tilespmem:s26+$0x18A20]  }
0x2f3: {  	[tilespmem:s26+$0x1AA00] =	vst v0  }
0x2f4: {  	v1 =	vld.idx.msk [tilespmem:v57+s5+$0x0], $0xffff;
	_ =	sdelay $0x3  }
0x2f5: {  	v59 =	vld [tilespmem:s26+$0x18A30]  }
0x2f6: {  	[tilespmem:s26+$0x1AA10] =	vst v1  }
0x2f7: {  	v0 =	vld.idx.msk [tilespmem:v58+s5+$0x0], $0xffff;
	_ =	sdelay $0x3  }
0x2f8: {  	v60 =	vld [tilespmem:s26+$0x18A40]  }
0x2f9: {  	[tilespmem:s26+$0x1AA20] =	vst v0  }
0x2fa: {  	v1 =	vld.idx.msk [tilespmem:v59+s5+$0x0], $0xffff;
	_ =	sdelay $0x3  }
0x2fb: {  	v61 =	vld [tilespmem:s26+$0x18A50]  }
0x2fc: {  	[tilespmem:s26+$0x1AA30] =	vst v1  }
0x2fd: {  	v0 =	vld.idx.msk [tilespmem:v60+s5+$0x0], $0xffff;
	_ =	sdelay $0x3  }
0x2fe: {  	v62 =	vld [tilespmem:s26+$0x18A60]  }
0x2ff: {  	[tilespmem:s26+$0x1AA40] =	vst v0  }
0x300: {  	v1 =	vld.idx.msk [tilespmem:v61+s5+$0x0], $0xffff;
	_ =	sdelay $0x3  }
0x301: {  	v63 =	vld [tilespmem:s26+$0x18A70]  }
0x302: {  	[tilespmem:s26+$0x1AA50] =	vst v1  }
0x303: {  	v0 =	vld.idx.msk [tilespmem:v62+s5+$0x0], $0xffff;
	_ =	sdelay $0x4  }
0x304: {  	[tilespmem:s26+$0x1AA60] =	vst v0  }
0x305: {  	v0 =	vld.idx.msk [tilespmem:v63+s5+$0x0], $0xffff;
	_ =	sdelay $0x3  }
0x306: {  	s25 =	simm.s32 $0x1A700;
	s24 =	sadd.s32 s23, s13  }
0x307: {  	s28 =	simm.s32 $0x1A800;
	s29 =	sadd.s32 $0x0, s24;
	[tilespmem:s26+$0x1AA70] =	vst v0;
	s26 =	simm.s32 $0x80  }
.LBB2_21:
0x308: {  	[hbm4b:s29+s5] =	stream.linear.scatter [tilespmem:s25], [sflag:$0x3], $0x80, $0x38;
	[tilespmem:$0x1C700] =	vst v63  }
0x309: {  	s29 =	smov.u32 s26;
	s25 =	smov.u32 s28;
	p0 =	sne.s32 s26, $0xF80  }
.Ltmp9:
0x30a: {  	s26 =	sadd.s32 $0x80, s26;
	(pc) =	sbr.rel @p0 .LBB2_21-.Ltmp9, $2  }
0x30b: {  	_ =	sdelay $0x2  }
0x30c: {  	s28 =	sadd.s32 $0x100, s28;
	s29 =	sadd.s32 s29, s24  }
0x30d: {  	[hbm4b:s29+s5] =	stream.linear.scatter [tilespmem:s25], [sflag:$0x3], $0x80, $0x38;
	[tilespmem:$0x1C700] =	vst v63  }
0x30e: {  	_ =	swait.ge [sflag:s18], $0x1000  }
0x30f: {  	[sflag:s18] =	ssyncset.done $0x0  }
0x310: {  	[sflag:s18] =	ssyncadd.s32 $0xFFFFF000  }
0x311: {  	_ =	swait.ge [sflag:s20], $0x1000  }
0x312: {  	[sflag:s20] =	ssyncset.done $0x0  }
0x313: {  	s24 =	simm.s32 $0x0;
	[sflag:s20] =	ssyncadd.s32 $0xFFFFF000  }
0x314: {  	v0 =	vld [tilespmem:s24+$0x18780];
	_ =	sdelay $0x5  }
0x315: {  	v1 =	vld [tilespmem:s24+$0x18790];
	_ =	sdelay $0x1  }
0x316: {  	v0 =	vld.idx.msk [tilespmem:v0+s5+$0x0], $0xffff;
	_ =	sdelay $0x4  }
0x317: {  	[tilespmem:s24+$0x1A780] =	vst v0;
	v0 =	vld [tilespmem:s24+$0x187A0]  }
0x318: {  	v1 =	vld.idx.msk [tilespmem:v1+s5+$0x0], $0xffff;
	_ =	sdelay $0x4  }
0x319: {  	[tilespmem:s24+$0x1A790] =	vst v1;
	v1 =	vld [tilespmem:s24+$0x187B0];
	_ =	sdelay $0x1  }
0x31a: {  	v0 =	vld.idx.msk [tilespmem:v0+s5+$0x0], $0xffff;
	_ =	sdelay $0x4  }
0x31b: {  	[tilespmem:s24+$0x1A7A0] =	vst v0;
	v0 =	vld [tilespmem:s24+$0x187C0]  }
0x31c: {  	v1 =	vld.idx.msk [tilespmem:v1+s5+$0x0], $0xffff;
	_ =	sdelay $0x4  }
0x31d: {  	[tilespmem:s24+$0x1A7B0] =	vst v1;
	v1 =	vld [tilespmem:s24+$0x187D0];
	_ =	sdelay $0x1  }
0x31e: {  	v0 =	vld.idx.msk [tilespmem:v0+s5+$0x0], $0xffff;
	_ =	sdelay $0x4  }
0x31f: {  	[tilespmem:s24+$0x1A7C0] =	vst v0;
	v0 =	vld [tilespmem:s24+$0x187E0]  }
0x320: {  	v1 =	vld.idx.msk [tilespmem:v1+s5+$0x0], $0xffff;
	_ =	sdelay $0x4  }
0x321: {  	[tilespmem:s24+$0x1A7D0] =	vst v1;
	v1 =	vld [tilespmem:s24+$0x187F0];
	_ =	sdelay $0x1  }
0x322: {  	v0 =	vld.idx.msk [tilespmem:v0+s5+$0x0], $0xffff;
	_ =	sdelay $0x4  }
0x323: {  	[tilespmem:s24+$0x1A7E0] =	vst v0;
	v0 =	vld [tilespmem:s24+$0x18880]  }
0x324: {  	v1 =	vld.idx.msk [tilespmem:v1+s5+$0x0], $0xffff;
	_ =	sdelay $0x4  }
0x325: {  	[tilespmem:s24+$0x1A7F0] =	vst v1;
	v1 =	vld [tilespmem:s24+$0x18890];
	_ =	sdelay $0x1  }
0x326: {  	v0 =	vld.idx.msk [tilespmem:v0+s5+$0x0], $0xffff;
	_ =	sdelay $0x4  }
0x327: {  	[tilespmem:s24+$0x1A880] =	vst v0;
	v0 =	vld [tilespmem:s24+$0x188A0]  }
0x328: {  	v1 =	vld.idx.msk [tilespmem:v1+s5+$0x0], $0xffff;
	_ =	sdelay $0x4  }
0x329: {  	[tilespmem:s24+$0x1A890] =	vst v1;
	v1 =	vld [tilespmem:s24+$0x188B0];
	_ =	sdelay $0x1  }
0x32a: {  	v0 =	vld.idx.msk [tilespmem:v0+s5+$0x0], $0xffff;
	_ =	sdelay $0x4  }
0x32b: {  	[tilespmem:s24+$0x1A8A0] =	vst v0;
	v0 =	vld [tilespmem:s24+$0x188C0]  }
0x32c: {  	v1 =	vld.idx.msk [tilespmem:v1+s5+$0x0], $0xffff;
	_ =	sdelay $0x4  }
0x32d: {  	[tilespmem:s24+$0x1A8B0] =	vst v1;
	v1 =	vld [tilespmem:s24+$0x188D0];
	_ =	sdelay $0x1  }
0x32e: {  	v0 =	vld.idx.msk [tilespmem:v0+s5+$0x0], $0xffff;
	_ =	sdelay $0x4  }
0x32f: {  	[tilespmem:s24+$0x1A8C0] =	vst v0;
	v0 =	vld [tilespmem:s24+$0x188E0]  }
0x330: {  	v1 =	vld.idx.msk [tilespmem:v1+s5+$0x0], $0xffff;
	_ =	sdelay $0x4  }
0x331: {  	[tilespmem:s24+$0x1A8D0] =	vst v1;
	v1 =	vld [tilespmem:s24+$0x188F0];
	_ =	sdelay $0x1  }
0x332: {  	v0 =	vld.idx.msk [tilespmem:v0+s5+$0x0], $0xffff;
	_ =	sdelay $0x4  }
0x333: {  	[tilespmem:s24+$0x1A8E0] =	vst v0;
	v0 =	vld [tilespmem:s24+$0x18980]  }
0x334: {  	v1 =	vld.idx.msk [tilespmem:v1+s5+$0x0], $0xffff;
	_ =	sdelay $0x4  }
0x335: {  	[tilespmem:s24+$0x1A8F0] =	vst v1;
	v1 =	vld [tilespmem:s24+$0x18990];
	_ =	sdelay $0x1  }
0x336: {  	v0 =	vld.idx.msk [tilespmem:v0+s5+$0x0], $0xffff;
	_ =	sdelay $0x4  }
0x337: {  	[tilespmem:s24+$0x1A980] =	vst v0;
	v0 =	vld [tilespmem:s24+$0x189A0]  }
0x338: {  	v1 =	vld.idx.msk [tilespmem:v1+s5+$0x0], $0xffff;
	_ =	sdelay $0x4  }
0x339: {  	[tilespmem:s24+$0x1A990] =	vst v1;
	v1 =	vld [tilespmem:s24+$0x189B0];
	_ =	sdelay $0x1  }
0x33a: {  	v0 =	vld.idx.msk [tilespmem:v0+s5+$0x0], $0xffff;
	_ =	sdelay $0x4  }
0x33b: {  	[tilespmem:s24+$0x1A9A0] =	vst v0;
	v0 =	vld [tilespmem:s24+$0x189C0]  }
0x33c: {  	v1 =	vld.idx.msk [tilespmem:v1+s5+$0x0], $0xffff;
	_ =	sdelay $0x4  }
0x33d: {  	[tilespmem:s24+$0x1A9B0] =	vst v1;
	v1 =	vld [tilespmem:s24+$0x189D0];
	_ =	sdelay $0x1  }
0x33e: {  	v0 =	vld.idx.msk [tilespmem:v0+s5+$0x0], $0xffff;
	_ =	sdelay $0x4  }
0x33f: {  	[tilespmem:s24+$0x1A9C0] =	vst v0;
	v0 =	vld [tilespmem:s24+$0x189E0]  }
0x340: {  	v1 =	vld.idx.msk [tilespmem:v1+s5+$0x0], $0xffff;
	_ =	sdelay $0x4  }
0x341: {  	[tilespmem:s24+$0x1A9D0] =	vst v1;
	v1 =	vld [tilespmem:s24+$0x189F0];
	_ =	sdelay $0x1  }
0x342: {  	v0 =	vld.idx.msk [tilespmem:v0+s5+$0x0], $0xffff;
	_ =	sdelay $0x4  }
0x343: {  	[tilespmem:s24+$0x1A9E0] =	vst v0;
	v0 =	vld [tilespmem:s24+$0x18A80]  }
0x344: {  	v1 =	vld.idx.msk [tilespmem:v1+s5+$0x0], $0xffff;
	_ =	sdelay $0x4  }
0x345: {  	[tilespmem:s24+$0x1A9F0] =	vst v1;
	v1 =	vld [tilespmem:s24+$0x18A90];
	_ =	sdelay $0x1  }
0x346: {  	v0 =	vld.idx.msk [tilespmem:v0+s5+$0x0], $0xffff;
	_ =	sdelay $0x4  }
0x347: {  	[tilespmem:s24+$0x1AA80] =	vst v0;
	v0 =	vld [tilespmem:s24+$0x18AA0]  }
0x348: {  	v1 =	vld.idx.msk [tilespmem:v1+s5+$0x0], $0xffff;
	_ =	sdelay $0x4  }
0x349: {  	[tilespmem:s24+$0x1AA90] =	vst v1;
	v1 =	vld [tilespmem:s24+$0x18AB0];
	_ =	sdelay $0x1  }
0x34a: {  	v0 =	vld.idx.msk [tilespmem:v0+s5+$0x0], $0xffff;
	_ =	sdelay $0x4  }
0x34b: {  	[tilespmem:s24+$0x1AAA0] =	vst v0;
	v0 =	vld [tilespmem:s24+$0x18AC0]  }
0x34c: {  	v1 =	vld.idx.msk [tilespmem:v1+s5+$0x0], $0xffff;
	_ =	sdelay $0x4  }
0x34d: {  	[tilespmem:s24+$0x1AAB0] =	vst v1;
	v1 =	vld [tilespmem:s24+$0x18AD0];
	_ =	sdelay $0x1  }
0x34e: {  	v0 =	vld.idx.msk [tilespmem:v0+s5+$0x0], $0xffff;
	_ =	sdelay $0x4  }
0x34f: {  	v2 =	vld [tilespmem:s24+$0x18AE0];
	[tilespmem:s24+$0x1AAC0] =	vst v0  }
0x350: {  	v0 =	vld.idx.msk [tilespmem:v1+s5+$0x0], $0xffff;
	_ =	sdelay $0x4  }
0x351: {  	[tilespmem:s24+$0x1AAD0] =	vst v0;
	v0 =	vld [tilespmem:s24+$0x18AF0];
	_ =	sdelay $0x1  }
0x352: {  	v1 =	vld.idx.msk [tilespmem:v2+s5+$0x0], $0xffff;
	_ =	sdelay $0x3  }
0x353: {  	s26 =	simm.s32 $0x400;
	s25 =	simm.s32 $0x2000  }
.LBB2_23:
0x354: {  	p0 =	sne.s32 s25, $0x7000;
	v2 =	vld [tilespmem:s26+$0x18780];
	[tilespmem:s24+$0x1AAE0] =	vst v1  }
0x355: {  	v0 =	vld.idx.msk [tilespmem:v0+s5+$0x0], $0xffff;
	_ =	sdelay $0x5  }
0x356: {  	v1 =	vld [tilespmem:s26+$0x18790];
	[tilespmem:s24+$0x1AAF0] =	vst v0;
	s24 =	smov.u32 s26  }
0x357: {  	v0 =	vld.idx.msk [tilespmem:v2+s5+$0x0], $0xffff;
	_ =	sdelay $0x5  }
0x358: {  	[tilespmem:s24+$0x1A780] =	vst v0;
	v0 =	vld [tilespmem:s24+$0x187A0]  }
0x359: {  	v1 =	vld.idx.msk [tilespmem:v1+s5+$0x0], $0xffff;
	_ =	sdelay $0x5  }
0x35a: {  	[tilespmem:s24+$0x1A790] =	vst v1;
	v1 =	vld [tilespmem:s24+$0x187B0]  }
0x35b: {  	v0 =	vld.idx.msk [tilespmem:v0+s5+$0x0], $0xffff;
	_ =	sdelay $0x5  }
0x35c: {  	[tilespmem:s24+$0x1A7A0] =	vst v0;
	v0 =	vld [tilespmem:s24+$0x187C0]  }
0x35d: {  	v1 =	vld.idx.msk [tilespmem:v1+s5+$0x0], $0xffff;
	_ =	sdelay $0x5  }
0x35e: {  	[tilespmem:s24+$0x1A7B0] =	vst v1;
	v1 =	vld [tilespmem:s24+$0x187D0]  }
0x35f: {  	v0 =	vld.idx.msk [tilespmem:v0+s5+$0x0], $0xffff;
	_ =	sdelay $0x5  }
0x360: {  	[tilespmem:s24+$0x1A7C0] =	vst v0;
	v0 =	vld [tilespmem:s24+$0x187E0]  }
0x361: {  	v1 =	vld.idx.msk [tilespmem:v1+s5+$0x0], $0xffff;
	_ =	sdelay $0x5  }
0x362: {  	[tilespmem:s24+$0x1A7D0] =	vst v1;
	v1 =	vld [tilespmem:s24+$0x187F0]  }
0x363: {  	v0 =	vld.idx.msk [tilespmem:v0+s5+$0x0], $0xffff;
	_ =	sdelay $0x5  }
0x364: {  	[tilespmem:s24+$0x1A7E0] =	vst v0;
	v0 =	vld [tilespmem:s24+$0x18880]  }
0x365: {  	v1 =	vld.idx.msk [tilespmem:v1+s5+$0x0], $0xffff;
	_ =	sdelay $0x5  }
0x366: {  	[tilespmem:s24+$0x1A7F0] =	vst v1;
	v1 =	vld [tilespmem:s24+$0x18890]  }
0x367: {  	v0 =	vld.idx.msk [tilespmem:v0+s5+$0x0], $0xffff;
	_ =	sdelay $0x5  }
0x368: {  	[tilespmem:s24+$0x1A880] =	vst v0;
	v0 =	vld [tilespmem:s24+$0x188A0]  }
0x369: {  	v1 =	vld.idx.msk [tilespmem:v1+s5+$0x0], $0xffff;
	_ =	sdelay $0x5  }
0x36a: {  	[tilespmem:s24+$0x1A890] =	vst v1;
	v1 =	vld [tilespmem:s24+$0x188B0]  }
0x36b: {  	v0 =	vld.idx.msk [tilespmem:v0+s5+$0x0], $0xffff;
	_ =	sdelay $0x5  }
0x36c: {  	[tilespmem:s24+$0x1A8A0] =	vst v0;
	v0 =	vld [tilespmem:s24+$0x188C0]  }
0x36d: {  	v1 =	vld.idx.msk [tilespmem:v1+s5+$0x0], $0xffff;
	_ =	sdelay $0x5  }
0x36e: {  	[tilespmem:s24+$0x1A8B0] =	vst v1;
	v1 =	vld [tilespmem:s24+$0x188D0]  }
0x36f: {  	v0 =	vld.idx.msk [tilespmem:v0+s5+$0x0], $0xffff;
	_ =	sdelay $0x5  }
0x370: {  	[tilespmem:s24+$0x1A8C0] =	vst v0;
	v0 =	vld [tilespmem:s24+$0x188E0]  }
0x371: {  	v1 =	vld.idx.msk [tilespmem:v1+s5+$0x0], $0xffff;
	_ =	sdelay $0x5  }
0x372: {  	[tilespmem:s24+$0x1A8D0] =	vst v1;
	v1 =	vld [tilespmem:s24+$0x188F0]  }
0x373: {  	v0 =	vld.idx.msk [tilespmem:v0+s5+$0x0], $0xffff;
	_ =	sdelay $0x5  }
0x374: {  	[tilespmem:s24+$0x1A8E0] =	vst v0;
	v0 =	vld [tilespmem:s24+$0x18980]  }
0x375: {  	v1 =	vld.idx.msk [tilespmem:v1+s5+$0x0], $0xffff;
	_ =	sdelay $0x5  }
0x376: {  	[tilespmem:s24+$0x1A8F0] =	vst v1;
	v1 =	vld [tilespmem:s24+$0x18990]  }
0x377: {  	v0 =	vld.idx.msk [tilespmem:v0+s5+$0x0], $0xffff;
	_ =	sdelay $0x5  }
0x378: {  	[tilespmem:s24+$0x1A980] =	vst v0;
	v0 =	vld [tilespmem:s24+$0x189A0]  }
0x379: {  	v1 =	vld.idx.msk [tilespmem:v1+s5+$0x0], $0xffff;
	_ =	sdelay $0x5  }
0x37a: {  	[tilespmem:s24+$0x1A990] =	vst v1;
	v1 =	vld [tilespmem:s24+$0x189B0]  }
0x37b: {  	v0 =	vld.idx.msk [tilespmem:v0+s5+$0x0], $0xffff;
	_ =	sdelay $0x5  }
0x37c: {  	[tilespmem:s24+$0x1A9A0] =	vst v0;
	v0 =	vld [tilespmem:s24+$0x189C0]  }
0x37d: {  	v1 =	vld.idx.msk [tilespmem:v1+s5+$0x0], $0xffff;
	_ =	sdelay $0x5  }
0x37e: {  	[tilespmem:s24+$0x1A9B0] =	vst v1;
	v1 =	vld [tilespmem:s24+$0x189D0]  }
0x37f: {  	v0 =	vld.idx.msk [tilespmem:v0+s5+$0x0], $0xffff;
	_ =	sdelay $0x5  }
0x380: {  	[tilespmem:s24+$0x1A9C0] =	vst v0;
	v0 =	vld [tilespmem:s24+$0x189E0]  }
0x381: {  	v1 =	vld.idx.msk [tilespmem:v1+s5+$0x0], $0xffff;
	_ =	sdelay $0x5  }
0x382: {  	[tilespmem:s24+$0x1A9D0] =	vst v1;
	v1 =	vld [tilespmem:s24+$0x189F0]  }
0x383: {  	v0 =	vld.idx.msk [tilespmem:v0+s5+$0x0], $0xffff;
	_ =	sdelay $0x5  }
0x384: {  	[tilespmem:s24+$0x1A9E0] =	vst v0;
	v0 =	vld [tilespmem:s24+$0x18A80]  }
0x385: {  	v1 =	vld.idx.msk [tilespmem:v1+s5+$0x0], $0xffff;
	_ =	sdelay $0x5  }
0x386: {  	[tilespmem:s24+$0x1A9F0] =	vst v1;
	v1 =	vld [tilespmem:s24+$0x18A90]  }
0x387: {  	v0 =	vld.idx.msk [tilespmem:v0+s5+$0x0], $0xffff;
	_ =	sdelay $0x5  }
0x388: {  	[tilespmem:s24+$0x1AA80] =	vst v0;
	v0 =	vld [tilespmem:s24+$0x18AA0]  }
0x389: {  	v1 =	vld.idx.msk [tilespmem:v1+s5+$0x0], $0xffff;
	_ =	sdelay $0x5  }
0x38a: {  	[tilespmem:s24+$0x1AA90] =	vst v1;
	v1 =	vld [tilespmem:s24+$0x18AB0]  }
0x38b: {  	v0 =	vld.idx.msk [tilespmem:v0+s5+$0x0], $0xffff;
	_ =	sdelay $0x5  }
0x38c: {  	[tilespmem:s24+$0x1AAA0] =	vst v0;
	v0 =	vld [tilespmem:s24+$0x18AC0]  }
0x38d: {  	v1 =	vld.idx.msk [tilespmem:v1+s5+$0x0], $0xffff;
	_ =	sdelay $0x5  }
0x38e: {  	[tilespmem:s24+$0x1AAB0] =	vst v1;
	v1 =	vld [tilespmem:s24+$0x18AD0]  }
0x38f: {  	v0 =	vld.idx.msk [tilespmem:v0+s5+$0x0], $0xffff;
	_ =	sdelay $0x5  }
0x390: {  	[tilespmem:s24+$0x1AAC0] =	vst v0;
	v2 =	vld [tilespmem:s24+$0x18AE0]  }
0x391: {  	v0 =	vld.idx.msk [tilespmem:v1+s5+$0x0], $0xffff;
	_ =	sdelay $0x5  }
0x392: {  	[tilespmem:s24+$0x1AAD0] =	vst v0;
	v0 =	vld [tilespmem:s24+$0x18AF0]  }
0x393: {  	v1 =	vld.idx.msk [tilespmem:v2+s5+$0x0], $0xffff  }
.Ltmp10:
0x394: {  	(pc) =	sbr.rel @p0 .LBB2_23-.Ltmp10, $2  }
0x395: {  	_ =	sdelay $0x2  }
0x396: {  	s26 =	sshra.s32 s25, $0x2;
	s25 =	sadd.s32 $0x1000, s25  }
0x397: {  	_ =	sdelay $0x1  }
0x398: {  	v2 =	vld [tilespmem:s26+$0x18780]  }
0x399: {  	[tilespmem:s24+$0x1AAE0] =	vst v1  }
0x39a: {  	v0 =	vld.idx.msk [tilespmem:v0+s5+$0x0], $0xffff;
	_ =	sdelay $0x3  }
0x39b: {  	v1 =	vld [tilespmem:s26+$0x18790]  }
0x39c: {  	[tilespmem:s24+$0x1AAF0] =	vst v0  }
0x39d: {  	v0 =	vld.idx.msk [tilespmem:v2+s5+$0x0], $0xffff;
	_ =	sdelay $0x3  }
0x39e: {  	v34 =	vld [tilespmem:s26+$0x187A0]  }
0x39f: {  	[tilespmem:s26+$0x1A780] =	vst v0  }
0x3a0: {  	v1 =	vld.idx.msk [tilespmem:v1+s5+$0x0], $0xffff;
	_ =	sdelay $0x3  }
0x3a1: {  	v35 =	vld [tilespmem:s26+$0x187B0]  }
0x3a2: {  	[tilespmem:s26+$0x1A790] =	vst v1  }
0x3a3: {  	v0 =	vld.idx.msk [tilespmem:v34+s5+$0x0], $0xffff;
	_ =	sdelay $0x3  }
0x3a4: {  	v36 =	vld [tilespmem:s26+$0x187C0]  }
0x3a5: {  	[tilespmem:s26+$0x1A7A0] =	vst v0  }
0x3a6: {  	v1 =	vld.idx.msk [tilespmem:v35+s5+$0x0], $0xffff;
	_ =	sdelay $0x3  }
0x3a7: {  	v37 =	vld [tilespmem:s26+$0x187D0]  }
0x3a8: {  	[tilespmem:s26+$0x1A7B0] =	vst v1  }
0x3a9: {  	v0 =	vld.idx.msk [tilespmem:v36+s5+$0x0], $0xffff;
	_ =	sdelay $0x3  }
0x3aa: {  	v38 =	vld [tilespmem:s26+$0x187E0]  }
0x3ab: {  	[tilespmem:s26+$0x1A7C0] =	vst v0  }
0x3ac: {  	v1 =	vld.idx.msk [tilespmem:v37+s5+$0x0], $0xffff;
	_ =	sdelay $0x3  }
0x3ad: {  	v39 =	vld [tilespmem:s26+$0x187F0]  }
0x3ae: {  	[tilespmem:s26+$0x1A7D0] =	vst v1  }
0x3af: {  	v0 =	vld.idx.msk [tilespmem:v38+s5+$0x0], $0xffff;
	_ =	sdelay $0x3  }
0x3b0: {  	v40 =	vld [tilespmem:s26+$0x18880]  }
0x3b1: {  	[tilespmem:s26+$0x1A7E0] =	vst v0  }
0x3b2: {  	v1 =	vld.idx.msk [tilespmem:v39+s5+$0x0], $0xffff;
	_ =	sdelay $0x3  }
0x3b3: {  	v41 =	vld [tilespmem:s26+$0x18890]  }
0x3b4: {  	[tilespmem:s26+$0x1A7F0] =	vst v1  }
0x3b5: {  	v0 =	vld.idx.msk [tilespmem:v40+s5+$0x0], $0xffff;
	_ =	sdelay $0x3  }
0x3b6: {  	v42 =	vld [tilespmem:s26+$0x188A0]  }
0x3b7: {  	[tilespmem:s26+$0x1A880] =	vst v0  }
0x3b8: {  	v1 =	vld.idx.msk [tilespmem:v41+s5+$0x0], $0xffff;
	_ =	sdelay $0x3  }
0x3b9: {  	v43 =	vld [tilespmem:s26+$0x188B0]  }
0x3ba: {  	[tilespmem:s26+$0x1A890] =	vst v1  }
0x3bb: {  	v0 =	vld.idx.msk [tilespmem:v42+s5+$0x0], $0xffff;
	_ =	sdelay $0x3  }
0x3bc: {  	v44 =	vld [tilespmem:s26+$0x188C0]  }
0x3bd: {  	[tilespmem:s26+$0x1A8A0] =	vst v0  }
0x3be: {  	v1 =	vld.idx.msk [tilespmem:v43+s5+$0x0], $0xffff;
	_ =	sdelay $0x3  }
0x3bf: {  	v45 =	vld [tilespmem:s26+$0x188D0]  }
0x3c0: {  	[tilespmem:s26+$0x1A8B0] =	vst v1  }
0x3c1: {  	v0 =	vld.idx.msk [tilespmem:v44+s5+$0x0], $0xffff;
	_ =	sdelay $0x3  }
0x3c2: {  	v46 =	vld [tilespmem:s26+$0x188E0]  }
0x3c3: {  	[tilespmem:s26+$0x1A8C0] =	vst v0  }
0x3c4: {  	v1 =	vld.idx.msk [tilespmem:v45+s5+$0x0], $0xffff;
	_ =	sdelay $0x3  }
0x3c5: {  	v47 =	vld [tilespmem:s26+$0x188F0]  }
0x3c6: {  	[tilespmem:s26+$0x1A8D0] =	vst v1  }
0x3c7: {  	v0 =	vld.idx.msk [tilespmem:v46+s5+$0x0], $0xffff;
	_ =	sdelay $0x3  }
0x3c8: {  	v48 =	vld [tilespmem:s26+$0x18980]  }
0x3c9: {  	[tilespmem:s26+$0x1A8E0] =	vst v0  }
0x3ca: {  	v1 =	vld.idx.msk [tilespmem:v47+s5+$0x0], $0xffff;
	_ =	sdelay $0x3  }
0x3cb: {  	v49 =	vld [tilespmem:s26+$0x18990]  }
0x3cc: {  	[tilespmem:s26+$0x1A8F0] =	vst v1  }
0x3cd: {  	v0 =	vld.idx.msk [tilespmem:v48+s5+$0x0], $0xffff;
	_ =	sdelay $0x3  }
0x3ce: {  	v50 =	vld [tilespmem:s26+$0x189A0]  }
0x3cf: {  	[tilespmem:s26+$0x1A980] =	vst v0  }
0x3d0: {  	v1 =	vld.idx.msk [tilespmem:v49+s5+$0x0], $0xffff;
	_ =	sdelay $0x3  }
0x3d1: {  	v51 =	vld [tilespmem:s26+$0x189B0]  }
0x3d2: {  	[tilespmem:s26+$0x1A990] =	vst v1  }
0x3d3: {  	v0 =	vld.idx.msk [tilespmem:v50+s5+$0x0], $0xffff;
	_ =	sdelay $0x3  }
0x3d4: {  	v52 =	vld [tilespmem:s26+$0x189C0]  }
0x3d5: {  	[tilespmem:s26+$0x1A9A0] =	vst v0  }
0x3d6: {  	v1 =	vld.idx.msk [tilespmem:v51+s5+$0x0], $0xffff;
	_ =	sdelay $0x3  }
0x3d7: {  	v53 =	vld [tilespmem:s26+$0x189D0]  }
0x3d8: {  	[tilespmem:s26+$0x1A9B0] =	vst v1  }
0x3d9: {  	v0 =	vld.idx.msk [tilespmem:v52+s5+$0x0], $0xffff;
	_ =	sdelay $0x3  }
0x3da: {  	v54 =	vld [tilespmem:s26+$0x189E0]  }
0x3db: {  	[tilespmem:s26+$0x1A9C0] =	vst v0  }
0x3dc: {  	v1 =	vld.idx.msk [tilespmem:v53+s5+$0x0], $0xffff;
	_ =	sdelay $0x3  }
0x3dd: {  	v55 =	vld [tilespmem:s26+$0x189F0]  }
0x3de: {  	[tilespmem:s26+$0x1A9D0] =	vst v1  }
0x3df: {  	v0 =	vld.idx.msk [tilespmem:v54+s5+$0x0], $0xffff;
	_ =	sdelay $0x3  }
0x3e0: {  	v56 =	vld [tilespmem:s26+$0x18A80]  }
0x3e1: {  	[tilespmem:s26+$0x1A9E0] =	vst v0  }
0x3e2: {  	v1 =	vld.idx.msk [tilespmem:v55+s5+$0x0], $0xffff;
	_ =	sdelay $0x3  }
0x3e3: {  	v57 =	vld [tilespmem:s26+$0x18A90]  }
0x3e4: {  	[tilespmem:s26+$0x1A9F0] =	vst v1  }
0x3e5: {  	v0 =	vld.idx.msk [tilespmem:v56+s5+$0x0], $0xffff;
	_ =	sdelay $0x3  }
0x3e6: {  	v58 =	vld [tilespmem:s26+$0x18AA0]  }
0x3e7: {  	[tilespmem:s26+$0x1AA80] =	vst v0  }
0x3e8: {  	v1 =	vld.idx.msk [tilespmem:v57+s5+$0x0], $0xffff;
	_ =	sdelay $0x3  }
0x3e9: {  	v59 =	vld [tilespmem:s26+$0x18AB0]  }
0x3ea: {  	[tilespmem:s26+$0x1AA90] =	vst v1  }
0x3eb: {  	v0 =	vld.idx.msk [tilespmem:v58+s5+$0x0], $0xffff;
	_ =	sdelay $0x3  }
0x3ec: {  	v60 =	vld [tilespmem:s26+$0x18AC0]  }
0x3ed: {  	[tilespmem:s26+$0x1AAA0] =	vst v0  }
0x3ee: {  	v1 =	vld.idx.msk [tilespmem:v59+s5+$0x0], $0xffff;
	_ =	sdelay $0x3  }
0x3ef: {  	v61 =	vld [tilespmem:s26+$0x18AD0]  }
0x3f0: {  	[tilespmem:s26+$0x1AAB0] =	vst v1  }
0x3f1: {  	v0 =	vld.idx.msk [tilespmem:v60+s5+$0x0], $0xffff;
	_ =	sdelay $0x3  }
0x3f2: {  	v62 =	vld [tilespmem:s26+$0x18AE0]  }
0x3f3: {  	[tilespmem:s26+$0x1AAC0] =	vst v0  }
0x3f4: {  	v1 =	vld.idx.msk [tilespmem:v61+s5+$0x0], $0xffff;
	_ =	sdelay $0x3  }
0x3f5: {  	v63 =	vld [tilespmem:s26+$0x18AF0]  }
0x3f6: {  	[tilespmem:s26+$0x1AAD0] =	vst v1  }
0x3f7: {  	v0 =	vld.idx.msk [tilespmem:v62+s5+$0x0], $0xffff;
	_ =	sdelay $0x4  }
0x3f8: {  	[tilespmem:s26+$0x1AAE0] =	vst v0  }
0x3f9: {  	v0 =	vld.idx.msk [tilespmem:v63+s5+$0x0], $0xffff;
	_ =	sdelay $0x3  }
0x3fa: {  	s23 =	sadd.s32 s23, s14;
	s25 =	simm.s32 $0x80  }
0x3fb: {  	s28 =	sadd.s32 $0x0, s23;
	s24 =	simm.s32 $0x1A780;
	[tilespmem:s26+$0x1AAF0] =	vst v0;
	s26 =	simm.s32 $0x1A880  }
.LBB2_25:
0x3fc: {  	[hbm4b:s28+s5] =	stream.linear.scatter [tilespmem:s24], [sflag:$0x3], $0x80, $0x38;
	[tilespmem:$0x1C700] =	vst v63  }
0x3fd: {  	s28 =	smov.u32 s25;
	s24 =	smov.u32 s26;
	p0 =	sne.s32 s25, $0xF80  }
.Ltmp11:
0x3fe: {  	s25 =	sadd.s32 $0x80, s25;
	(pc) =	sbr.rel @p0 .LBB2_25-.Ltmp11, $2  }
0x3ff: {  	_ =	sdelay $0x2  }
0x400: {  	s26 =	sadd.s32 $0x100, s26;
	s28 =	sadd.s32 s28, s23  }
0x401: {  	[hbm4b:s28+s5] =	stream.linear.scatter [tilespmem:s24], [sflag:$0x3], $0x80, $0x38;
	[tilespmem:$0x1C700] =	vst v63  }
0x402: {  	s22 =	sadd.s32 $0x1, s22  }
0x403: {  	_ =	swait.ge [sflag:s20], $0x1000;
	p0 =	sne.s32 s22, $0x1A  }
.Ltmp12:
0x404: {  	[sflag:s20] =	ssyncset.done $0x0;
	(pc) =	sbr.rel @p0 .LBB2_2-.Ltmp12, $4  }
0x405: {  	[sflag:s20] =	ssyncadd.s32 $0xFFFFF000  }
0x406: {  	_ =	swait.ge [sflag:s20], $0x1000  }
0x407: {  	[sflag:s20] =	ssyncset.done $0x0  }
0x408: {  	[sflag:s20] =	ssyncadd.s32 $0xFFFFF000  }
0x409: {  	s21 =	sadd.s32 $0x1, s21  }
0x40a: {  	p0 =	sne.s32 s21, s15  }
.Ltmp13:
0x40b: {  	_ = 	snop;
	(pc) =	sbr.rel @p0 .LBB2_1-.Ltmp13, $1  }
0x40c: {  	_ =	sdelay $0x3  }
0x40d: {  	_ =	sfence.sel $0x180000  }
0x40e: {  	[bflag:$0x0] =	sbarrier.arrive $0xFFFF  }
0x40f: {  	p0 =	sne.s32 s4, $0x0;
	_ =	strace $0x90000047  }
0x410: {  	s0 =	sadd.s32 @!p0 $0x100000, s0;
	[bflag:$0x2] =	sbarrier.arrive $0xFFFF  }
0x411: {  	[sflag:s0] =	ssyncadd.tile.s32 @!p0 $0x1;
	_ =	shalt  }
.Lfunc_end2:
_tile_overlayer_lowered:
.L_overlay_start_2:
0x412: {  	(tag) =	ssettag $0x2  }
0x413: {  	s0 =	rddreg [dreg:$0x0];
	s2 =	stileid.u32  }
0x414: {  	s1 =	rddreg [dreg:$0x1];
	p0 =	sne.s32 s2, $0x0  }
0x415: {  	s3 =	rddreg [dreg:$0x2];
	[bflag:$0x3] =	sbarrier.arrive $0xFFFF;
	s2 =	simm.s32 @!p0 $0x1C04  }
0x416: {  	[timem:s3], [sflag:s2] =	dma.local @!p0 [hbm:s0], s1  }
0x417: {  	s0 =	simm.s32 @!p0 $0x4  }
0x418: {  	_ =	swait.ge @!p0 [sflag:s0], s1  }
0x419: {  	s1 =	ssub.s32 @!p0 $0x0, s1;
	[sflag:s0] =	ssyncset.done @!p0 $0x0  }
0x41a: {  	[sflag:s0] =	ssyncadd.s32 @!p0 s1  }
0x41b: {  	[bflag:$0x3] =	sbarrier.arrive $0xFFFF  }
0x41c: {  	_ =	shalt  }

</sc_bundles>
